<compile_context>
chip_gen: v7x
topology: tpu7x:2x2x1
jax: 0.10.2.dev20260603
libtpu: 0.0.44.dev20260713+nightly
codegen_flags: <defaults>
</compile_context>

<pallas_src>
import functools

import jax
import jax.numpy as jnp
from jax import lax
from jax.experimental import pallas as pl
from jax.experimental.pallas import tpu as pltpu
from jax.experimental.pallas import tpu_sc as plsc

N = 16384
D = 64
MAX_DEPTH = 50
DROWS = MAX_DEPTH + 1
L = 16
NC, NS = 2, 16
NW = NC * NS
BPW = N // NW
CH = 128
NCH = BPW // CH
GPC = CH // L
NGRP = BPW // L

_mesh = plsc.VectorSubcoreMesh(core_axis_name="c", subcore_axis_name="s")
_params = pltpu.CompilerParams(use_tc_tiling_on_sc=False)


@functools.partial(
    pl.kernel,
    mesh=_mesh,
    compiler_params=_params,
    out_type=jax.ShapeDtypeStruct((N, D), jnp.float32),
    scratch_types=[
        pltpu.VMEM((NCH, CH), jnp.int32),
        pltpu.VMEM((NCH, CH), jnp.int32),
        pltpu.VMEM((DROWS, D), jnp.float32),
        pltpu.VMEM((BPW, D), jnp.float32),
        pltpu.SemaphoreType.DMA,
        pltpu.SemaphoreType.DMA,
    ],
)
def _encode_type(xn_hbm, depth_hbm, ttab, dtab, out_hbm,
                 idx_t, idx_d, dtab_v, rows_t, sem0, sem1):
    wid = lax.axis_index("s") * NC + lax.axis_index("c")
    base = wid * BPW

    idx_copies = []
    for j in range(NCH):
        toff = (wid * NCH + j) * (2 * CH)
        idx_copies.append(pltpu.async_copy(xn_hbm.at[pl.ds(toff, CH)],
                                           idx_t.at[j], sem0))
        idx_copies.append(pltpu.async_copy(depth_hbm.at[pl.ds(base + j * CH, CH)],
                                           idx_d.at[j], sem0))
    pltpu.sync_copy(dtab, dtab_v)
    for c in idx_copies:
        c.wait()

    for j in range(NCH):
        for i in range(GPC):
            s = pl.ds(i * L, L)
            idx_d[j, s] = jnp.minimum(idx_d[j, s], MAX_DEPTH)

    copies = []
    for j in range(NCH):
        copies.append(pltpu.async_copy(ttab.at[idx_t.at[j]],
                                       rows_t.at[pl.ds(j * CH, CH)], sem1))
    for c in copies:
        c.wait()

    @pl.loop(0, NGRP)
    def _acc(g):
        dvec = idx_d[g // GPC, pl.ds((g % GPC) * L, L)]
        for l in range(L):
            d = dvec[l]
            row = g * L + l
            for c in range(D // L):
                s = pl.ds(c * L, L)
                rows_t[row, s] = rows_t[row, s] + dtab_v[d, s]

    pltpu.sync_copy(rows_t, out_hbm.at[pl.ds(base, BPW)])


@functools.partial(
    pl.kernel,
    mesh=_mesh,
    compiler_params=_params,
    out_type=jax.ShapeDtypeStruct((N, D), jnp.float32),
    scratch_types=[
        pltpu.VMEM((NCH, CH), jnp.int32),
        pltpu.VMEM((BPW, D), jnp.float32),
        pltpu.VMEM((BPW, D), jnp.float32),
        pltpu.SemaphoreType.DMA,
        pltpu.SemaphoreType.DMA,
    ],
)
def _encode_attr(xn_hbm, part_hbm, atab, out_hbm,
                 idx_a, acc, rows_a, sem0, sem1):
    wid = lax.axis_index("s") * NC + lax.axis_index("c")
    base = wid * BPW

    icopies = []
    for j in range(NCH):
        aoff = (wid * NCH + j) * (2 * CH) + CH
        icopies.append(pltpu.async_copy(xn_hbm.at[pl.ds(aoff, CH)],
                                        idx_a.at[j], sem0))
    pc = pltpu.async_copy(part_hbm.at[pl.ds(base, BPW)], acc, sem0)
    for c in icopies:
        c.wait()
    copies = []
    for j in range(NCH):
        copies.append(pltpu.async_copy(atab.at[idx_a.at[j]],
                                       rows_a.at[pl.ds(j * CH, CH)], sem1))
    pc.wait()
    for c in copies:
        c.wait()

    @pl.loop(0, BPW)
    def _acc_loop(g):
        for c in range(D // L):
            s = pl.ds(c * L, L)
            acc[g, s] = acc[g, s] + rows_a[g, s]

    pltpu.sync_copy(acc, out_hbm.at[pl.ds(base, BPW)])


def kernel(x, depth, type_table, attr_table, depth_table):
    xn = x.astype(jnp.int32).reshape(N // CH, CH, 2).transpose(0, 2, 1).reshape(-1)
    part = _encode_type(xn, depth.astype(jnp.int32), type_table, depth_table)
    return _encode_attr(xn, part, attr_table)

# --- scband reference (transcript-rebuilt; emitter-appended) ---
"""Pipeline reference for scband-astnode-encoder-19602230739543 (READ-ONLY COPY).

The authoritative reference and input builder live on the scoring server;
editing this copy changes nothing except your own understanding.
"""

import jax, jax.numpy as jnp
import numpy as np

EMB_DIM = 64
NUM_NODE_TYPES = 100000
NUM_NODE_ATTR = 100000
MAX_DEPTH = 50
N = 16384

def setup_inputs(seed: int = 0) -> dict:
    key = jax.random.key(seed)
    k1, k2, k3, k4, k5 = jax.random.split(key, 5)
    x = jax.random.randint(k1, (N, 2), 0, NUM_NODE_TYPES, dtype=jnp.int64 if jax.config.jax_enable_x64 else jnp.int32)
    depth = jax.random.randint(k2, (N,), 0, 100, dtype=jnp.int64 if jax.config.jax_enable_x64 else jnp.int32)
    type_table = jax.random.normal(k3, (NUM_NODE_TYPES, EMB_DIM), dtype=jnp.float32)
    attr_table = jax.random.normal(k4, (NUM_NODE_ATTR, EMB_DIM), dtype=jnp.float32)
    depth_table = jax.random.normal(k5, (MAX_DEPTH + 1, EMB_DIM), dtype=jnp.float32)
    return {"x": x, "depth": depth, "type_table": type_table, "attr_table": attr_table, "depth_table": depth_table}

def reference(x, depth, type_table, attr_table, depth_table):
    # depth = torch.where(depth > max_depth, max_depth, depth)
    depth_clamped = jnp.where(depth > MAX_DEPTH, MAX_DEPTH, depth)
    type_emb = jnp.take(type_table, x[:, 0], axis=0)
    attr_emb = jnp.take(attr_table, x[:, 1], axis=0)
    depth_emb = jnp.take(depth_table, depth_clamped, axis=0)
    return type_emb + attr_emb + depth_emb

if __name__ == "__main__":
    import jax
    _d = setup_inputs()
    print(jax.jit(kernel)(*tuple(_d.values())))

</pallas_src>

<mosaic_0001>
#map = affine_map<(d0, d1) -> (0)>
#map1 = affine_map<(d0, d1) -> (0, 0)>
module attributes {stable_mosaic.version = 14 : i64} {
  func.func @_encode_type(%arg0: i32, %arg1: i32, %arg2: memref<32768xi32, #tpu.memory_space<hbm>>, %arg3: memref<16384xi32, #tpu.memory_space<hbm>>, %arg4: memref<100000x64xf32, #tpu.memory_space<hbm>>, %arg5: memref<51x64xf32, #tpu.memory_space<hbm>>, %arg6: memref<16384x64xf32, #tpu.memory_space<hbm>>, %arg7: memref<4x128xi32, #tpu.memory_space<vmem>>, %arg8: memref<4x128xi32, #tpu.memory_space<vmem>>, %arg9: memref<51x64xf32, #tpu.memory_space<vmem>>, %arg10: memref<512x64xf32, #tpu.memory_space<vmem>>, %arg11: memref<!tpu.dma_semaphore, #tpu.memory_space<semaphore_mem>>, %arg12: memref<!tpu.dma_semaphore, #tpu.memory_space<semaphore_mem>>) attributes {dimension_semantics = [#tpu.dimension_semantics<core_parallel>, #tpu.dimension_semantics<subcore_parallel>], iteration_bounds = array<i64: 2, 16>, scalar_prefetch = 0 : i64, scratch_operands = 6 : i64, tpu.core_type = #tpu.core_type<sc_vector_subcore>, window_params = [{transform_indices = #map}, {transform_indices = #map}, {transform_indices = #map1}, {transform_indices = #map1}, {transform_indices = #map1}]} {
    %mul3A = arith.constant 2 : i32
    %mul3A_0 = arith.muli %arg1, %mul3A : i32
    %add3A = arith.addi %mul3A_0, %arg0 : i32
    %mul3A_1 = arith.constant 512 : i32
    %mul3A_2 = arith.muli %add3A, %mul3A_1 : i32
    %mul3A_3 = arith.constant 4 : i32
    %mul3A_4 = arith.muli %add3A, %mul3A_3 : i32
    %add3A_5 = arith.constant 0 : i32
    %add3A_6 = arith.addi %mul3A_4, %add3A_5 : i32
    %mul3A_7 = arith.constant 256 : i32
    %mul3A_8 = arith.muli %add3A_6, %mul3A_7 : i32
    %dma_start3A = arith.constant 0 : i32
    %dma_start3A_9 = arith.constant 0 : i32
    %dma_start3A_10 = tpu.memref_slice %arg7[%dma_start3A, %dma_start3A_9] : memref<4x128xi32, #tpu.memory_space<vmem>> -> memref<1x128xi32, #tpu.memory_space<vmem>>
    %dma_start3A_11 = tpu.memref_squeeze %dma_start3A_10 : memref<1x128xi32, #tpu.memory_space<vmem>> -> memref<128xi32, #tpu.memory_space<vmem>>
    %dma_start3A_12 = tpu.memref_slice %arg2[%mul3A_8] : memref<32768xi32, #tpu.memory_space<hbm>> -> memref<128xi32, #tpu.memory_space<hbm>>
    %dma_start3A_13 = arith.constant 0 : i32
    %dma_start3A_14 = tpu.memref_slice %arg7[%dma_start3A, %dma_start3A_13] : memref<4x128xi32, #tpu.memory_space<vmem>> -> memref<1x128xi32, #tpu.memory_space<vmem>>
    %dma_start3A_15 = tpu.memref_squeeze %dma_start3A_14 : memref<1x128xi32, #tpu.memory_space<vmem>> -> memref<128xi32, #tpu.memory_space<vmem>>
    %dma_start3A_16 = tpu.memref_slice %arg2[%mul3A_8] : memref<32768xi32, #tpu.memory_space<hbm>> -> memref<128xi32, #tpu.memory_space<hbm>>
    tpu.enqueue_dma source(%dma_start3A_16 : memref<128xi32, #tpu.memory_space<hbm>>) target(%dma_start3A_15 : memref<128xi32, #tpu.memory_space<vmem>>) target_semaphore(%arg11 : memref<!tpu.dma_semaphore, #tpu.memory_space<semaphore_mem>>)
    %add3A_17 = arith.constant 0 : i32
    %add3A_18 = arith.addi %mul3A_2, %add3A_17 : i32
    %dma_start3A_19 = arith.constant 0 : i32
    %dma_start3A_20 = arith.constant 0 : i32
    %dma_start3A_21 = tpu.memref_slice %arg8[%dma_start3A_19, %dma_start3A_20] : memref<4x128xi32, #tpu.memory_space<vmem>> -> memref<1x128xi32, #tpu.memory_space<vmem>>
    %dma_start3A_22 = tpu.memref_squeeze %dma_start3A_21 : memref<1x128xi32, #tpu.memory_space<vmem>> -> memref<128xi32, #tpu.memory_space<vmem>>
    %dma_start3A_23 = tpu.memref_slice %arg3[%add3A_18] : memref<16384xi32, #tpu.memory_space<hbm>> -> memref<128xi32, #tpu.memory_space<hbm>>
    %dma_start3A_24 = arith.constant 0 : i32
    %dma_start3A_25 = tpu.memref_slice %arg8[%dma_start3A_19, %dma_start3A_24] : memref<4x128xi32, #tpu.memory_space<vmem>> -> memref<1x128xi32, #tpu.memory_space<vmem>>
    %dma_start3A_26 = tpu.memref_squeeze %dma_start3A_25 : memref<1x128xi32, #tpu.memory_space<vmem>> -> memref<128xi32, #tpu.memory_space<vmem>>
    %dma_start3A_27 = tpu.memref_slice %arg3[%add3A_18] : memref<16384xi32, #tpu.memory_space<hbm>> -> memref<128xi32, #tpu.memory_space<hbm>>
    tpu.enqueue_dma source(%dma_start3A_27 : memref<128xi32, #tpu.memory_space<hbm>>) target(%dma_start3A_26 : memref<128xi32, #tpu.memory_space<vmem>>) target_semaphore(%arg11 : memref<!tpu.dma_semaphore, #tpu.memory_space<semaphore_mem>>)
    %mul3A_28 = arith.constant 4 : i32
    %mul3A_29 = arith.muli %add3A, %mul3A_28 : i32
    %add3A_30 = arith.constant 1 : i32
    %add3A_31 = arith.addi %mul3A_29, %add3A_30 : i32
    %mul3A_32 = arith.constant 256 : i32
    %mul3A_33 = arith.muli %add3A_31, %mul3A_32 : i32
    %dma_start3A_34 = arith.constant 1 : i32
    %dma_start3A_35 = arith.constant 0 : i32
    %dma_start3A_36 = tpu.memref_slice %arg7[%dma_start3A_34, %dma_start3A_35] : memref<4x128xi32, #tpu.memory_space<vmem>> -> memref<1x128xi32, #tpu.memory_space<vmem>>
    %dma_start3A_37 = tpu.memref_squeeze %dma_start3A_36 : memref<1x128xi32, #tpu.memory_space<vmem>> -> memref<128xi32, #tpu.memory_space<vmem>>
    %dma_start3A_38 = tpu.memref_slice %arg2[%mul3A_33] : memref<32768xi32, #tpu.memory_space<hbm>> -> memref<128xi32, #tpu.memory_space<hbm>>
    %dma_start3A_39 = arith.constant 0 : i32
    %dma_start3A_40 = tpu.memref_slice %arg7[%dma_start3A_34, %dma_start3A_39] : memref<4x128xi32, #tpu.memory_space<vmem>> -> memref<1x128xi32, #tpu.memory_space<vmem>>
    %dma_start3A_41 = tpu.memref_squeeze %dma_start3A_40 : memref<1x128xi32, #tpu.memory_space<vmem>> -> memref<128xi32, #tpu.memory_space<vmem>>
    %dma_start3A_42 = tpu.memref_slice %arg2[%mul3A_33] : memref<32768xi32, #tpu.memory_space<hbm>> -> memref<128xi32, #tpu.memory_space<hbm>>
    tpu.enqueue_dma source(%dma_start3A_42 : memref<128xi32, #tpu.memory_space<hbm>>) target(%dma_start3A_41 : memref<128xi32, #tpu.memory_space<vmem>>) target_semaphore(%arg11 : memref<!tpu.dma_semaphore, #tpu.memory_space<semaphore_mem>>)
    %add3A_43 = arith.constant 128 : i32
    %add3A_44 = arith.addi %mul3A_2, %add3A_43 : i32
    %dma_start3A_45 = arith.constant 1 : i32
    %dma_start3A_46 = arith.constant 0 : i32
    %dma_start3A_47 = tpu.memref_slice %arg8[%dma_start3A_45, %dma_start3A_46] : memref<4x128xi32, #tpu.memory_space<vmem>> -> memref<1x128xi32, #tpu.memory_space<vmem>>
    %dma_start3A_48 = tpu.memref_squeeze %dma_start3A_47 : memref<1x128xi32, #tpu.memory_space<vmem>> -> memref<128xi32, #tpu.memory_space<vmem>>
    %dma_start3A_49 = tpu.memref_slice %arg3[%add3A_44] : memref<16384xi32, #tpu.memory_space<hbm>> -> memref<128xi32, #tpu.memory_space<hbm>>
    %dma_start3A_50 = arith.constant 0 : i32
    %dma_start3A_51 = tpu.memref_slice %arg8[%dma_start3A_45, %dma_start3A_50] : memref<4x128xi32, #tpu.memory_space<vmem>> -> memref<1x128xi32, #tpu.memory_space<vmem>>
    %dma_start3A_52 = tpu.memref_squeeze %dma_start3A_51 : memref<1x128xi32, #tpu.memory_space<vmem>> -> memref<128xi32, #tpu.memory_space<vmem>>
    %dma_start3A_53 = tpu.memref_slice %arg3[%add3A_44] : memref<16384xi32, #tpu.memory_space<hbm>> -> memref<128xi32, #tpu.memory_space<hbm>>
    tpu.enqueue_dma source(%dma_start3A_53 : memref<128xi32, #tpu.memory_space<hbm>>) target(%dma_start3A_52 : memref<128xi32, #tpu.memory_space<vmem>>) target_semaphore(%arg11 : memref<!tpu.dma_semaphore, #tpu.memory_space<semaphore_mem>>)
    %mul3A_54 = arith.constant 4 : i32
    %mul3A_55 = arith.muli %add3A, %mul3A_54 : i32
    %add3A_56 = arith.constant 2 : i32
    %add3A_57 = arith.addi %mul3A_55, %add3A_56 : i32
    %mul3A_58 = arith.constant 256 : i32
    %mul3A_59 = arith.muli %add3A_57, %mul3A_58 : i32
    %dma_start3A_60 = arith.constant 2 : i32
    %dma_start3A_61 = arith.constant 0 : i32
    %dma_start3A_62 = tpu.memref_slice %arg7[%dma_start3A_60, %dma_start3A_61] : memref<4x128xi32, #tpu.memory_space<vmem>> -> memref<1x128xi32, #tpu.memory_space<vmem>>
    %dma_start3A_63 = tpu.memref_squeeze %dma_start3A_62 : memref<1x128xi32, #tpu.memory_space<vmem>> -> memref<128xi32, #tpu.memory_space<vmem>>
    %dma_start3A_64 = tpu.memref_slice %arg2[%mul3A_59] : memref<32768xi32, #tpu.memory_space<hbm>> -> memref<128xi32, #tpu.memory_space<hbm>>
    %dma_start3A_65 = arith.constant 0 : i32
    %dma_start3A_66 = tpu.memref_slice %arg7[%dma_start3A_60, %dma_start3A_65] : memref<4x128xi32, #tpu.memory_space<vmem>> -> memref<1x128xi32, #tpu.memory_space<vmem>>
    %dma_start3A_67 = tpu.memref_squeeze %dma_start3A_66 : memref<1x128xi32, #tpu.memory_space<vmem>> -> memref<128xi32, #tpu.memory_space<vmem>>
    %dma_start3A_68 = tpu.memref_slice %arg2[%mul3A_59] : memref<32768xi32, #tpu.memory_space<hbm>> -> memref<128xi32, #tpu.memory_space<hbm>>
    tpu.enqueue_dma source(%dma_start3A_68 : memref<128xi32, #tpu.memory_space<hbm>>) target(%dma_start3A_67 : memref<128xi32, #tpu.memory_space<vmem>>) target_semaphore(%arg11 : memref<!tpu.dma_semaphore, #tpu.memory_space<semaphore_mem>>)
    %add3A_69 = arith.constant 256 : i32
    %add3A_70 = arith.addi %mul3A_2, %add3A_69 : i32
    %dma_start3A_71 = arith.constant 2 : i32
    %dma_start3A_72 = arith.constant 0 : i32
    %dma_start3A_73 = tpu.memref_slice %arg8[%dma_start3A_71, %dma_start3A_72] : memref<4x128xi32, #tpu.memory_space<vmem>> -> memref<1x128xi32, #tpu.memory_space<vmem>>
    %dma_start3A_74 = tpu.memref_squeeze %dma_start3A_73 : memref<1x128xi32, #tpu.memory_space<vmem>> -> memref<128xi32, #tpu.memory_space<vmem>>
    %dma_start3A_75 = tpu.memref_slice %arg3[%add3A_70] : memref<16384xi32, #tpu.memory_space<hbm>> -> memref<128xi32, #tpu.memory_space<hbm>>
    %dma_start3A_76 = arith.constant 0 : i32
    %dma_start3A_77 = tpu.memref_slice %arg8[%dma_start3A_71, %dma_start3A_76] : memref<4x128xi32, #tpu.memory_space<vmem>> -> memref<1x128xi32, #tpu.memory_space<vmem>>
    %dma_start3A_78 = tpu.memref_squeeze %dma_start3A_77 : memref<1x128xi32, #tpu.memory_space<vmem>> -> memref<128xi32, #tpu.memory_space<vmem>>
    %dma_start3A_79 = tpu.memref_slice %arg3[%add3A_70] : memref<16384xi32, #tpu.memory_space<hbm>> -> memref<128xi32, #tpu.memory_space<hbm>>
    tpu.enqueue_dma source(%dma_start3A_79 : memref<128xi32, #tpu.memory_space<hbm>>) target(%dma_start3A_78 : memref<128xi32, #tpu.memory_space<vmem>>) target_semaphore(%arg11 : memref<!tpu.dma_semaphore, #tpu.memory_space<semaphore_mem>>)
    %mul3A_80 = arith.constant 4 : i32
    %mul3A_81 = arith.muli %add3A, %mul3A_80 : i32
    %add3A_82 = arith.constant 3 : i32
    %add3A_83 = arith.addi %mul3A_81, %add3A_82 : i32
    %mul3A_84 = arith.constant 256 : i32
    %mul3A_85 = arith.muli %add3A_83, %mul3A_84 : i32
    %dma_start3A_86 = arith.constant 3 : i32
    %dma_start3A_87 = arith.constant 0 : i32
    %dma_start3A_88 = tpu.memref_slice %arg7[%dma_start3A_86, %dma_start3A_87] : memref<4x128xi32, #tpu.memory_space<vmem>> -> memref<1x128xi32, #tpu.memory_space<vmem>>
    %dma_start3A_89 = tpu.memref_squeeze %dma_start3A_88 : memref<1x128xi32, #tpu.memory_space<vmem>> -> memref<128xi32, #tpu.memory_space<vmem>>
    %dma_start3A_90 = tpu.memref_slice %arg2[%mul3A_85] : memref<32768xi32, #tpu.memory_space<hbm>> -> memref<128xi32, #tpu.memory_space<hbm>>
    %dma_start3A_91 = arith.constant 0 : i32
    %dma_start3A_92 = tpu.memref_slice %arg7[%dma_start3A_86, %dma_start3A_91] : memref<4x128xi32, #tpu.memory_space<vmem>> -> memref<1x128xi32, #tpu.memory_space<vmem>>
    %dma_start3A_93 = tpu.memref_squeeze %dma_start3A_92 : memref<1x128xi32, #tpu.memory_space<vmem>> -> memref<128xi32, #tpu.memory_space<vmem>>
    %dma_start3A_94 = tpu.memref_slice %arg2[%mul3A_85] : memref<32768xi32, #tpu.memory_space<hbm>> -> memref<128xi32, #tpu.memory_space<hbm>>
    tpu.enqueue_dma source(%dma_start3A_94 : memref<128xi32, #tpu.memory_space<hbm>>) target(%dma_start3A_93 : memref<128xi32, #tpu.memory_space<vmem>>) target_semaphore(%arg11 : memref<!tpu.dma_semaphore, #tpu.memory_space<semaphore_mem>>)
    %add3A_95 = arith.constant 384 : i32
    %add3A_96 = arith.addi %mul3A_2, %add3A_95 : i32
    %dma_start3A_97 = arith.constant 3 : i32
    %dma_start3A_98 = arith.constant 0 : i32
    %dma_start3A_99 = tpu.memref_slice %arg8[%dma_start3A_97, %dma_start3A_98] : memref<4x128xi32, #tpu.memory_space<vmem>> -> memref<1x128xi32, #tpu.memory_space<vmem>>
    %dma_start3A_100 = tpu.memref_squeeze %dma_start3A_99 : memref<1x128xi32, #tpu.memory_space<vmem>> -> memref<128xi32, #tpu.memory_space<vmem>>
    %dma_start3A_101 = tpu.memref_slice %arg3[%add3A_96] : memref<16384xi32, #tpu.memory_space<hbm>> -> memref<128xi32, #tpu.memory_space<hbm>>
    %dma_start3A_102 = arith.constant 0 : i32
    %dma_start3A_103 = tpu.memref_slice %arg8[%dma_start3A_97, %dma_start3A_102] : memref<4x128xi32, #tpu.memory_space<vmem>> -> memref<1x128xi32, #tpu.memory_space<vmem>>
    %dma_start3A_104 = tpu.memref_squeeze %dma_start3A_103 : memref<1x128xi32, #tpu.memory_space<vmem>> -> memref<128xi32, #tpu.memory_space<vmem>>
    %dma_start3A_105 = tpu.memref_slice %arg3[%add3A_96] : memref<16384xi32, #tpu.memory_space<hbm>> -> memref<128xi32, #tpu.memory_space<hbm>>
    tpu.enqueue_dma source(%dma_start3A_105 : memref<128xi32, #tpu.memory_space<hbm>>) target(%dma_start3A_104 : memref<128xi32, #tpu.memory_space<vmem>>) target_semaphore(%arg11 : memref<!tpu.dma_semaphore, #tpu.memory_space<semaphore_mem>>)
    "tpu.region"() ({
      %run_scoped3A = tpu.sem_alloc : memref<!tpu.dma_semaphore, #tpu.memory_space<semaphore_mem>>
      tpu.enqueue_dma source(%arg5 : memref<51x64xf32, #tpu.memory_space<hbm>>) target(%arg9 : memref<51x64xf32, #tpu.memory_space<vmem>>) target_semaphore(%run_scoped3A : memref<!tpu.dma_semaphore, #tpu.memory_space<semaphore_mem>>)
      tpu.wait_dma2 semaphore(%run_scoped3A : memref<!tpu.dma_semaphore, #tpu.memory_space<semaphore_mem>>) src(%arg5 : memref<51x64xf32, #tpu.memory_space<hbm>>) dst(%arg9 : memref<51x64xf32, #tpu.memory_space<vmem>>)
      tpu.yield
    }) : () -> ()
    %dma_wait3A = arith.constant 0 : i32
    %dma_wait3A_106 = arith.constant 0 : i32
    %dma_wait3A_107 = tpu.memref_slice %arg7[%dma_wait3A, %dma_wait3A_106] : memref<4x128xi32, #tpu.memory_space<vmem>> -> memref<1x128xi32, #tpu.memory_space<vmem>>
    %dma_wait3A_108 = tpu.memref_squeeze %dma_wait3A_107 : memref<1x128xi32, #tpu.memory_space<vmem>> -> memref<128xi32, #tpu.memory_space<vmem>>
    %dma_wait3A_109 = tpu.memref_slice %arg2[%mul3A_8] : memref<32768xi32, #tpu.memory_space<hbm>> -> memref<128xi32, #tpu.memory_space<hbm>>
    %dma_wait3A_110 = arith.constant 0 : i32
    %dma_wait3A_111 = tpu.memref_slice %arg7[%dma_wait3A, %dma_wait3A_110] : memref<4x128xi32, #tpu.memory_space<vmem>> -> memref<1x128xi32, #tpu.memory_space<vmem>>
    %dma_wait3A_112 = tpu.memref_squeeze %dma_wait3A_111 : memref<1x128xi32, #tpu.memory_space<vmem>> -> memref<128xi32, #tpu.memory_space<vmem>>
    %dma_wait3A_113 = tpu.memref_slice %arg2[%mul3A_8] : memref<32768xi32, #tpu.memory_space<hbm>> -> memref<128xi32, #tpu.memory_space<hbm>>
    tpu.wait_dma2 semaphore(%arg11 : memref<!tpu.dma_semaphore, #tpu.memory_space<semaphore_mem>>) src(%dma_wait3A_113 : memref<128xi32, #tpu.memory_space<hbm>>) dst(%dma_wait3A_112 : memref<128xi32, #tpu.memory_space<vmem>>)
    %dma_wait3A_114 = arith.constant 0 : i32
    %dma_wait3A_115 = arith.constant 0 : i32
    %dma_wait3A_116 = tpu.memref_slice %arg8[%dma_wait3A_114, %dma_wait3A_115] : memref<4x128xi32, #tpu.memory_space<vmem>> -> memref<1x128xi32, #tpu.memory_space<vmem>>
    %dma_wait3A_117 = tpu.memref_squeeze %dma_wait3A_116 : memref<1x128xi32, #tpu.memory_space<vmem>> -> memref<128xi32, #tpu.memory_space<vmem>>
    %dma_wait3A_118 = tpu.memref_slice %arg3[%add3A_18] : memref<16384xi32, #tpu.memory_space<hbm>> -> memref<128xi32, #tpu.memory_space<hbm>>
    %dma_wait3A_119 = arith.constant 0 : i32
    %dma_wait3A_120 = tpu.memref_slice %arg8[%dma_wait3A_114, %dma_wait3A_119] : memref<4x128xi32, #tpu.memory_space<vmem>> -> memref<1x128xi32, #tpu.memory_space<vmem>>
    %dma_wait3A_121 = tpu.memref_squeeze %dma_wait3A_120 : memref<1x128xi32, #tpu.memory_space<vmem>> -> memref<128xi32, #tpu.memory_space<vmem>>
    %dma_wait3A_122 = tpu.memref_slice %arg3[%add3A_18] : memref<16384xi32, #tpu.memory_space<hbm>> -> memref<128xi32, #tpu.memory_space<hbm>>
    tpu.wait_dma2 semaphore(%arg11 : memref<!tpu.dma_semaphore, #tpu.memory_space<semaphore_mem>>) src(%dma_wait3A_122 : memref<128xi32, #tpu.memory_space<hbm>>) dst(%dma_wait3A_121 : memref<128xi32, #tpu.memory_space<vmem>>)
    %dma_wait3A_123 = arith.constant 1 : i32
    %dma_wait3A_124 = arith.constant 0 : i32
    %dma_wait3A_125 = tpu.memref_slice %arg7[%dma_wait3A_123, %dma_wait3A_124] : memref<4x128xi32, #tpu.memory_space<vmem>> -> memref<1x128xi32, #tpu.memory_space<vmem>>
    %dma_wait3A_126 = tpu.memref_squeeze %dma_wait3A_125 : memref<1x128xi32, #tpu.memory_space<vmem>> -> memref<128xi32, #tpu.memory_space<vmem>>
    %dma_wait3A_127 = tpu.memref_slice %arg2[%mul3A_33] : memref<32768xi32, #tpu.memory_space<hbm>> -> memref<128xi32, #tpu.memory_space<hbm>>
    %dma_wait3A_128 = arith.constant 0 : i32
    %dma_wait3A_129 = tpu.memref_slice %arg7[%dma_wait3A_123, %dma_wait3A_128] : memref<4x128xi32, #tpu.memory_space<vmem>> -> memref<1x128xi32, #tpu.memory_space<vmem>>
    %dma_wait3A_130 = tpu.memref_squeeze %dma_wait3A_129 : memref<1x128xi32, #tpu.memory_space<vmem>> -> memref<128xi32, #tpu.memory_space<vmem>>
    %dma_wait3A_131 = tpu.memref_slice %arg2[%mul3A_33] : memref<32768xi32, #tpu.memory_space<hbm>> -> memref<128xi32, #tpu.memory_space<hbm>>
    tpu.wait_dma2 semaphore(%arg11 : memref<!tpu.dma_semaphore, #tpu.memory_space<semaphore_mem>>) src(%dma_wait3A_131 : memref<128xi32, #tpu.memory_space<hbm>>) dst(%dma_wait3A_130 : memref<128xi32, #tpu.memory_space<vmem>>)
    %dma_wait3A_132 = arith.constant 1 : i32
    %dma_wait3A_133 = arith.constant 0 : i32
    %dma_wait3A_134 = tpu.memref_slice %arg8[%dma_wait3A_132, %dma_wait3A_133] : memref<4x128xi32, #tpu.memory_space<vmem>> -> memref<1x128xi32, #tpu.memory_space<vmem>>
    %dma_wait3A_135 = tpu.memref_squeeze %dma_wait3A_134 : memref<1x128xi32, #tpu.memory_space<vmem>> -> memref<128xi32, #tpu.memory_space<vmem>>
    %dma_wait3A_136 = tpu.memref_slice %arg3[%add3A_44] : memref<16384xi32, #tpu.memory_space<hbm>> -> memref<128xi32, #tpu.memory_space<hbm>>
    %dma_wait3A_137 = arith.constant 0 : i32
    %dma_wait3A_138 = tpu.memref_slice %arg8[%dma_wait3A_132, %dma_wait3A_137] : memref<4x128xi32, #tpu.memory_space<vmem>> -> memref<1x128xi32, #tpu.memory_space<vmem>>
    %dma_wait3A_139 = tpu.memref_squeeze %dma_wait3A_138 : memref<1x128xi32, #tpu.memory_space<vmem>> -> memref<128xi32, #tpu.memory_space<vmem>>
    %dma_wait3A_140 = tpu.memref_slice %arg3[%add3A_44] : memref<16384xi32, #tpu.memory_space<hbm>> -> memref<128xi32, #tpu.memory_space<hbm>>
    tpu.wait_dma2 semaphore(%arg11 : memref<!tpu.dma_semaphore, #tpu.memory_space<semaphore_mem>>) src(%dma_wait3A_140 : memref<128xi32, #tpu.memory_space<hbm>>) dst(%dma_wait3A_139 : memref<128xi32, #tpu.memory_space<vmem>>)
    %dma_wait3A_141 = arith.constant 2 : i32
    %dma_wait3A_142 = arith.constant 0 : i32
    %dma_wait3A_143 = tpu.memref_slice %arg7[%dma_wait3A_141, %dma_wait3A_142] : memref<4x128xi32, #tpu.memory_space<vmem>> -> memref<1x128xi32, #tpu.memory_space<vmem>>
    %dma_wait3A_144 = tpu.memref_squeeze %dma_wait3A_143 : memref<1x128xi32, #tpu.memory_space<vmem>> -> memref<128xi32, #tpu.memory_space<vmem>>
    %dma_wait3A_145 = tpu.memref_slice %arg2[%mul3A_59] : memref<32768xi32, #tpu.memory_space<hbm>> -> memref<128xi32, #tpu.memory_space<hbm>>
    %dma_wait3A_146 = arith.constant 0 : i32
    %dma_wait3A_147 = tpu.memref_slice %arg7[%dma_wait3A_141, %dma_wait3A_146] : memref<4x128xi32, #tpu.memory_space<vmem>> -> memref<1x128xi32, #tpu.memory_space<vmem>>
    %dma_wait3A_148 = tpu.memref_squeeze %dma_wait3A_147 : memref<1x128xi32, #tpu.memory_space<vmem>> -> memref<128xi32, #tpu.memory_space<vmem>>
    %dma_wait3A_149 = tpu.memref_slice %arg2[%mul3A_59] : memref<32768xi32, #tpu.memory_space<hbm>> -> memref<128xi32, #tpu.memory_space<hbm>>
    tpu.wait_dma2 semaphore(%arg11 : memref<!tpu.dma_semaphore, #tpu.memory_space<semaphore_mem>>) src(%dma_wait3A_149 : memref<128xi32, #tpu.memory_space<hbm>>) dst(%dma_wait3A_148 : memref<128xi32, #tpu.memory_space<vmem>>)
    %dma_wait3A_150 = arith.constant 2 : i32
    %dma_wait3A_151 = arith.constant 0 : i32
    %dma_wait3A_152 = tpu.memref_slice %arg8[%dma_wait3A_150, %dma_wait3A_151] : memref<4x128xi32, #tpu.memory_space<vmem>> -> memref<1x128xi32, #tpu.memory_space<vmem>>
    %dma_wait3A_153 = tpu.memref_squeeze %dma_wait3A_152 : memref<1x128xi32, #tpu.memory_space<vmem>> -> memref<128xi32, #tpu.memory_space<vmem>>
    %dma_wait3A_154 = tpu.memref_slice %arg3[%add3A_70] : memref<16384xi32, #tpu.memory_space<hbm>> -> memref<128xi32, #tpu.memory_space<hbm>>
    %dma_wait3A_155 = arith.constant 0 : i32
    %dma_wait3A_156 = tpu.memref_slice %arg8[%dma_wait3A_150, %dma_wait3A_155] : memref<4x128xi32, #tpu.memory_space<vmem>> -> memref<1x128xi32, #tpu.memory_space<vmem>>
    %dma_wait3A_157 = tpu.memref_squeeze %dma_wait3A_156 : memref<1x128xi32, #tpu.memory_space<vmem>> -> memref<128xi32, #tpu.memory_space<vmem>>
    %dma_wait3A_158 = tpu.memref_slice %arg3[%add3A_70] : memref<16384xi32, #tpu.memory_space<hbm>> -> memref<128xi32, #tpu.memory_space<hbm>>
    tpu.wait_dma2 semaphore(%arg11 : memref<!tpu.dma_semaphore, #tpu.memory_space<semaphore_mem>>) src(%dma_wait3A_158 : memref<128xi32, #tpu.memory_space<hbm>>) dst(%dma_wait3A_157 : memref<128xi32, #tpu.memory_space<vmem>>)
    %dma_wait3A_159 = arith.constant 3 : i32
    %dma_wait3A_160 = arith.constant 0 : i32
    %dma_wait3A_161 = tpu.memref_slice %arg7[%dma_wait3A_159, %dma_wait3A_160] : memref<4x128xi32, #tpu.memory_space<vmem>> -> memref<1x128xi32, #tpu.memory_space<vmem>>
    %dma_wait3A_162 = tpu.memref_squeeze %dma_wait3A_161 : memref<1x128xi32, #tpu.memory_space<vmem>> -> memref<128xi32, #tpu.memory_space<vmem>>
    %dma_wait3A_163 = tpu.memref_slice %arg2[%mul3A_85] : memref<32768xi32, #tpu.memory_space<hbm>> -> memref<128xi32, #tpu.memory_space<hbm>>
    %dma_wait3A_164 = arith.constant 0 : i32
    %dma_wait3A_165 = tpu.memref_slice %arg7[%dma_wait3A_159, %dma_wait3A_164] : memref<4x128xi32, #tpu.memory_space<vmem>> -> memref<1x128xi32, #tpu.memory_space<vmem>>
    %dma_wait3A_166 = tpu.memref_squeeze %dma_wait3A_165 : memref<1x128xi32, #tpu.memory_space<vmem>> -> memref<128xi32, #tpu.memory_space<vmem>>
    %dma_wait3A_167 = tpu.memref_slice %arg2[%mul3A_85] : memref<32768xi32, #tpu.memory_space<hbm>> -> memref<128xi32, #tpu.memory_space<hbm>>
    tpu.wait_dma2 semaphore(%arg11 : memref<!tpu.dma_semaphore, #tpu.memory_space<semaphore_mem>>) src(%dma_wait3A_167 : memref<128xi32, #tpu.memory_space<hbm>>) dst(%dma_wait3A_166 : memref<128xi32, #tpu.memory_space<vmem>>)
    %dma_wait3A_168 = arith.constant 3 : i32
    %dma_wait3A_169 = arith.constant 0 : i32
    %dma_wait3A_170 = tpu.memref_slice %arg8[%dma_wait3A_168, %dma_wait3A_169] : memref<4x128xi32, #tpu.memory_space<vmem>> -> memref<1x128xi32, #tpu.memory_space<vmem>>
    %dma_wait3A_171 = tpu.memref_squeeze %dma_wait3A_170 : memref<1x128xi32, #tpu.memory_space<vmem>> -> memref<128xi32, #tpu.memory_space<vmem>>
    %dma_wait3A_172 = tpu.memref_slice %arg3[%add3A_96] : memref<16384xi32, #tpu.memory_space<hbm>> -> memref<128xi32, #tpu.memory_space<hbm>>
    %dma_wait3A_173 = arith.constant 0 : i32
    %dma_wait3A_174 = tpu.memref_slice %arg8[%dma_wait3A_168, %dma_wait3A_173] : memref<4x128xi32, #tpu.memory_space<vmem>> -> memref<1x128xi32, #tpu.memory_space<vmem>>
    %dma_wait3A_175 = tpu.memref_squeeze %dma_wait3A_174 : memref<1x128xi32, #tpu.memory_space<vmem>> -> memref<128xi32, #tpu.memory_space<vmem>>
    %dma_wait3A_176 = tpu.memref_slice %arg3[%add3A_96] : memref<16384xi32, #tpu.memory_space<hbm>> -> memref<128xi32, #tpu.memory_space<hbm>>
    tpu.wait_dma2 semaphore(%arg11 : memref<!tpu.dma_semaphore, #tpu.memory_space<semaphore_mem>>) src(%dma_wait3A_176 : memref<128xi32, #tpu.memory_space<hbm>>) dst(%dma_wait3A_175 : memref<128xi32, #tpu.memory_space<vmem>>)
    %get3A = arith.constant 0 : i32
    %get3A_177 = arith.index_cast %get3A : i32 to index
    %get3A_178 = arith.constant 0 : index
    %get3A_179 = tpu.vector_load %arg8[%get3A_177, %get3A_178] {strides = array<i32>} : memref<4x128xi32, #tpu.memory_space<vmem>>, vector<1x16xi32>,
    %get3A_180 = vector.shape_cast %get3A_179 : vector<1x16xi32> to vector<16xi32>
    %min3A = arith.constant 50 : i32
    %min3A_181 = vector.broadcast %min3A : i32 to vector<16xi32>
    %min3A_182 = arith.minsi %get3A_180, %min3A_181 : vector<16xi32>
    %swap3A = arith.constant 0 : i32
    %swap3A_183 = arith.index_cast %swap3A : i32 to index
    %swap3A_184 = arith.constant 0 : index
    %swap3A_185 = tpu.vector_load %arg8[%swap3A_183, %swap3A_184] {strides = array<i32>} : memref<4x128xi32, #tpu.memory_space<vmem>>, vector<1x16xi32>,
    %swap3A_186 = vector.shape_cast %swap3A_185 : vector<1x16xi32> to vector<16xi32>
    %swap3A_187 = vector.shape_cast %min3A_182 : vector<16xi32> to vector<1x16xi32>
    tpu.vector_store %arg8[%swap3A_183, %swap3A_184], %swap3A_187 {strides = array<i32>} : memref<4x128xi32, #tpu.memory_space<vmem>>, vector<1x16xi32>,
    %get3A_188 = arith.constant 0 : i32
    %get3A_189 = arith.index_cast %get3A_188 : i32 to index
    %get3A_190 = arith.constant 16 : index
    %get3A_191 = tpu.vector_load %arg8[%get3A_189, %get3A_190] {strides = array<i32>} : memref<4x128xi32, #tpu.memory_space<vmem>>, vector<1x16xi32>,
    %get3A_192 = vector.shape_cast %get3A_191 : vector<1x16xi32> to vector<16xi32>
    %min3A_193 = arith.constant 50 : i32
    %min3A_194 = vector.broadcast %min3A_193 : i32 to vector<16xi32>
    %min3A_195 = arith.minsi %get3A_192, %min3A_194 : vector<16xi32>
    %swap3A_196 = arith.constant 0 : i32
    %swap3A_197 = arith.index_cast %swap3A_196 : i32 to index
    %swap3A_198 = arith.constant 16 : index
    %swap3A_199 = tpu.vector_load %arg8[%swap3A_197, %swap3A_198] {strides = array<i32>} : memref<4x128xi32, #tpu.memory_space<vmem>>, vector<1x16xi32>,
    %swap3A_200 = vector.shape_cast %swap3A_199 : vector<1x16xi32> to vector<16xi32>
    %swap3A_201 = vector.shape_cast %min3A_195 : vector<16xi32> to vector<1x16xi32>
    tpu.vector_store %arg8[%swap3A_197, %swap3A_198], %swap3A_201 {strides = array<i32>} : memref<4x128xi32, #tpu.memory_space<vmem>>, vector<1x16xi32>,
    %get3A_202 = arith.constant 0 : i32
    %get3A_203 = arith.index_cast %get3A_202 : i32 to index
    %get3A_204 = arith.constant 32 : index
    %get3A_205 = tpu.vector_load %arg8[%get3A_203, %get3A_204] {strides = array<i32>} : memref<4x128xi32, #tpu.memory_space<vmem>>, vector<1x16xi32>,
    %get3A_206 = vector.shape_cast %get3A_205 : vector<1x16xi32> to vector<16xi32>
    %min3A_207 = arith.constant 50 : i32
    %min3A_208 = vector.broadcast %min3A_207 : i32 to vector<16xi32>
    %min3A_209 = arith.minsi %get3A_206, %min3A_208 : vector<16xi32>
    %swap3A_210 = arith.constant 0 : i32
    %swap3A_211 = arith.index_cast %swap3A_210 : i32 to index
    %swap3A_212 = arith.constant 32 : index
    %swap3A_213 = tpu.vector_load %arg8[%swap3A_211, %swap3A_212] {strides = array<i32>} : memref<4x128xi32, #tpu.memory_space<vmem>>, vector<1x16xi32>,
    %swap3A_214 = vector.shape_cast %swap3A_213 : vector<1x16xi32> to vector<16xi32>
    %swap3A_215 = vector.shape_cast %min3A_209 : vector<16xi32> to vector<1x16xi32>
    tpu.vector_store %arg8[%swap3A_211, %swap3A_212], %swap3A_215 {strides = array<i32>} : memref<4x128xi32, #tpu.memory_space<vmem>>, vector<1x16xi32>,
    %get3A_216 = arith.constant 0 : i32
    %get3A_217 = arith.index_cast %get3A_216 : i32 to index
    %get3A_218 = arith.constant 48 : index
    %get3A_219 = tpu.vector_load %arg8[%get3A_217, %get3A_218] {strides = array<i32>} : memref<4x128xi32, #tpu.memory_space<vmem>>, vector<1x16xi32>,
    %get3A_220 = vector.shape_cast %get3A_219 : vector<1x16xi32> to vector<16xi32>
    %min3A_221 = arith.constant 50 : i32
    %min3A_222 = vector.broadcast %min3A_221 : i32 to vector<16xi32>
    %min3A_223 = arith.minsi %get3A_220, %min3A_222 : vector<16xi32>
    %swap3A_224 = arith.constant 0 : i32
    %swap3A_225 = arith.index_cast %swap3A_224 : i32 to index
    %swap3A_226 = arith.constant 48 : index
    %swap3A_227 = tpu.vector_load %arg8[%swap3A_225, %swap3A_226] {strides = array<i32>} : memref<4x128xi32, #tpu.memory_space<vmem>>, vector<1x16xi32>,
    %swap3A_228 = vector.shape_cast %swap3A_227 : vector<1x16xi32> to vector<16xi32>
    %swap3A_229 = vector.shape_cast %min3A_223 : vector<16xi32> to vector<1x16xi32>
    tpu.vector_store %arg8[%swap3A_225, %swap3A_226], %swap3A_229 {strides = array<i32>} : memref<4x128xi32, #tpu.memory_space<vmem>>, vector<1x16xi32>,
    %get3A_230 = arith.constant 0 : i32
    %get3A_231 = arith.index_cast %get3A_230 : i32 to index
    %get3A_232 = arith.constant 64 : index
    %get3A_233 = tpu.vector_load %arg8[%get3A_231, %get3A_232] {strides = array<i32>} : memref<4x128xi32, #tpu.memory_space<vmem>>, vector<1x16xi32>,
    %get3A_234 = vector.shape_cast %get3A_233 : vector<1x16xi32> to vector<16xi32>
    %min3A_235 = arith.constant 50 : i32
    %min3A_236 = vector.broadcast %min3A_235 : i32 to vector<16xi32>
    %min3A_237 = arith.minsi %get3A_234, %min3A_236 : vector<16xi32>
    %swap3A_238 = arith.constant 0 : i32
    %swap3A_239 = arith.index_cast %swap3A_238 : i32 to index
    %swap3A_240 = arith.constant 64 : index
    %swap3A_241 = tpu.vector_load %arg8[%swap3A_239, %swap3A_240] {strides = array<i32>} : memref<4x128xi32, #tpu.memory_space<vmem>>, vector<1x16xi32>,
    %swap3A_242 = vector.shape_cast %swap3A_241 : vector<1x16xi32> to vector<16xi32>
    %swap3A_243 = vector.shape_cast %min3A_237 : vector<16xi32> to vector<1x16xi32>
    tpu.vector_store %arg8[%swap3A_239, %swap3A_240], %swap3A_243 {strides = array<i32>} : memref<4x128xi32, #tpu.memory_space<vmem>>, vector<1x16xi32>,
    %get3A_244 = arith.constant 0 : i32
    %get3A_245 = arith.index_cast %get3A_244 : i32 to index
    %get3A_246 = arith.constant 80 : index
    %get3A_247 = tpu.vector_load %arg8[%get3A_245, %get3A_246] {strides = array<i32>} : memref<4x128xi32, #tpu.memory_space<vmem>>, vector<1x16xi32>,
    %get3A_248 = vector.shape_cast %get3A_247 : vector<1x16xi32> to vector<16xi32>
    %min3A_249 = arith.constant 50 : i32
    %min3A_250 = vector.broadcast %min3A_249 : i32 to vector<16xi32>
    %min3A_251 = arith.minsi %get3A_248, %min3A_250 : vector<16xi32>
    %swap3A_252 = arith.constant 0 : i32
    %swap3A_253 = arith.index_cast %swap3A_252 : i32 to index
    %swap3A_254 = arith.constant 80 : index
    %swap3A_255 = tpu.vector_load %arg8[%swap3A_253, %swap3A_254] {strides = array<i32>} : memref<4x128xi32, #tpu.memory_space<vmem>>, vector<1x16xi32>,
    %swap3A_256 = vector.shape_cast %swap3A_255 : vector<1x16xi32> to vector<16xi32>
    %swap3A_257 = vector.shape_cast %min3A_251 : vector<16xi32> to vector<1x16xi32>
    tpu.vector_store %arg8[%swap3A_253, %swap3A_254], %swap3A_257 {strides = array<i32>} : memref<4x128xi32, #tpu.memory_space<vmem>>, vector<1x16xi32>,
    %get3A_258 = arith.constant 0 : i32
    %get3A_259 = arith.index_cast %get3A_258 : i32 to index
    %get3A_260 = arith.constant 96 : index
    %get3A_261 = tpu.vector_load %arg8[%get3A_259, %get3A_260] {strides = array<i32>} : memref<4x128xi32, #tpu.memory_space<vmem>>, vector<1x16xi32>,
    %get3A_262 = vector.shape_cast %get3A_261 : vector<1x16xi32> to vector<16xi32>
    %min3A_263 = arith.constant 50 : i32
    %min3A_264 = vector.broadcast %min3A_263 : i32 to vector<16xi32>
    %min3A_265 = arith.minsi %get3A_262, %min3A_264 : vector<16xi32>
    %swap3A_266 = arith.constant 0 : i32
    %swap3A_267 = arith.index_cast %swap3A_266 : i32 to index
    %swap3A_268 = arith.constant 96 : index
    %swap3A_269 = tpu.vector_load %arg8[%swap3A_267, %swap3A_268] {strides = array<i32>} : memref<4x128xi32, #tpu.memory_space<vmem>>, vector<1x16xi32>,
    %swap3A_270 = vector.shape_cast %swap3A_269 : vector<1x16xi32> to vector<16xi32>
    %swap3A_271 = vector.shape_cast %min3A_265 : vector<16xi32> to vector<1x16xi32>
    tpu.vector_store %arg8[%swap3A_267, %swap3A_268], %swap3A_271 {strides = array<i32>} : memref<4x128xi32, #tpu.memory_space<vmem>>, vector<1x16xi32>,
    %get3A_272 = arith.constant 0 : i32
    %get3A_273 = arith.index_cast %get3A_272 : i32 to index
    %get3A_274 = arith.constant 112 : index
    %get3A_275 = tpu.vector_load %arg8[%get3A_273, %get3A_274] {strides = array<i32>} : memref<4x128xi32, #tpu.memory_space<vmem>>, vector<1x16xi32>,
    %get3A_276 = vector.shape_cast %get3A_275 : vector<1x16xi32> to vector<16xi32>
    %min3A_277 = arith.constant 50 : i32
    %min3A_278 = vector.broadcast %min3A_277 : i32 to vector<16xi32>
    %min3A_279 = arith.minsi %get3A_276, %min3A_278 : vector<16xi32>
    %swap3A_280 = arith.constant 0 : i32
    %swap3A_281 = arith.index_cast %swap3A_280 : i32 to index
    %swap3A_282 = arith.constant 112 : index
    %swap3A_283 = tpu.vector_load %arg8[%swap3A_281, %swap3A_282] {strides = array<i32>} : memref<4x128xi32, #tpu.memory_space<vmem>>, vector<1x16xi32>,
    %swap3A_284 = vector.shape_cast %swap3A_283 : vector<1x16xi32> to vector<16xi32>
    %swap3A_285 = vector.shape_cast %min3A_279 : vector<16xi32> to vector<1x16xi32>
    tpu.vector_store %arg8[%swap3A_281, %swap3A_282], %swap3A_285 {strides = array<i32>} : memref<4x128xi32, #tpu.memory_space<vmem>>, vector<1x16xi32>,
    %get3A_286 = arith.constant 1 : i32
    %get3A_287 = arith.index_cast %get3A_286 : i32 to index
    %get3A_288 = arith.constant 0 : index
    %get3A_289 = tpu.vector_load %arg8[%get3A_287, %get3A_288] {strides = array<i32>} : memref<4x128xi32, #tpu.memory_space<vmem>>, vector<1x16xi32>,
    %get3A_290 = vector.shape_cast %get3A_289 : vector<1x16xi32> to vector<16xi32>
    %min3A_291 = arith.constant 50 : i32
    %min3A_292 = vector.broadcast %min3A_291 : i32 to vector<16xi32>
    %min3A_293 = arith.minsi %get3A_290, %min3A_292 : vector<16xi32>
    %swap3A_294 = arith.constant 1 : i32
    %swap3A_295 = arith.index_cast %swap3A_294 : i32 to index
    %swap3A_296 = arith.constant 0 : index
    %swap3A_297 = tpu.vector_load %arg8[%swap3A_295, %swap3A_296] {strides = array<i32>} : memref<4x128xi32, #tpu.memory_space<vmem>>, vector<1x16xi32>,
    %swap3A_298 = vector.shape_cast %swap3A_297 : vector<1x16xi32> to vector<16xi32>
    %swap3A_299 = vector.shape_cast %min3A_293 : vector<16xi32> to vector<1x16xi32>
    tpu.vector_store %arg8[%swap3A_295, %swap3A_296], %swap3A_299 {strides = array<i32>} : memref<4x128xi32, #tpu.memory_space<vmem>>, vector<1x16xi32>,
    %get3A_300 = arith.constant 1 : i32
    %get3A_301 = arith.index_cast %get3A_300 : i32 to index
    %get3A_302 = arith.constant 16 : index
    %get3A_303 = tpu.vector_load %arg8[%get3A_301, %get3A_302] {strides = array<i32>} : memref<4x128xi32, #tpu.memory_space<vmem>>, vector<1x16xi32>,
    %get3A_304 = vector.shape_cast %get3A_303 : vector<1x16xi32> to vector<16xi32>
    %min3A_305 = arith.constant 50 : i32
    %min3A_306 = vector.broadcast %min3A_305 : i32 to vector<16xi32>
    %min3A_307 = arith.minsi %get3A_304, %min3A_306 : vector<16xi32>
    %swap3A_308 = arith.constant 1 : i32
    %swap3A_309 = arith.index_cast %swap3A_308 : i32 to index
    %swap3A_310 = arith.constant 16 : index
    %swap3A_311 = tpu.vector_load %arg8[%swap3A_309, %swap3A_310] {strides = array<i32>} : memref<4x128xi32, #tpu.memory_space<vmem>>, vector<1x16xi32>,
    %swap3A_312 = vector.shape_cast %swap3A_311 : vector<1x16xi32> to vector<16xi32>
    %swap3A_313 = vector.shape_cast %min3A_307 : vector<16xi32> to vector<1x16xi32>
    tpu.vector_store %arg8[%swap3A_309, %swap3A_310], %swap3A_313 {strides = array<i32>} : memref<4x128xi32, #tpu.memory_space<vmem>>, vector<1x16xi32>,
    %get3A_314 = arith.constant 1 : i32
    %get3A_315 = arith.index_cast %get3A_314 : i32 to index
    %get3A_316 = arith.constant 32 : index
    %get3A_317 = tpu.vector_load %arg8[%get3A_315, %get3A_316] {strides = array<i32>} : memref<4x128xi32, #tpu.memory_space<vmem>>, vector<1x16xi32>,
    %get3A_318 = vector.shape_cast %get3A_317 : vector<1x16xi32> to vector<16xi32>
    %min3A_319 = arith.constant 50 : i32
    %min3A_320 = vector.broadcast %min3A_319 : i32 to vector<16xi32>
    %min3A_321 = arith.minsi %get3A_318, %min3A_320 : vector<16xi32>
    %swap3A_322 = arith.constant 1 : i32
    %swap3A_323 = arith.index_cast %swap3A_322 : i32 to index
    %swap3A_324 = arith.constant 32 : index
    %swap3A_325 = tpu.vector_load %arg8[%swap3A_323, %swap3A_324] {strides = array<i32>} : memref<4x128xi32, #tpu.memory_space<vmem>>, vector<1x16xi32>,
    %swap3A_326 = vector.shape_cast %swap3A_325 : vector<1x16xi32> to vector<16xi32>
    %swap3A_327 = vector.shape_cast %min3A_321 : vector<16xi32> to vector<1x16xi32>
    tpu.vector_store %arg8[%swap3A_323, %swap3A_324], %swap3A_327 {strides = array<i32>} : memref<4x128xi32, #tpu.memory_space<vmem>>, vector<1x16xi32>,
    %get3A_328 = arith.constant 1 : i32
    %get3A_329 = arith.index_cast %get3A_328 : i32 to index
    %get3A_330 = arith.constant 48 : index
    %get3A_331 = tpu.vector_load %arg8[%get3A_329, %get3A_330] {strides = array<i32>} : memref<4x128xi32, #tpu.memory_space<vmem>>, vector<1x16xi32>,
    %get3A_332 = vector.shape_cast %get3A_331 : vector<1x16xi32> to vector<16xi32>
    %min3A_333 = arith.constant 50 : i32
    %min3A_334 = vector.broadcast %min3A_333 : i32 to vector<16xi32>
    %min3A_335 = arith.minsi %get3A_332, %min3A_334 : vector<16xi32>
    %swap3A_336 = arith.constant 1 : i32
    %swap3A_337 = arith.index_cast %swap3A_336 : i32 to index
    %swap3A_338 = arith.constant 48 : index
    %swap3A_339 = tpu.vector_load %arg8[%swap3A_337, %swap3A_338] {strides = array<i32>} : memref<4x128xi32, #tpu.memory_space<vmem>>, vector<1x16xi32>,
    %swap3A_340 = vector.shape_cast %swap3A_339 : vector<1x16xi32> to vector<16xi32>
    %swap3A_341 = vector.shape_cast %min3A_335 : vector<16xi32> to vector<1x16xi32>
    tpu.vector_store %arg8[%swap3A_337, %swap3A_338], %swap3A_341 {strides = array<i32>} : memref<4x128xi32, #tpu.memory_space<vmem>>, vector<1x16xi32>,
    %get3A_342 = arith.constant 1 : i32
    %get3A_343 = arith.index_cast %get3A_342 : i32 to index
    %get3A_344 = arith.constant 64 : index
    %get3A_345 = tpu.vector_load %arg8[%get3A_343, %get3A_344] {strides = array<i32>} : memref<4x128xi32, #tpu.memory_space<vmem>>, vector<1x16xi32>,
    %get3A_346 = vector.shape_cast %get3A_345 : vector<1x16xi32> to vector<16xi32>
    %min3A_347 = arith.constant 50 : i32
    %min3A_348 = vector.broadcast %min3A_347 : i32 to vector<16xi32>
    %min3A_349 = arith.minsi %get3A_346, %min3A_348 : vector<16xi32>
    %swap3A_350 = arith.constant 1 : i32
    %swap3A_351 = arith.index_cast %swap3A_350 : i32 to index
    %swap3A_352 = arith.constant 64 : index
    %swap3A_353 = tpu.vector_load %arg8[%swap3A_351, %swap3A_352] {strides = array<i32>} : memref<4x128xi32, #tpu.memory_space<vmem>>, vector<1x16xi32>,
    %swap3A_354 = vector.shape_cast %swap3A_353 : vector<1x16xi32> to vector<16xi32>
    %swap3A_355 = vector.shape_cast %min3A_349 : vector<16xi32> to vector<1x16xi32>
    tpu.vector_store %arg8[%swap3A_351, %swap3A_352], %swap3A_355 {strides = array<i32>} : memref<4x128xi32, #tpu.memory_space<vmem>>, vector<1x16xi32>,
    %get3A_356 = arith.constant 1 : i32
    %get3A_357 = arith.index_cast %get3A_356 : i32 to index
    %get3A_358 = arith.constant 80 : index
    %get3A_359 = tpu.vector_load %arg8[%get3A_357, %get3A_358] {strides = array<i32>} : memref<4x128xi32, #tpu.memory_space<vmem>>, vector<1x16xi32>,
    %get3A_360 = vector.shape_cast %get3A_359 : vector<1x16xi32> to vector<16xi32>
    %min3A_361 = arith.constant 50 : i32
    %min3A_362 = vector.broadcast %min3A_361 : i32 to vector<16xi32>
    %min3A_363 = arith.minsi %get3A_360, %min3A_362 : vector<16xi32>
    %swap3A_364 = arith.constant 1 : i32
    %swap3A_365 = arith.index_cast %swap3A_364 : i32 to index
    %swap3A_366 = arith.constant 80 : index
    %swap3A_367 = tpu.vector_load %arg8[%swap3A_365, %swap3A_366] {strides = array<i32>} : memref<4x128xi32, #tpu.memory_space<vmem>>, vector<1x16xi32>,
    %swap3A_368 = vector.shape_cast %swap3A_367 : vector<1x16xi32> to vector<16xi32>
    %swap3A_369 = vector.shape_cast %min3A_363 : vector<16xi32> to vector<1x16xi32>
    tpu.vector_store %arg8[%swap3A_365, %swap3A_366], %swap3A_369 {strides = array<i32>} : memref<4x128xi32, #tpu.memory_space<vmem>>, vector<1x16xi32>,
    %get3A_370 = arith.constant 1 : i32
    %get3A_371 = arith.index_cast %get3A_370 : i32 to index
    %get3A_372 = arith.constant 96 : index
    %get3A_373 = tpu.vector_load %arg8[%get3A_371, %get3A_372] {strides = array<i32>} : memref<4x128xi32, #tpu.memory_space<vmem>>, vector<1x16xi32>,
    %get3A_374 = vector.shape_cast %get3A_373 : vector<1x16xi32> to vector<16xi32>
    %min3A_375 = arith.constant 50 : i32
    %min3A_376 = vector.broadcast %min3A_375 : i32 to vector<16xi32>
    %min3A_377 = arith.minsi %get3A_374, %min3A_376 : vector<16xi32>
    %swap3A_378 = arith.constant 1 : i32
    %swap3A_379 = arith.index_cast %swap3A_378 : i32 to index
    %swap3A_380 = arith.constant 96 : index
    %swap3A_381 = tpu.vector_load %arg8[%swap3A_379, %swap3A_380] {strides = array<i32>} : memref<4x128xi32, #tpu.memory_space<vmem>>, vector<1x16xi32>,
    %swap3A_382 = vector.shape_cast %swap3A_381 : vector<1x16xi32> to vector<16xi32>
    %swap3A_383 = vector.shape_cast %min3A_377 : vector<16xi32> to vector<1x16xi32>
    tpu.vector_store %arg8[%swap3A_379, %swap3A_380], %swap3A_383 {strides = array<i32>} : memref<4x128xi32, #tpu.memory_space<vmem>>, vector<1x16xi32>,
    %get3A_384 = arith.constant 1 : i32
    %get3A_385 = arith.index_cast %get3A_384 : i32 to index
    %get3A_386 = arith.constant 112 : index
    %get3A_387 = tpu.vector_load %arg8[%get3A_385, %get3A_386] {strides = array<i32>} : memref<4x128xi32, #tpu.memory_space<vmem>>, vector<1x16xi32>,
    %get3A_388 = vector.shape_cast %get3A_387 : vector<1x16xi32> to vector<16xi32>
    %min3A_389 = arith.constant 50 : i32
    %min3A_390 = vector.broadcast %min3A_389 : i32 to vector<16xi32>
    %min3A_391 = arith.minsi %get3A_388, %min3A_390 : vector<16xi32>
    %swap3A_392 = arith.constant 1 : i32
    %swap3A_393 = arith.index_cast %swap3A_392 : i32 to index
    %swap3A_394 = arith.constant 112 : index
    %swap3A_395 = tpu.vector_load %arg8[%swap3A_393, %swap3A_394] {strides = array<i32>} : memref<4x128xi32, #tpu.memory_space<vmem>>, vector<1x16xi32>,
    %swap3A_396 = vector.shape_cast %swap3A_395 : vector<1x16xi32> to vector<16xi32>
    %swap3A_397 = vector.shape_cast %min3A_391 : vector<16xi32> to vector<1x16xi32>
    tpu.vector_store %arg8[%swap3A_393, %swap3A_394], %swap3A_397 {strides = array<i32>} : memref<4x128xi32, #tpu.memory_space<vmem>>, vector<1x16xi32>,
    %get3A_398 = arith.constant 2 : i32
    %get3A_399 = arith.index_cast %get3A_398 : i32 to index
    %get3A_400 = arith.constant 0 : index
    %get3A_401 = tpu.vector_load %arg8[%get3A_399, %get3A_400] {strides = array<i32>} : memref<4x128xi32, #tpu.memory_space<vmem>>, vector<1x16xi32>,
    %get3A_402 = vector.shape_cast %get3A_401 : vector<1x16xi32> to vector<16xi32>
    %min3A_403 = arith.constant 50 : i32
    %min3A_404 = vector.broadcast %min3A_403 : i32 to vector<16xi32>
    %min3A_405 = arith.minsi %get3A_402, %min3A_404 : vector<16xi32>
    %swap3A_406 = arith.constant 2 : i32
    %swap3A_407 = arith.index_cast %swap3A_406 : i32 to index
    %swap3A_408 = arith.constant 0 : index
    %swap3A_409 = tpu.vector_load %arg8[%swap3A_407, %swap3A_408] {strides = array<i32>} : memref<4x128xi32, #tpu.memory_space<vmem>>, vector<1x16xi32>,
    %swap3A_410 = vector.shape_cast %swap3A_409 : vector<1x16xi32> to vector<16xi32>
    %swap3A_411 = vector.shape_cast %min3A_405 : vector<16xi32> to vector<1x16xi32>
    tpu.vector_store %arg8[%swap3A_407, %swap3A_408], %swap3A_411 {strides = array<i32>} : memref<4x128xi32, #tpu.memory_space<vmem>>, vector<1x16xi32>,
    %get3A_412 = arith.constant 2 : i32
    %get3A_413 = arith.index_cast %get3A_412 : i32 to index
    %get3A_414 = arith.constant 16 : index
    %get3A_415 = tpu.vector_load %arg8[%get3A_413, %get3A_414] {strides = array<i32>} : memref<4x128xi32, #tpu.memory_space<vmem>>, vector<1x16xi32>,
    %get3A_416 = vector.shape_cast %get3A_415 : vector<1x16xi32> to vector<16xi32>
    %min3A_417 = arith.constant 50 : i32
    %min3A_418 = vector.broadcast %min3A_417 : i32 to vector<16xi32>
    %min3A_419 = arith.minsi %get3A_416, %min3A_418 : vector<16xi32>
    %swap3A_420 = arith.constant 2 : i32
    %swap3A_421 = arith.index_cast %swap3A_420 : i32 to index
    %swap3A_422 = arith.constant 16 : index
    %swap3A_423 = tpu.vector_load %arg8[%swap3A_421, %swap3A_422] {strides = array<i32>} : memref<4x128xi32, #tpu.memory_space<vmem>>, vector<1x16xi32>,
    %swap3A_424 = vector.shape_cast %swap3A_423 : vector<1x16xi32> to vector<16xi32>
    %swap3A_425 = vector.shape_cast %min3A_419 : vector<16xi32> to vector<1x16xi32>
    tpu.vector_store %arg8[%swap3A_421, %swap3A_422], %swap3A_425 {strides = array<i32>} : memref<4x128xi32, #tpu.memory_space<vmem>>, vector<1x16xi32>,
    %get3A_426 = arith.constant 2 : i32
    %get3A_427 = arith.index_cast %get3A_426 : i32 to index
    %get3A_428 = arith.constant 32 : index
    %get3A_429 = tpu.vector_load %arg8[%get3A_427, %get3A_428] {strides = array<i32>} : memref<4x128xi32, #tpu.memory_space<vmem>>, vector<1x16xi32>,
    %get3A_430 = vector.shape_cast %get3A_429 : vector<1x16xi32> to vector<16xi32>
    %min3A_431 = arith.constant 50 : i32
    %min3A_432 = vector.broadcast %min3A_431 : i32 to vector<16xi32>
    %min3A_433 = arith.minsi %get3A_430, %min3A_432 : vector<16xi32>
    %swap3A_434 = arith.constant 2 : i32
    %swap3A_435 = arith.index_cast %swap3A_434 : i32 to index
    %swap3A_436 = arith.constant 32 : index
    %swap3A_437 = tpu.vector_load %arg8[%swap3A_435, %swap3A_436] {strides = array<i32>} : memref<4x128xi32, #tpu.memory_space<vmem>>, vector<1x16xi32>,
    %swap3A_438 = vector.shape_cast %swap3A_437 : vector<1x16xi32> to vector<16xi32>
    %swap3A_439 = vector.shape_cast %min3A_433 : vector<16xi32> to vector<1x16xi32>
    tpu.vector_store %arg8[%swap3A_435, %swap3A_436], %swap3A_439 {strides = array<i32>} : memref<4x128xi32, #tpu.memory_space<vmem>>, vector<1x16xi32>,
    %get3A_440 = arith.constant 2 : i32
    %get3A_441 = arith.index_cast %get3A_440 : i32 to index
    %get3A_442 = arith.constant 48 : index
    %get3A_443 = tpu.vector_load %arg8[%get3A_441, %get3A_442] {strides = array<i32>} : memref<4x128xi32, #tpu.memory_space<vmem>>, vector<1x16xi32>,
    %get3A_444 = vector.shape_cast %get3A_443 : vector<1x16xi32> to vector<16xi32>
    %min3A_445 = arith.constant 50 : i32
    %min3A_446 = vector.broadcast %min3A_445 : i32 to vector<16xi32>
    %min3A_447 = arith.minsi %get3A_444, %min3A_446 : vector<16xi32>
    %swap3A_448 = arith.constant 2 : i32
    %swap3A_449 = arith.index_cast %swap3A_448 : i32 to index
    %swap3A_450 = arith.constant 48 : index
    %swap3A_451 = tpu.vector_load %arg8[%swap3A_449, %swap3A_450] {strides = array<i32>} : memref<4x128xi32, #tpu.memory_space<vmem>>, vector<1x16xi32>,
    %swap3A_452 = vector.shape_cast %swap3A_451 : vector<1x16xi32> to vector<16xi32>
    %swap3A_453 = vector.shape_cast %min3A_447 : vector<16xi32> to vector<1x16xi32>
    tpu.vector_store %arg8[%swap3A_449, %swap3A_450], %swap3A_453 {strides = array<i32>} : memref<4x128xi32, #tpu.memory_space<vmem>>, vector<1x16xi32>,
    %get3A_454 = arith.constant 2 : i32
    %get3A_455 = arith.index_cast %get3A_454 : i32 to index
    %get3A_456 = arith.constant 64 : index
    %get3A_457 = tpu.vector_load %arg8[%get3A_455, %get3A_456] {strides = array<i32>} : memref<4x128xi32, #tpu.memory_space<vmem>>, vector<1x16xi32>,
    %get3A_458 = vector.shape_cast %get3A_457 : vector<1x16xi32> to vector<16xi32>
    %min3A_459 = arith.constant 50 : i32
    %min3A_460 = vector.broadcast %min3A_459 : i32 to vector<16xi32>
    %min3A_461 = arith.minsi %get3A_458, %min3A_460 : vector<16xi32>
    %swap3A_462 = arith.constant 2 : i32
    %swap3A_463 = arith.index_cast %swap3A_462 : i32 to index
    %swap3A_464 = arith.constant 64 : index
    %swap3A_465 = tpu.vector_load %arg8[%swap3A_463, %swap3A_464] {strides = array<i32>} : memref<4x128xi32, #tpu.memory_space<vmem>>, vector<1x16xi32>,
    %swap3A_466 = vector.shape_cast %swap3A_465 : vector<1x16xi32> to vector<16xi32>
    %swap3A_467 = vector.shape_cast %min3A_461 : vector<16xi32> to vector<1x16xi32>
    tpu.vector_store %arg8[%swap3A_463, %swap3A_464], %swap3A_467 {strides = array<i32>} : memref<4x128xi32, #tpu.memory_space<vmem>>, vector<1x16xi32>,
    %get3A_468 = arith.constant 2 : i32
    %get3A_469 = arith.index_cast %get3A_468 : i32 to index
    %get3A_470 = arith.constant 80 : index
    %get3A_471 = tpu.vector_load %arg8[%get3A_469, %get3A_470] {strides = array<i32>} : memref<4x128xi32, #tpu.memory_space<vmem>>, vector<1x16xi32>,
    %get3A_472 = vector.shape_cast %get3A_471 : vector<1x16xi32> to vector<16xi32>
    %min3A_473 = arith.constant 50 : i32
    %min3A_474 = vector.broadcast %min3A_473 : i32 to vector<16xi32>
    %min3A_475 = arith.minsi %get3A_472, %min3A_474 : vector<16xi32>
    %swap3A_476 = arith.constant 2 : i32
    %swap3A_477 = arith.index_cast %swap3A_476 : i32 to index
    %swap3A_478 = arith.constant 80 : index
    %swap3A_479 = tpu.vector_load %arg8[%swap3A_477, %swap3A_478] {strides = array<i32>} : memref<4x128xi32, #tpu.memory_space<vmem>>, vector<1x16xi32>,
    %swap3A_480 = vector.shape_cast %swap3A_479 : vector<1x16xi32> to vector<16xi32>
    %swap3A_481 = vector.shape_cast %min3A_475 : vector<16xi32> to vector<1x16xi32>
    tpu.vector_store %arg8[%swap3A_477, %swap3A_478], %swap3A_481 {strides = array<i32>} : memref<4x128xi32, #tpu.memory_space<vmem>>, vector<1x16xi32>,
    %get3A_482 = arith.constant 2 : i32
    %get3A_483 = arith.index_cast %get3A_482 : i32 to index
    %get3A_484 = arith.constant 96 : index
    %get3A_485 = tpu.vector_load %arg8[%get3A_483, %get3A_484] {strides = array<i32>} : memref<4x128xi32, #tpu.memory_space<vmem>>, vector<1x16xi32>,
    %get3A_486 = vector.shape_cast %get3A_485 : vector<1x16xi32> to vector<16xi32>
    %min3A_487 = arith.constant 50 : i32
    %min3A_488 = vector.broadcast %min3A_487 : i32 to vector<16xi32>
    %min3A_489 = arith.minsi %get3A_486, %min3A_488 : vector<16xi32>
    %swap3A_490 = arith.constant 2 : i32
    %swap3A_491 = arith.index_cast %swap3A_490 : i32 to index
    %swap3A_492 = arith.constant 96 : index
    %swap3A_493 = tpu.vector_load %arg8[%swap3A_491, %swap3A_492] {strides = array<i32>} : memref<4x128xi32, #tpu.memory_space<vmem>>, vector<1x16xi32>,
    %swap3A_494 = vector.shape_cast %swap3A_493 : vector<1x16xi32> to vector<16xi32>
    %swap3A_495 = vector.shape_cast %min3A_489 : vector<16xi32> to vector<1x16xi32>
    tpu.vector_store %arg8[%swap3A_491, %swap3A_492], %swap3A_495 {strides = array<i32>} : memref<4x128xi32, #tpu.memory_space<vmem>>, vector<1x16xi32>,
    %get3A_496 = arith.constant 2 : i32
    %get3A_497 = arith.index_cast %get3A_496 : i32 to index
    %get3A_498 = arith.constant 112 : index
    %get3A_499 = tpu.vector_load %arg8[%get3A_497, %get3A_498] {strides = array<i32>} : memref<4x128xi32, #tpu.memory_space<vmem>>, vector<1x16xi32>,
    %get3A_500 = vector.shape_cast %get3A_499 : vector<1x16xi32> to vector<16xi32>
    %min3A_501 = arith.constant 50 : i32
    %min3A_502 = vector.broadcast %min3A_501 : i32 to vector<16xi32>
    %min3A_503 = arith.minsi %get3A_500, %min3A_502 : vector<16xi32>
    %swap3A_504 = arith.constant 2 : i32
    %swap3A_505 = arith.index_cast %swap3A_504 : i32 to index
    %swap3A_506 = arith.constant 112 : index
    %swap3A_507 = tpu.vector_load %arg8[%swap3A_505, %swap3A_506] {strides = array<i32>} : memref<4x128xi32, #tpu.memory_space<vmem>>, vector<1x16xi32>,
    %swap3A_508 = vector.shape_cast %swap3A_507 : vector<1x16xi32> to vector<16xi32>
    %swap3A_509 = vector.shape_cast %min3A_503 : vector<16xi32> to vector<1x16xi32>
    tpu.vector_store %arg8[%swap3A_505, %swap3A_506], %swap3A_509 {strides = array<i32>} : memref<4x128xi32, #tpu.memory_space<vmem>>, vector<1x16xi32>,
    %get3A_510 = arith.constant 3 : i32
    %get3A_511 = arith.index_cast %get3A_510 : i32 to index
    %get3A_512 = arith.constant 0 : index
    %get3A_513 = tpu.vector_load %arg8[%get3A_511, %get3A_512] {strides = array<i32>} : memref<4x128xi32, #tpu.memory_space<vmem>>, vector<1x16xi32>,
    %get3A_514 = vector.shape_cast %get3A_513 : vector<1x16xi32> to vector<16xi32>
    %min3A_515 = arith.constant 50 : i32
    %min3A_516 = vector.broadcast %min3A_515 : i32 to vector<16xi32>
    %min3A_517 = arith.minsi %get3A_514, %min3A_516 : vector<16xi32>
    %swap3A_518 = arith.constant 3 : i32
    %swap3A_519 = arith.index_cast %swap3A_518 : i32 to index
    %swap3A_520 = arith.constant 0 : index
    %swap3A_521 = tpu.vector_load %arg8[%swap3A_519, %swap3A_520] {strides = array<i32>} : memref<4x128xi32, #tpu.memory_space<vmem>>, vector<1x16xi32>,
    %swap3A_522 = vector.shape_cast %swap3A_521 : vector<1x16xi32> to vector<16xi32>
    %swap3A_523 = vector.shape_cast %min3A_517 : vector<16xi32> to vector<1x16xi32>
    tpu.vector_store %arg8[%swap3A_519, %swap3A_520], %swap3A_523 {strides = array<i32>} : memref<4x128xi32, #tpu.memory_space<vmem>>, vector<1x16xi32>,
    %get3A_524 = arith.constant 3 : i32
    %get3A_525 = arith.index_cast %get3A_524 : i32 to index
    %get3A_526 = arith.constant 16 : index
    %get3A_527 = tpu.vector_load %arg8[%get3A_525, %get3A_526] {strides = array<i32>} : memref<4x128xi32, #tpu.memory_space<vmem>>, vector<1x16xi32>,
    %get3A_528 = vector.shape_cast %get3A_527 : vector<1x16xi32> to vector<16xi32>
    %min3A_529 = arith.constant 50 : i32
    %min3A_530 = vector.broadcast %min3A_529 : i32 to vector<16xi32>
    %min3A_531 = arith.minsi %get3A_528, %min3A_530 : vector<16xi32>
    %swap3A_532 = arith.constant 3 : i32
    %swap3A_533 = arith.index_cast %swap3A_532 : i32 to index
    %swap3A_534 = arith.constant 16 : index
    %swap3A_535 = tpu.vector_load %arg8[%swap3A_533, %swap3A_534] {strides = array<i32>} : memref<4x128xi32, #tpu.memory_space<vmem>>, vector<1x16xi32>,
    %swap3A_536 = vector.shape_cast %swap3A_535 : vector<1x16xi32> to vector<16xi32>
    %swap3A_537 = vector.shape_cast %min3A_531 : vector<16xi32> to vector<1x16xi32>
    tpu.vector_store %arg8[%swap3A_533, %swap3A_534], %swap3A_537 {strides = array<i32>} : memref<4x128xi32, #tpu.memory_space<vmem>>, vector<1x16xi32>,
    %get3A_538 = arith.constant 3 : i32
    %get3A_539 = arith.index_cast %get3A_538 : i32 to index
    %get3A_540 = arith.constant 32 : index
    %get3A_541 = tpu.vector_load %arg8[%get3A_539, %get3A_540] {strides = array<i32>} : memref<4x128xi32, #tpu.memory_space<vmem>>, vector<1x16xi32>,
    %get3A_542 = vector.shape_cast %get3A_541 : vector<1x16xi32> to vector<16xi32>
    %min3A_543 = arith.constant 50 : i32
    %min3A_544 = vector.broadcast %min3A_543 : i32 to vector<16xi32>
    %min3A_545 = arith.minsi %get3A_542, %min3A_544 : vector<16xi32>
    %swap3A_546 = arith.constant 3 : i32
    %swap3A_547 = arith.index_cast %swap3A_546 : i32 to index
    %swap3A_548 = arith.constant 32 : index
    %swap3A_549 = tpu.vector_load %arg8[%swap3A_547, %swap3A_548] {strides = array<i32>} : memref<4x128xi32, #tpu.memory_space<vmem>>, vector<1x16xi32>,
    %swap3A_550 = vector.shape_cast %swap3A_549 : vector<1x16xi32> to vector<16xi32>
    %swap3A_551 = vector.shape_cast %min3A_545 : vector<16xi32> to vector<1x16xi32>
    tpu.vector_store %arg8[%swap3A_547, %swap3A_548], %swap3A_551 {strides = array<i32>} : memref<4x128xi32, #tpu.memory_space<vmem>>, vector<1x16xi32>,
    %get3A_552 = arith.constant 3 : i32
    %get3A_553 = arith.index_cast %get3A_552 : i32 to index
    %get3A_554 = arith.constant 48 : index
    %get3A_555 = tpu.vector_load %arg8[%get3A_553, %get3A_554] {strides = array<i32>} : memref<4x128xi32, #tpu.memory_space<vmem>>, vector<1x16xi32>,
    %get3A_556 = vector.shape_cast %get3A_555 : vector<1x16xi32> to vector<16xi32>
    %min3A_557 = arith.constant 50 : i32
    %min3A_558 = vector.broadcast %min3A_557 : i32 to vector<16xi32>
    %min3A_559 = arith.minsi %get3A_556, %min3A_558 : vector<16xi32>
    %swap3A_560 = arith.constant 3 : i32
    %swap3A_561 = arith.index_cast %swap3A_560 : i32 to index
    %swap3A_562 = arith.constant 48 : index
    %swap3A_563 = tpu.vector_load %arg8[%swap3A_561, %swap3A_562] {strides = array<i32>} : memref<4x128xi32, #tpu.memory_space<vmem>>, vector<1x16xi32>,
    %swap3A_564 = vector.shape_cast %swap3A_563 : vector<1x16xi32> to vector<16xi32>
    %swap3A_565 = vector.shape_cast %min3A_559 : vector<16xi32> to vector<1x16xi32>
    tpu.vector_store %arg8[%swap3A_561, %swap3A_562], %swap3A_565 {strides = array<i32>} : memref<4x128xi32, #tpu.memory_space<vmem>>, vector<1x16xi32>,
    %get3A_566 = arith.constant 3 : i32
    %get3A_567 = arith.index_cast %get3A_566 : i32 to index
    %get3A_568 = arith.constant 64 : index
    %get3A_569 = tpu.vector_load %arg8[%get3A_567, %get3A_568] {strides = array<i32>} : memref<4x128xi32, #tpu.memory_space<vmem>>, vector<1x16xi32>,
    %get3A_570 = vector.shape_cast %get3A_569 : vector<1x16xi32> to vector<16xi32>
    %min3A_571 = arith.constant 50 : i32
    %min3A_572 = vector.broadcast %min3A_571 : i32 to vector<16xi32>
    %min3A_573 = arith.minsi %get3A_570, %min3A_572 : vector<16xi32>
    %swap3A_574 = arith.constant 3 : i32
    %swap3A_575 = arith.index_cast %swap3A_574 : i32 to index
    %swap3A_576 = arith.constant 64 : index
    %swap3A_577 = tpu.vector_load %arg8[%swap3A_575, %swap3A_576] {strides = array<i32>} : memref<4x128xi32, #tpu.memory_space<vmem>>, vector<1x16xi32>,
    %swap3A_578 = vector.shape_cast %swap3A_577 : vector<1x16xi32> to vector<16xi32>
    %swap3A_579 = vector.shape_cast %min3A_573 : vector<16xi32> to vector<1x16xi32>
    tpu.vector_store %arg8[%swap3A_575, %swap3A_576], %swap3A_579 {strides = array<i32>} : memref<4x128xi32, #tpu.memory_space<vmem>>, vector<1x16xi32>,
    %get3A_580 = arith.constant 3 : i32
    %get3A_581 = arith.index_cast %get3A_580 : i32 to index
    %get3A_582 = arith.constant 80 : index
    %get3A_583 = tpu.vector_load %arg8[%get3A_581, %get3A_582] {strides = array<i32>} : memref<4x128xi32, #tpu.memory_space<vmem>>, vector<1x16xi32>,
    %get3A_584 = vector.shape_cast %get3A_583 : vector<1x16xi32> to vector<16xi32>
    %min3A_585 = arith.constant 50 : i32
    %min3A_586 = vector.broadcast %min3A_585 : i32 to vector<16xi32>
    %min3A_587 = arith.minsi %get3A_584, %min3A_586 : vector<16xi32>
    %swap3A_588 = arith.constant 3 : i32
    %swap3A_589 = arith.index_cast %swap3A_588 : i32 to index
    %swap3A_590 = arith.constant 80 : index
    %swap3A_591 = tpu.vector_load %arg8[%swap3A_589, %swap3A_590] {strides = array<i32>} : memref<4x128xi32, #tpu.memory_space<vmem>>, vector<1x16xi32>,
    %swap3A_592 = vector.shape_cast %swap3A_591 : vector<1x16xi32> to vector<16xi32>
    %swap3A_593 = vector.shape_cast %min3A_587 : vector<16xi32> to vector<1x16xi32>
    tpu.vector_store %arg8[%swap3A_589, %swap3A_590], %swap3A_593 {strides = array<i32>} : memref<4x128xi32, #tpu.memory_space<vmem>>, vector<1x16xi32>,
    %get3A_594 = arith.constant 3 : i32
    %get3A_595 = arith.index_cast %get3A_594 : i32 to index
    %get3A_596 = arith.constant 96 : index
    %get3A_597 = tpu.vector_load %arg8[%get3A_595, %get3A_596] {strides = array<i32>} : memref<4x128xi32, #tpu.memory_space<vmem>>, vector<1x16xi32>,
    %get3A_598 = vector.shape_cast %get3A_597 : vector<1x16xi32> to vector<16xi32>
    %min3A_599 = arith.constant 50 : i32
    %min3A_600 = vector.broadcast %min3A_599 : i32 to vector<16xi32>
    %min3A_601 = arith.minsi %get3A_598, %min3A_600 : vector<16xi32>
    %swap3A_602 = arith.constant 3 : i32
    %swap3A_603 = arith.index_cast %swap3A_602 : i32 to index
    %swap3A_604 = arith.constant 96 : index
    %swap3A_605 = tpu.vector_load %arg8[%swap3A_603, %swap3A_604] {strides = array<i32>} : memref<4x128xi32, #tpu.memory_space<vmem>>, vector<1x16xi32>,
    %swap3A_606 = vector.shape_cast %swap3A_605 : vector<1x16xi32> to vector<16xi32>
    %swap3A_607 = vector.shape_cast %min3A_601 : vector<16xi32> to vector<1x16xi32>
    tpu.vector_store %arg8[%swap3A_603, %swap3A_604], %swap3A_607 {strides = array<i32>} : memref<4x128xi32, #tpu.memory_space<vmem>>, vector<1x16xi32>,
    %get3A_608 = arith.constant 3 : i32
    %get3A_609 = arith.index_cast %get3A_608 : i32 to index
    %get3A_610 = arith.constant 112 : index
    %get3A_611 = tpu.vector_load %arg8[%get3A_609, %get3A_610] {strides = array<i32>} : memref<4x128xi32, #tpu.memory_space<vmem>>, vector<1x16xi32>,
    %get3A_612 = vector.shape_cast %get3A_611 : vector<1x16xi32> to vector<16xi32>
    %min3A_613 = arith.constant 50 : i32
    %min3A_614 = vector.broadcast %min3A_613 : i32 to vector<16xi32>
    %min3A_615 = arith.minsi %get3A_612, %min3A_614 : vector<16xi32>
    %swap3A_616 = arith.constant 3 : i32
    %swap3A_617 = arith.index_cast %swap3A_616 : i32 to index
    %swap3A_618 = arith.constant 112 : index
    %swap3A_619 = tpu.vector_load %arg8[%swap3A_617, %swap3A_618] {strides = array<i32>} : memref<4x128xi32, #tpu.memory_space<vmem>>, vector<1x16xi32>,
    %swap3A_620 = vector.shape_cast %swap3A_619 : vector<1x16xi32> to vector<16xi32>
    %swap3A_621 = vector.shape_cast %min3A_615 : vector<16xi32> to vector<1x16xi32>
    tpu.vector_store %arg8[%swap3A_617, %swap3A_618], %swap3A_621 {strides = array<i32>} : memref<4x128xi32, #tpu.memory_space<vmem>>, vector<1x16xi32>,
    %dma_start3A_622 = arith.constant 0 : i32
    %dma_start3A_623 = arith.constant 0 : i32
    %dma_start3A_624 = arith.constant 0 : i32
    %dma_start3A_625 = tpu.memref_slice %arg10[%dma_start3A_623, %dma_start3A_624] : memref<512x64xf32, #tpu.memory_space<vmem>> -> memref<128x64xf32, #tpu.memory_space<vmem>>
    %dma_start3A_626 = arith.constant 0 : i32
    %dma_start3A_627 = tpu.memref_slice %arg7[%dma_start3A_622, %dma_start3A_626] : memref<4x128xi32, #tpu.memory_space<vmem>> -> memref<1x128xi32, #tpu.memory_space<vmem>>
    %dma_start3A_628 = tpu.memref_squeeze %dma_start3A_627 : memref<1x128xi32, #tpu.memory_space<vmem>> -> memref<128xi32, #tpu.memory_space<vmem>>
    %dma_start3A_629 = arith.constant 0 : i32
    %dma_start3A_630 = arith.constant 0 : i32
    %dma_start3A_631 = tpu.memref_slice %arg4[%dma_start3A_629, %dma_start3A_630] : memref<100000x64xf32, #tpu.memory_space<hbm>> -> memref<100000x64xf32, #tpu.memory_space<hbm>>
    tpu.enqueue_indirect_dma source(%dma_start3A_631 : memref<100000x64xf32, #tpu.memory_space<hbm>>) target(%dma_start3A_625 : memref<128x64xf32, #tpu.memory_space<vmem>>) offsets(%dma_start3A_628 : memref<128xi32, #tpu.memory_space<vmem>>) semaphore(%arg12 : memref<!tpu.dma_semaphore, #tpu.memory_space<semaphore_mem>>)
    %dma_start3A_632 = arith.constant 1 : i32
    %dma_start3A_633 = arith.constant 128 : i32
    %dma_start3A_634 = arith.constant 0 : i32
    %dma_start3A_635 = tpu.memref_slice %arg10[%dma_start3A_633, %dma_start3A_634] : memref<512x64xf32, #tpu.memory_space<vmem>> -> memref<128x64xf32, #tpu.memory_space<vmem>>
    %dma_start3A_636 = arith.constant 0 : i32
    %dma_start3A_637 = tpu.memref_slice %arg7[%dma_start3A_632, %dma_start3A_636] : memref<4x128xi32, #tpu.memory_space<vmem>> -> memref<1x128xi32, #tpu.memory_space<vmem>>
    %dma_start3A_638 = tpu.memref_squeeze %dma_start3A_637 : memref<1x128xi32, #tpu.memory_space<vmem>> -> memref<128xi32, #tpu.memory_space<vmem>>
    %dma_start3A_639 = arith.constant 0 : i32
    %dma_start3A_640 = arith.constant 0 : i32
    %dma_start3A_641 = tpu.memref_slice %arg4[%dma_start3A_639, %dma_start3A_640] : memref<100000x64xf32, #tpu.memory_space<hbm>> -> memref<100000x64xf32, #tpu.memory_space<hbm>>
    tpu.enqueue_indirect_dma source(%dma_start3A_641 : memref<100000x64xf32, #tpu.memory_space<hbm>>) target(%dma_start3A_635 : memref<128x64xf32, #tpu.memory_space<vmem>>) offsets(%dma_start3A_638 : memref<128xi32, #tpu.memory_space<vmem>>) semaphore(%arg12 : memref<!tpu.dma_semaphore, #tpu.memory_space<semaphore_mem>>)
    %dma_start3A_642 = arith.constant 2 : i32
    %dma_start3A_643 = arith.constant 256 : i32
    %dma_start3A_644 = arith.constant 0 : i32
    %dma_start3A_645 = tpu.memref_slice %arg10[%dma_start3A_643, %dma_start3A_644] : memref<512x64xf32, #tpu.memory_space<vmem>> -> memref<128x64xf32, #tpu.memory_space<vmem>>
    %dma_start3A_646 = arith.constant 0 : i32
    %dma_start3A_647 = tpu.memref_slice %arg7[%dma_start3A_642, %dma_start3A_646] : memref<4x128xi32, #tpu.memory_space<vmem>> -> memref<1x128xi32, #tpu.memory_space<vmem>>
    %dma_start3A_648 = tpu.memref_squeeze %dma_start3A_647 : memref<1x128xi32, #tpu.memory_space<vmem>> -> memref<128xi32, #tpu.memory_space<vmem>>
    %dma_start3A_649 = arith.constant 0 : i32
    %dma_start3A_650 = arith.constant 0 : i32
    %dma_start3A_651 = tpu.memref_slice %arg4[%dma_start3A_649, %dma_start3A_650] : memref<100000x64xf32, #tpu.memory_space<hbm>> -> memref<100000x64xf32, #tpu.memory_space<hbm>>
    tpu.enqueue_indirect_dma source(%dma_start3A_651 : memref<100000x64xf32, #tpu.memory_space<hbm>>) target(%dma_start3A_645 : memref<128x64xf32, #tpu.memory_space<vmem>>) offsets(%dma_start3A_648 : memref<128xi32, #tpu.memory_space<vmem>>) semaphore(%arg12 : memref<!tpu.dma_semaphore, #tpu.memory_space<semaphore_mem>>)
    %dma_start3A_652 = arith.constant 3 : i32
    %dma_start3A_653 = arith.constant 384 : i32
    %dma_start3A_654 = arith.constant 0 : i32
    %dma_start3A_655 = tpu.memref_slice %arg10[%dma_start3A_653, %dma_start3A_654] : memref<512x64xf32, #tpu.memory_space<vmem>> -> memref<128x64xf32, #tpu.memory_space<vmem>>
    %dma_start3A_656 = arith.constant 0 : i32
    %dma_start3A_657 = tpu.memref_slice %arg7[%dma_start3A_652, %dma_start3A_656] : memref<4x128xi32, #tpu.memory_space<vmem>> -> memref<1x128xi32, #tpu.memory_space<vmem>>
    %dma_start3A_658 = tpu.memref_squeeze %dma_start3A_657 : memref<1x128xi32, #tpu.memory_space<vmem>> -> memref<128xi32, #tpu.memory_space<vmem>>
    %dma_start3A_659 = arith.constant 0 : i32
    %dma_start3A_660 = arith.constant 0 : i32
    %dma_start3A_661 = tpu.memref_slice %arg4[%dma_start3A_659, %dma_start3A_660] : memref<100000x64xf32, #tpu.memory_space<hbm>> -> memref<100000x64xf32, #tpu.memory_space<hbm>>
    tpu.enqueue_indirect_dma source(%dma_start3A_661 : memref<100000x64xf32, #tpu.memory_space<hbm>>) target(%dma_start3A_655 : memref<128x64xf32, #tpu.memory_space<vmem>>) offsets(%dma_start3A_658 : memref<128xi32, #tpu.memory_space<vmem>>) semaphore(%arg12 : memref<!tpu.dma_semaphore, #tpu.memory_space<semaphore_mem>>)
    %dma_wait3A_662 = arith.constant 0 : i32
    %dma_wait3A_663 = arith.constant 0 : i32
    %dma_wait3A_664 = arith.constant 0 : i32
    %dma_wait3A_665 = tpu.memref_slice %arg10[%dma_wait3A_663, %dma_wait3A_664] : memref<512x64xf32, #tpu.memory_space<vmem>> -> memref<128x64xf32, #tpu.memory_space<vmem>>
    %dma_wait3A_666 = arith.constant 0 : i32
    %dma_wait3A_667 = tpu.memref_slice %arg7[%dma_wait3A_662, %dma_wait3A_666] : memref<4x128xi32, #tpu.memory_space<vmem>> -> memref<1x128xi32, #tpu.memory_space<vmem>>
    %dma_wait3A_668 = tpu.memref_squeeze %dma_wait3A_667 : memref<1x128xi32, #tpu.memory_space<vmem>> -> memref<128xi32, #tpu.memory_space<vmem>>
    %dma_wait3A_669 = arith.constant 0 : i32
    %dma_wait3A_670 = arith.constant 0 : i32
    %dma_wait3A_671 = tpu.memref_slice %arg4[%dma_wait3A_669, %dma_wait3A_670] : memref<100000x64xf32, #tpu.memory_space<hbm>> -> memref<100000x64xf32, #tpu.memory_space<hbm>>
    tpu.wait_indirect_dma semaphore(%arg12 : memref<!tpu.dma_semaphore, #tpu.memory_space<semaphore_mem>>) src(%dma_wait3A_671 : memref<100000x64xf32, #tpu.memory_space<hbm>>) dst(%dma_wait3A_665 : memref<128x64xf32, #tpu.memory_space<vmem>>)
    %dma_wait3A_672 = arith.constant 1 : i32
    %dma_wait3A_673 = arith.constant 128 : i32
    %dma_wait3A_674 = arith.constant 0 : i32
    %dma_wait3A_675 = tpu.memref_slice %arg10[%dma_wait3A_673, %dma_wait3A_674] : memref<512x64xf32, #tpu.memory_space<vmem>> -> memref<128x64xf32, #tpu.memory_space<vmem>>
    %dma_wait3A_676 = arith.constant 0 : i32
    %dma_wait3A_677 = tpu.memref_slice %arg7[%dma_wait3A_672, %dma_wait3A_676] : memref<4x128xi32, #tpu.memory_space<vmem>> -> memref<1x128xi32, #tpu.memory_space<vmem>>
    %dma_wait3A_678 = tpu.memref_squeeze %dma_wait3A_677 : memref<1x128xi32, #tpu.memory_space<vmem>> -> memref<128xi32, #tpu.memory_space<vmem>>
    %dma_wait3A_679 = arith.constant 0 : i32
    %dma_wait3A_680 = arith.constant 0 : i32
    %dma_wait3A_681 = tpu.memref_slice %arg4[%dma_wait3A_679, %dma_wait3A_680] : memref<100000x64xf32, #tpu.memory_space<hbm>> -> memref<100000x64xf32, #tpu.memory_space<hbm>>
    tpu.wait_indirect_dma semaphore(%arg12 : memref<!tpu.dma_semaphore, #tpu.memory_space<semaphore_mem>>) src(%dma_wait3A_681 : memref<100000x64xf32, #tpu.memory_space<hbm>>) dst(%dma_wait3A_675 : memref<128x64xf32, #tpu.memory_space<vmem>>)
    %dma_wait3A_682 = arith.constant 2 : i32
    %dma_wait3A_683 = arith.constant 256 : i32
    %dma_wait3A_684 = arith.constant 0 : i32
    %dma_wait3A_685 = tpu.memref_slice %arg10[%dma_wait3A_683, %dma_wait3A_684] : memref<512x64xf32, #tpu.memory_space<vmem>> -> memref<128x64xf32, #tpu.memory_space<vmem>>
    %dma_wait3A_686 = arith.constant 0 : i32
    %dma_wait3A_687 = tpu.memref_slice %arg7[%dma_wait3A_682, %dma_wait3A_686] : memref<4x128xi32, #tpu.memory_space<vmem>> -> memref<1x128xi32, #tpu.memory_space<vmem>>
    %dma_wait3A_688 = tpu.memref_squeeze %dma_wait3A_687 : memref<1x128xi32, #tpu.memory_space<vmem>> -> memref<128xi32, #tpu.memory_space<vmem>>
    %dma_wait3A_689 = arith.constant 0 : i32
    %dma_wait3A_690 = arith.constant 0 : i32
    %dma_wait3A_691 = tpu.memref_slice %arg4[%dma_wait3A_689, %dma_wait3A_690] : memref<100000x64xf32, #tpu.memory_space<hbm>> -> memref<100000x64xf32, #tpu.memory_space<hbm>>
    tpu.wait_indirect_dma semaphore(%arg12 : memref<!tpu.dma_semaphore, #tpu.memory_space<semaphore_mem>>) src(%dma_wait3A_691 : memref<100000x64xf32, #tpu.memory_space<hbm>>) dst(%dma_wait3A_685 : memref<128x64xf32, #tpu.memory_space<vmem>>)
    %dma_wait3A_692 = arith.constant 3 : i32
    %dma_wait3A_693 = arith.constant 384 : i32
    %dma_wait3A_694 = arith.constant 0 : i32
    %dma_wait3A_695 = tpu.memref_slice %arg10[%dma_wait3A_693, %dma_wait3A_694] : memref<512x64xf32, #tpu.memory_space<vmem>> -> memref<128x64xf32, #tpu.memory_space<vmem>>
    %dma_wait3A_696 = arith.constant 0 : i32
    %dma_wait3A_697 = tpu.memref_slice %arg7[%dma_wait3A_692, %dma_wait3A_696] : memref<4x128xi32, #tpu.memory_space<vmem>> -> memref<1x128xi32, #tpu.memory_space<vmem>>
    %dma_wait3A_698 = tpu.memref_squeeze %dma_wait3A_697 : memref<1x128xi32, #tpu.memory_space<vmem>> -> memref<128xi32, #tpu.memory_space<vmem>>
    %dma_wait3A_699 = arith.constant 0 : i32
    %dma_wait3A_700 = arith.constant 0 : i32
    %dma_wait3A_701 = tpu.memref_slice %arg4[%dma_wait3A_699, %dma_wait3A_700] : memref<100000x64xf32, #tpu.memory_space<hbm>> -> memref<100000x64xf32, #tpu.memory_space<hbm>>
    tpu.wait_indirect_dma semaphore(%arg12 : memref<!tpu.dma_semaphore, #tpu.memory_space<semaphore_mem>>) src(%dma_wait3A_701 : memref<100000x64xf32, #tpu.memory_space<hbm>>) dst(%dma_wait3A_695 : memref<128x64xf32, #tpu.memory_space<vmem>>)
    %scan3A = arith.constant 0 : i32
    %scan3A_702 = arith.constant 32 : i32
    %scan3A_703 = arith.addi %scan3A, %scan3A_702 : i32
    %scan3A_704 = arith.constant 1 : i32
    scf.for %scan3A_706 = %scan3A to %scan3A_703 step %scan3A_704  : i32 {
      %mul3A_707 = arith.constant 1 : i32
      %mul3A_708 = arith.muli %scan3A_706, %mul3A_707 : i32
      %add3A_709 = arith.constant 0 : i32
      %add3A_710 = arith.addi %add3A_709, %mul3A_708 : i32
      %jit3A = arith.constant 8 : i32
      %div3A = arith.divsi %add3A_710, %jit3A : i32
      %sign3A = arith.constant 0 : i32
      %sign3A_711 = arith.cmpi sgt, %add3A_710, %sign3A : i32
      %sign3A_712 = arith.extui %sign3A_711 : i1 to i32
      %sign3A_713 = arith.constant 0 : i32
      %sign3A_714 = arith.cmpi slt, %add3A_710, %sign3A_713 : i32
      %sign3A_715 = arith.extui %sign3A_714 : i1 to i32
      %sign3A_716 = arith.subi %sign3A_712, %sign3A_715 : i32
      %sign3A_717 = arith.constant 0 : i32
      %sign3A_718 = arith.cmpi sgt, %jit3A, %sign3A_717 : i32
      %sign3A_719 = arith.extui %sign3A_718 : i1 to i32
      %sign3A_720 = arith.constant 0 : i32
      %sign3A_721 = arith.cmpi slt, %jit3A, %sign3A_720 : i32
      %sign3A_722 = arith.extui %sign3A_721 : i1 to i32
      %sign3A_723 = arith.subi %sign3A_719, %sign3A_722 : i32
      %ne3A = arith.cmpi ne, %sign3A_716, %sign3A_723 : i32
      %rem3A = arith.remsi %add3A_710, %jit3A : i32
      %ne3A_724 = arith.constant 0 : i32
      %ne3A_725 = arith.cmpi ne, %rem3A, %ne3A_724 : i32
      %and3A = arith.andi %ne3A, %ne3A_725 : i1
      %sub3A = arith.constant 1 : i32
      %sub3A_726 = arith.subi %div3A, %sub3A : i32
      %select_n3A = arith.select %and3A, %sub3A_726, %div3A : i32
      %jit3A_727 = arith.constant 8 : i32
      %eq3A = arith.constant 0 : i32
      %eq3A_728 = arith.cmpi eq, %jit3A_727, %eq3A : i32
      %jit3A_729 = arith.constant 1 : i32
      %select_n3A_730 = arith.select %eq3A_728, %jit3A_729, %jit3A_727 : i32
      %rem3A_731 = arith.remsi %add3A_710, %select_n3A_730 : i32
      %ne3A_732 = arith.constant 0 : i32
      %ne3A_733 = arith.cmpi ne, %rem3A_731, %ne3A_732 : i32
      %lt3A = arith.constant 0 : i32
      %lt3A_734 = arith.cmpi slt, %rem3A_731, %lt3A : i32
      %lt3A_735 = arith.constant 0 : i32
      %lt3A_736 = arith.cmpi slt, %select_n3A_730, %lt3A_735 : i32
      %ne3A_737 = arith.xori %lt3A_734, %lt3A_736 : i1
      %and3A_738 = arith.andi %ne3A_737, %ne3A_733 : i1
      %add3A_739 = arith.addi %rem3A_731, %select_n3A_730 : i32
      %select_n3A_740 = arith.select %and3A_738, %add3A_739, %rem3A_731 : i32
      %mul3A_741 = arith.constant 16 : i32
      %mul3A_742 = arith.muli %select_n3A_740, %mul3A_741 : i32
      %get3A_743 = arith.index_cast %select_n3A : i32 to index
      %get3A_744 = arith.index_cast %mul3A_742 : i32 to index
      %get3A_745 = tpu.vector_load %arg8[%get3A_743, %get3A_744] {strides = array<i32>} : memref<4x128xi32, #tpu.memory_space<vmem>>, vector<1x16xi32>,
      %get3A_746 = vector.shape_cast %get3A_745 : vector<1x16xi32> to vector<16xi32>
      %slice3A = vector.extract_strided_slice %get3A_746 {offsets = [0], sizes = [1], strides = [1]} : vector<16xi32> to vector<1xi32>
      %squeeze3A = vector.extract %slice3A[0] : i32 from vector<1xi32>
      %mul3A_747 = arith.constant 16 : i32
      %mul3A_748 = arith.muli %add3A_710, %mul3A_747 : i32
      %add3A_749 = arith.constant 0 : i32
      %add3A_750 = arith.addi %mul3A_748, %add3A_749 : i32
      %get3A_751 = arith.index_cast %add3A_750 : i32 to index
      %get3A_752 = arith.constant 0 : index
      %get3A_753 = tpu.vector_load %arg10[%get3A_751, %get3A_752] {strides = array<i32>} : memref<512x64xf32, #tpu.memory_space<vmem>>, vector<1x16xf32>,
      %get3A_754 = vector.shape_cast %get3A_753 : vector<1x16xf32> to vector<16xf32>
      %get3A_755 = arith.index_cast %squeeze3A : i32 to index
      %get3A_756 = arith.constant 0 : index
      %get3A_757 = tpu.vector_load %arg9[%get3A_755, %get3A_756] {strides = array<i32>} : memref<51x64xf32, #tpu.memory_space<vmem>>, vector<1x16xf32>,
      %get3A_758 = vector.shape_cast %get3A_757 : vector<1x16xf32> to vector<16xf32>
      %add3A_759 = arith.addf %get3A_754, %get3A_758 : vector<16xf32>
      %swap3A_760 = arith.index_cast %add3A_750 : i32 to index
      %swap3A_761 = arith.constant 0 : index
      %swap3A_762 = tpu.vector_load %arg10[%swap3A_760, %swap3A_761] {strides = array<i32>} : memref<512x64xf32, #tpu.memory_space<vmem>>, vector<1x16xf32>,
      %swap3A_763 = vector.shape_cast %swap3A_762 : vector<1x16xf32> to vector<16xf32>
      %swap3A_764 = vector.shape_cast %add3A_759 : vector<16xf32> to vector<1x16xf32>
      tpu.vector_store %arg10[%swap3A_760, %swap3A_761], %swap3A_764 {strides = array<i32>} : memref<512x64xf32, #tpu.memory_space<vmem>>, vector<1x16xf32>,
      %get3A_765 = arith.index_cast %add3A_750 : i32 to index
      %get3A_766 = arith.constant 16 : index
      %get3A_767 = tpu.vector_load %arg10[%get3A_765, %get3A_766] {strides = array<i32>} : memref<512x64xf32, #tpu.memory_space<vmem>>, vector<1x16xf32>,
      %get3A_768 = vector.shape_cast %get3A_767 : vector<1x16xf32> to vector<16xf32>
      %get3A_769 = arith.index_cast %squeeze3A : i32 to index
      %get3A_770 = arith.constant 16 : index
      %get3A_771 = tpu.vector_load %arg9[%get3A_769, %get3A_770] {strides = array<i32>} : memref<51x64xf32, #tpu.memory_space<vmem>>, vector<1x16xf32>,
      %get3A_772 = vector.shape_cast %get3A_771 : vector<1x16xf32> to vector<16xf32>
      %add3A_773 = arith.addf %get3A_768, %get3A_772 : vector<16xf32>
      %swap3A_774 = arith.index_cast %add3A_750 : i32 to index
      %swap3A_775 = arith.constant 16 : index
      %swap3A_776 = tpu.vector_load %arg10[%swap3A_774, %swap3A_775] {strides = array<i32>} : memref<512x64xf32, #tpu.memory_space<vmem>>, vector<1x16xf32>,
      %swap3A_777 = vector.shape_cast %swap3A_776 : vector<1x16xf32> to vector<16xf32>
      %swap3A_778 = vector.shape_cast %add3A_773 : vector<16xf32> to vector<1x16xf32>
      tpu.vector_store %arg10[%swap3A_774, %swap3A_775], %swap3A_778 {strides = array<i32>} : memref<512x64xf32, #tpu.memory_space<vmem>>, vector<1x16xf32>,
      %get3A_779 = arith.index_cast %add3A_750 : i32 to index
      %get3A_780 = arith.constant 32 : index
      %get3A_781 = tpu.vector_load %arg10[%get3A_779, %get3A_780] {strides = array<i32>} : memref<512x64xf32, #tpu.memory_space<vmem>>, vector<1x16xf32>,
      %get3A_782 = vector.shape_cast %get3A_781 : vector<1x16xf32> to vector<16xf32>
      %get3A_783 = arith.index_cast %squeeze3A : i32 to index
      %get3A_784 = arith.constant 32 : index
      %get3A_785 = tpu.vector_load %arg9[%get3A_783, %get3A_784] {strides = array<i32>} : memref<51x64xf32, #tpu.memory_space<vmem>>, vector<1x16xf32>,
      %get3A_786 = vector.shape_cast %get3A_785 : vector<1x16xf32> to vector<16xf32>
      %add3A_787 = arith.addf %get3A_782, %get3A_786 : vector<16xf32>
      %swap3A_788 = arith.index_cast %add3A_750 : i32 to index
      %swap3A_789 = arith.constant 32 : index
      %swap3A_790 = tpu.vector_load %arg10[%swap3A_788, %swap3A_789] {strides = array<i32>} : memref<512x64xf32, #tpu.memory_space<vmem>>, vector<1x16xf32>,
      %swap3A_791 = vector.shape_cast %swap3A_790 : vector<1x16xf32> to vector<16xf32>
      %swap3A_792 = vector.shape_cast %add3A_787 : vector<16xf32> to vector<1x16xf32>
      tpu.vector_store %arg10[%swap3A_788, %swap3A_789], %swap3A_792 {strides = array<i32>} : memref<512x64xf32, #tpu.memory_space<vmem>>, vector<1x16xf32>,
      %get3A_793 = arith.index_cast %add3A_750 : i32 to index
      %get3A_794 = arith.constant 48 : index
      %get3A_795 = tpu.vector_load %arg10[%get3A_793, %get3A_794] {strides = array<i32>} : memref<512x64xf32, #tpu.memory_space<vmem>>, vector<1x16xf32>,
      %get3A_796 = vector.shape_cast %get3A_795 : vector<1x16xf32> to vector<16xf32>
      %get3A_797 = arith.index_cast %squeeze3A : i32 to index
      %get3A_798 = arith.constant 48 : index
      %get3A_799 = tpu.vector_load %arg9[%get3A_797, %get3A_798] {strides = array<i32>} : memref<51x64xf32, #tpu.memory_space<vmem>>, vector<1x16xf32>,
      %get3A_800 = vector.shape_cast %get3A_799 : vector<1x16xf32> to vector<16xf32>
      %add3A_801 = arith.addf %get3A_796, %get3A_800 : vector<16xf32>
      %swap3A_802 = arith.index_cast %add3A_750 : i32 to index
      %swap3A_803 = arith.constant 48 : index
      %swap3A_804 = tpu.vector_load %arg10[%swap3A_802, %swap3A_803] {strides = array<i32>} : memref<512x64xf32, #tpu.memory_space<vmem>>, vector<1x16xf32>,
      %swap3A_805 = vector.shape_cast %swap3A_804 : vector<1x16xf32> to vector<16xf32>
      %swap3A_806 = vector.shape_cast %add3A_801 : vector<16xf32> to vector<1x16xf32>
      tpu.vector_store %arg10[%swap3A_802, %swap3A_803], %swap3A_806 {strides = array<i32>} : memref<512x64xf32, #tpu.memory_space<vmem>>, vector<1x16xf32>,
      %slice3A_807 = vector.extract_strided_slice %get3A_746 {offsets = [1], sizes = [1], strides = [1]} : vector<16xi32> to vector<1xi32>
      %squeeze3A_808 = vector.extract %slice3A_807[0] : i32 from vector<1xi32>
      %mul3A_809 = arith.constant 16 : i32
      %mul3A_810 = arith.muli %add3A_710, %mul3A_809 : i32
      %add3A_811 = arith.constant 1 : i32
      %add3A_812 = arith.addi %mul3A_810, %add3A_811 : i32
      %get3A_813 = arith.index_cast %add3A_812 : i32 to index
      %get3A_814 = arith.constant 0 : index
      %get3A_815 = tpu.vector_load %arg10[%get3A_813, %get3A_814] {strides = array<i32>} : memref<512x64xf32, #tpu.memory_space<vmem>>, vector<1x16xf32>,
      %get3A_816 = vector.shape_cast %get3A_815 : vector<1x16xf32> to vector<16xf32>
      %get3A_817 = arith.index_cast %squeeze3A_808 : i32 to index
      %get3A_818 = arith.constant 0 : index
      %get3A_819 = tpu.vector_load %arg9[%get3A_817, %get3A_818] {strides = array<i32>} : memref<51x64xf32, #tpu.memory_space<vmem>>, vector<1x16xf32>,
      %get3A_820 = vector.shape_cast %get3A_819 : vector<1x16xf32> to vector<16xf32>
      %add3A_821 = arith.addf %get3A_816, %get3A_820 : vector<16xf32>
      %swap3A_822 = arith.index_cast %add3A_812 : i32 to index
      %swap3A_823 = arith.constant 0 : index
      %swap3A_824 = tpu.vector_load %arg10[%swap3A_822, %swap3A_823] {strides = array<i32>} : memref<512x64xf32, #tpu.memory_space<vmem>>, vector<1x16xf32>,
      %swap3A_825 = vector.shape_cast %swap3A_824 : vector<1x16xf32> to vector<16xf32>
      %swap3A_826 = vector.shape_cast %add3A_821 : vector<16xf32> to vector<1x16xf32>
      tpu.vector_store %arg10[%swap3A_822, %swap3A_823], %swap3A_826 {strides = array<i32>} : memref<512x64xf32, #tpu.memory_space<vmem>>, vector<1x16xf32>,
      %get3A_827 = arith.index_cast %add3A_812 : i32 to index
      %get3A_828 = arith.constant 16 : index
      %get3A_829 = tpu.vector_load %arg10[%get3A_827, %get3A_828] {strides = array<i32>} : memref<512x64xf32, #tpu.memory_space<vmem>>, vector<1x16xf32>,
      %get3A_830 = vector.shape_cast %get3A_829 : vector<1x16xf32> to vector<16xf32>
      %get3A_831 = arith.index_cast %squeeze3A_808 : i32 to index
      %get3A_832 = arith.constant 16 : index
      %get3A_833 = tpu.vector_load %arg9[%get3A_831, %get3A_832] {strides = array<i32>} : memref<51x64xf32, #tpu.memory_space<vmem>>, vector<1x16xf32>,
      %get3A_834 = vector.shape_cast %get3A_833 : vector<1x16xf32> to vector<16xf32>
      %add3A_835 = arith.addf %get3A_830, %get3A_834 : vector<16xf32>
      %swap3A_836 = arith.index_cast %add3A_812 : i32 to index
      %swap3A_837 = arith.constant 16 : index
      %swap3A_838 = tpu.vector_load %arg10[%swap3A_836, %swap3A_837] {strides = array<i32>} : memref<512x64xf32, #tpu.memory_space<vmem>>, vector<1x16xf32>,
      %swap3A_839 = vector.shape_cast %swap3A_838 : vector<1x16xf32> to vector<16xf32>
      %swap3A_840 = vector.shape_cast %add3A_835 : vector<16xf32> to vector<1x16xf32>
      tpu.vector_store %arg10[%swap3A_836, %swap3A_837], %swap3A_840 {strides = array<i32>} : memref<512x64xf32, #tpu.memory_space<vmem>>, vector<1x16xf32>,
      %get3A_841 = arith.index_cast %add3A_812 : i32 to index
      %get3A_842 = arith.constant 32 : index
      %get3A_843 = tpu.vector_load %arg10[%get3A_841, %get3A_842] {strides = array<i32>} : memref<512x64xf32, #tpu.memory_space<vmem>>, vector<1x16xf32>,
      %get3A_844 = vector.shape_cast %get3A_843 : vector<1x16xf32> to vector<16xf32>
      %get3A_845 = arith.index_cast %squeeze3A_808 : i32 to index
      %get3A_846 = arith.constant 32 : index
      %get3A_847 = tpu.vector_load %arg9[%get3A_845, %get3A_846] {strides = array<i32>} : memref<51x64xf32, #tpu.memory_space<vmem>>, vector<1x16xf32>,
      %get3A_848 = vector.shape_cast %get3A_847 : vector<1x16xf32> to vector<16xf32>
      %add3A_849 = arith.addf %get3A_844, %get3A_848 : vector<16xf32>
      %swap3A_850 = arith.index_cast %add3A_812 : i32 to index
      %swap3A_851 = arith.constant 32 : index
      %swap3A_852 = tpu.vector_load %arg10[%swap3A_850, %swap3A_851] {strides = array<i32>} : memref<512x64xf32, #tpu.memory_space<vmem>>, vector<1x16xf32>,
      %swap3A_853 = vector.shape_cast %swap3A_852 : vector<1x16xf32> to vector<16xf32>
      %swap3A_854 = vector.shape_cast %add3A_849 : vector<16xf32> to vector<1x16xf32>
      tpu.vector_store %arg10[%swap3A_850, %swap3A_851], %swap3A_854 {strides = array<i32>} : memref<512x64xf32, #tpu.memory_space<vmem>>, vector<1x16xf32>,
      %get3A_855 = arith.index_cast %add3A_812 : i32 to index
      %get3A_856 = arith.constant 48 : index
      %get3A_857 = tpu.vector_load %arg10[%get3A_855, %get3A_856] {strides = array<i32>} : memref<512x64xf32, #tpu.memory_space<vmem>>, vector<1x16xf32>,
      %get3A_858 = vector.shape_cast %get3A_857 : vector<1x16xf32> to vector<16xf32>
      %get3A_859 = arith.index_cast %squeeze3A_808 : i32 to index
      %get3A_860 = arith.constant 48 : index
      %get3A_861 = tpu.vector_load %arg9[%get3A_859, %get3A_860] {strides = array<i32>} : memref<51x64xf32, #tpu.memory_space<vmem>>, vector<1x16xf32>,
      %get3A_862 = vector.shape_cast %get3A_861 : vector<1x16xf32> to vector<16xf32>
      %add3A_863 = arith.addf %get3A_858, %get3A_862 : vector<16xf32>
      %swap3A_864 = arith.index_cast %add3A_812 : i32 to index
      %swap3A_865 = arith.constant 48 : index
      %swap3A_866 = tpu.vector_load %arg10[%swap3A_864, %swap3A_865] {strides = array<i32>} : memref<512x64xf32, #tpu.memory_space<vmem>>, vector<1x16xf32>,
      %swap3A_867 = vector.shape_cast %swap3A_866 : vector<1x16xf32> to vector<16xf32>
      %swap3A_868 = vector.shape_cast %add3A_863 : vector<16xf32> to vector<1x16xf32>
      tpu.vector_store %arg10[%swap3A_864, %swap3A_865], %swap3A_868 {strides = array<i32>} : memref<512x64xf32, #tpu.memory_space<vmem>>, vector<1x16xf32>,
      %slice3A_869 = vector.extract_strided_slice %get3A_746 {offsets = [2], sizes = [1], strides = [1]} : vector<16xi32> to vector<1xi32>
      %squeeze3A_870 = vector.extract %slice3A_869[0] : i32 from vector<1xi32>
      %mul3A_871 = arith.constant 16 : i32
      %mul3A_872 = arith.muli %add3A_710, %mul3A_871 : i32
      %add3A_873 = arith.constant 2 : i32
      %add3A_874 = arith.addi %mul3A_872, %add3A_873 : i32
      %get3A_875 = arith.index_cast %add3A_874 : i32 to index
      %get3A_876 = arith.constant 0 : index
      %get3A_877 = tpu.vector_load %arg10[%get3A_875, %get3A_876] {strides = array<i32>} : memref<512x64xf32, #tpu.memory_space<vmem>>, vector<1x16xf32>,
      %get3A_878 = vector.shape_cast %get3A_877 : vector<1x16xf32> to vector<16xf32>
      %get3A_879 = arith.index_cast %squeeze3A_870 : i32 to index
      %get3A_880 = arith.constant 0 : index
      %get3A_881 = tpu.vector_load %arg9[%get3A_879, %get3A_880] {strides = array<i32>} : memref<51x64xf32, #tpu.memory_space<vmem>>, vector<1x16xf32>,
      %get3A_882 = vector.shape_cast %get3A_881 : vector<1x16xf32> to vector<16xf32>
      %add3A_883 = arith.addf %get3A_878, %get3A_882 : vector<16xf32>
      %swap3A_884 = arith.index_cast %add3A_874 : i32 to index
      %swap3A_885 = arith.constant 0 : index
      %swap3A_886 = tpu.vector_load %arg10[%swap3A_884, %swap3A_885] {strides = array<i32>} : memref<512x64xf32, #tpu.memory_space<vmem>>, vector<1x16xf32>,
      %swap3A_887 = vector.shape_cast %swap3A_886 : vector<1x16xf32> to vector<16xf32>
      %swap3A_888 = vector.shape_cast %add3A_883 : vector<16xf32> to vector<1x16xf32>
      tpu.vector_store %arg10[%swap3A_884, %swap3A_885], %swap3A_888 {strides = array<i32>} : memref<512x64xf32, #tpu.memory_space<vmem>>, vector<1x16xf32>,
      %get3A_889 = arith.index_cast %add3A_874 : i32 to index
      %get3A_890 = arith.constant 16 : index
      %get3A_891 = tpu.vector_load %arg10[%get3A_889, %get3A_890] {strides = array<i32>} : memref<512x64xf32, #tpu.memory_space<vmem>>, vector<1x16xf32>,
      %get3A_892 = vector.shape_cast %get3A_891 : vector<1x16xf32> to vector<16xf32>
      %get3A_893 = arith.index_cast %squeeze3A_870 : i32 to index
      %get3A_894 = arith.constant 16 : index
      %get3A_895 = tpu.vector_load %arg9[%get3A_893, %get3A_894] {strides = array<i32>} : memref<51x64xf32, #tpu.memory_space<vmem>>, vector<1x16xf32>,
      %get3A_896 = vector.shape_cast %get3A_895 : vector<1x16xf32> to vector<16xf32>
      %add3A_897 = arith.addf %get3A_892, %get3A_896 : vector<16xf32>
      %swap3A_898 = arith.index_cast %add3A_874 : i32 to index
      %swap3A_899 = arith.constant 16 : index
      %swap3A_900 = tpu.vector_load %arg10[%swap3A_898, %swap3A_899] {strides = array<i32>} : memref<512x64xf32, #tpu.memory_space<vmem>>, vector<1x16xf32>,
      %swap3A_901 = vector.shape_cast %swap3A_900 : vector<1x16xf32> to vector<16xf32>
      %swap3A_902 = vector.shape_cast %add3A_897 : vector<16xf32> to vector<1x16xf32>
      tpu.vector_store %arg10[%swap3A_898, %swap3A_899], %swap3A_902 {strides = array<i32>} : memref<512x64xf32, #tpu.memory_space<vmem>>, vector<1x16xf32>,
      %get3A_903 = arith.index_cast %add3A_874 : i32 to index
      %get3A_904 = arith.constant 32 : index
      %get3A_905 = tpu.vector_load %arg10[%get3A_903, %get3A_904] {strides = array<i32>} : memref<512x64xf32, #tpu.memory_space<vmem>>, vector<1x16xf32>,
      %get3A_906 = vector.shape_cast %get3A_905 : vector<1x16xf32> to vector<16xf32>
      %get3A_907 = arith.index_cast %squeeze3A_870 : i32 to index
      %get3A_908 = arith.constant 32 : index
      %get3A_909 = tpu.vector_load %arg9[%get3A_907, %get3A_908] {strides = array<i32>} : memref<51x64xf32, #tpu.memory_space<vmem>>, vector<1x16xf32>,
      %get3A_910 = vector.shape_cast %get3A_909 : vector<1x16xf32> to vector<16xf32>
      %add3A_911 = arith.addf %get3A_906, %get3A_910 : vector<16xf32>
      %swap3A_912 = arith.index_cast %add3A_874 : i32 to index
      %swap3A_913 = arith.constant 32 : index
      %swap3A_914 = tpu.vector_load %arg10[%swap3A_912, %swap3A_913] {strides = array<i32>} : memref<512x64xf32, #tpu.memory_space<vmem>>, vector<1x16xf32>,
      %swap3A_915 = vector.shape_cast %swap3A_914 : vector<1x16xf32> to vector<16xf32>
      %swap3A_916 = vector.shape_cast %add3A_911 : vector<16xf32> to vector<1x16xf32>
      tpu.vector_store %arg10[%swap3A_912, %swap3A_913], %swap3A_916 {strides = array<i32>} : memref<512x64xf32, #tpu.memory_space<vmem>>, vector<1x16xf32>,
      %get3A_917 = arith.index_cast %add3A_874 : i32 to index
      %get3A_918 = arith.constant 48 : index
      %get3A_919 = tpu.vector_load %arg10[%get3A_917, %get3A_918] {strides = array<i32>} : memref<512x64xf32, #tpu.memory_space<vmem>>, vector<1x16xf32>,
      %get3A_920 = vector.shape_cast %get3A_919 : vector<1x16xf32> to vector<16xf32>
      %get3A_921 = arith.index_cast %squeeze3A_870 : i32 to index
      %get3A_922 = arith.constant 48 : index
      %get3A_923 = tpu.vector_load %arg9[%get3A_921, %get3A_922] {strides = array<i32>} : memref<51x64xf32, #tpu.memory_space<vmem>>, vector<1x16xf32>,
      %get3A_924 = vector.shape_cast %get3A_923 : vector<1x16xf32> to vector<16xf32>
      %add3A_925 = arith.addf %get3A_920, %get3A_924 : vector<16xf32>
      %swap3A_926 = arith.index_cast %add3A_874 : i32 to index
      %swap3A_927 = arith.constant 48 : index
      %swap3A_928 = tpu.vector_load %arg10[%swap3A_926, %swap3A_927] {strides = array<i32>} : memref<512x64xf32, #tpu.memory_space<vmem>>, vector<1x16xf32>,
      %swap3A_929 = vector.shape_cast %swap3A_928 : vector<1x16xf32> to vector<16xf32>
      %swap3A_930 = vector.shape_cast %add3A_925 : vector<16xf32> to vector<1x16xf32>
      tpu.vector_store %arg10[%swap3A_926, %swap3A_927], %swap3A_930 {strides = array<i32>} : memref<512x64xf32, #tpu.memory_space<vmem>>, vector<1x16xf32>,
      %slice3A_931 = vector.extract_strided_slice %get3A_746 {offsets = [3], sizes = [1], strides = [1]} : vector<16xi32> to vector<1xi32>
      %squeeze3A_932 = vector.extract %slice3A_931[0] : i32 from vector<1xi32>
      %mul3A_933 = arith.constant 16 : i32
      %mul3A_934 = arith.muli %add3A_710, %mul3A_933 : i32
      %add3A_935 = arith.constant 3 : i32
      %add3A_936 = arith.addi %mul3A_934, %add3A_935 : i32
      %get3A_937 = arith.index_cast %add3A_936 : i32 to index
      %get3A_938 = arith.constant 0 : index
      %get3A_939 = tpu.vector_load %arg10[%get3A_937, %get3A_938] {strides = array<i32>} : memref<512x64xf32, #tpu.memory_space<vmem>>, vector<1x16xf32>,
      %get3A_940 = vector.shape_cast %get3A_939 : vector<1x16xf32> to vector<16xf32>
      %get3A_941 = arith.index_cast %squeeze3A_932 : i32 to index
      %get3A_942 = arith.constant 0 : index
      %get3A_943 = tpu.vector_load %arg9[%get3A_941, %get3A_942] {strides = array<i32>} : memref<51x64xf32, #tpu.memory_space<vmem>>, vector<1x16xf32>,
      %get3A_944 = vector.shape_cast %get3A_943 : vector<1x16xf32> to vector<16xf32>
      %add3A_945 = arith.addf %get3A_940, %get3A_944 : vector<16xf32>
      %swap3A_946 = arith.index_cast %add3A_936 : i32 to index
      %swap3A_947 = arith.constant 0 : index
      %swap3A_948 = tpu.vector_load %arg10[%swap3A_946, %swap3A_947] {strides = array<i32>} : memref<512x64xf32, #tpu.memory_space<vmem>>, vector<1x16xf32>,
      %swap3A_949 = vector.shape_cast %swap3A_948 : vector<1x16xf32> to vector<16xf32>
      %swap3A_950 = vector.shape_cast %add3A_945 : vector<16xf32> to vector<1x16xf32>
      tpu.vector_store %arg10[%swap3A_946, %swap3A_947], %swap3A_950 {strides = array<i32>} : memref<512x64xf32, #tpu.memory_space<vmem>>, vector<1x16xf32>,
      %get3A_951 = arith.index_cast %add3A_936 : i32 to index
      %get3A_952 = arith.constant 16 : index
      %get3A_953 = tpu.vector_load %arg10[%get3A_951, %get3A_952] {strides = array<i32>} : memref<512x64xf32, #tpu.memory_space<vmem>>, vector<1x16xf32>,
      %get3A_954 = vector.shape_cast %get3A_953 : vector<1x16xf32> to vector<16xf32>
      %get3A_955 = arith.index_cast %squeeze3A_932 : i32 to index
      %get3A_956 = arith.constant 16 : index
      %get3A_957 = tpu.vector_load %arg9[%get3A_955, %get3A_956] {strides = array<i32>} : memref<51x64xf32, #tpu.memory_space<vmem>>, vector<1x16xf32>,
      %get3A_958 = vector.shape_cast %get3A_957 : vector<1x16xf32> to vector<16xf32>
      %add3A_959 = arith.addf %get3A_954, %get3A_958 : vector<16xf32>
      %swap3A_960 = arith.index_cast %add3A_936 : i32 to index
      %swap3A_961 = arith.constant 16 : index
      %swap3A_962 = tpu.vector_load %arg10[%swap3A_960, %swap3A_961] {strides = array<i32>} : memref<512x64xf32, #tpu.memory_space<vmem>>, vector<1x16xf32>,
      %swap3A_963 = vector.shape_cast %swap3A_962 : vector<1x16xf32> to vector<16xf32>
      %swap3A_964 = vector.shape_cast %add3A_959 : vector<16xf32> to vector<1x16xf32>
      tpu.vector_store %arg10[%swap3A_960, %swap3A_961], %swap3A_964 {strides = array<i32>} : memref<512x64xf32, #tpu.memory_space<vmem>>, vector<1x16xf32>,
      %get3A_965 = arith.index_cast %add3A_936 : i32 to index
      %get3A_966 = arith.constant 32 : index
      %get3A_967 = tpu.vector_load %arg10[%get3A_965, %get3A_966] {strides = array<i32>} : memref<512x64xf32, #tpu.memory_space<vmem>>, vector<1x16xf32>,
      %get3A_968 = vector.shape_cast %get3A_967 : vector<1x16xf32> to vector<16xf32>
      %get3A_969 = arith.index_cast %squeeze3A_932 : i32 to index
      %get3A_970 = arith.constant 32 : index
      %get3A_971 = tpu.vector_load %arg9[%get3A_969, %get3A_970] {strides = array<i32>} : memref<51x64xf32, #tpu.memory_space<vmem>>, vector<1x16xf32>,
      %get3A_972 = vector.shape_cast %get3A_971 : vector<1x16xf32> to vector<16xf32>
      %add3A_973 = arith.addf %get3A_968, %get3A_972 : vector<16xf32>
      %swap3A_974 = arith.index_cast %add3A_936 : i32 to index
      %swap3A_975 = arith.constant 32 : index
      %swap3A_976 = tpu.vector_load %arg10[%swap3A_974, %swap3A_975] {strides = array<i32>} : memref<512x64xf32, #tpu.memory_space<vmem>>, vector<1x16xf32>,
      %swap3A_977 = vector.shape_cast %swap3A_976 : vector<1x16xf32> to vector<16xf32>
      %swap3A_978 = vector.shape_cast %add3A_973 : vector<16xf32> to vector<1x16xf32>
      tpu.vector_store %arg10[%swap3A_974, %swap3A_975], %swap3A_978 {strides = array<i32>} : memref<512x64xf32, #tpu.memory_space<vmem>>, vector<1x16xf32>,
      %get3A_979 = arith.index_cast %add3A_936 : i32 to index
      %get3A_980 = arith.constant 48 : index
      %get3A_981 = tpu.vector_load %arg10[%get3A_979, %get3A_980] {strides = array<i32>} : memref<512x64xf32, #tpu.memory_space<vmem>>, vector<1x16xf32>,
      %get3A_982 = vector.shape_cast %get3A_981 : vector<1x16xf32> to vector<16xf32>
      %get3A_983 = arith.index_cast %squeeze3A_932 : i32 to index
      %get3A_984 = arith.constant 48 : index
      %get3A_985 = tpu.vector_load %arg9[%get3A_983, %get3A_984] {strides = array<i32>} : memref<51x64xf32, #tpu.memory_space<vmem>>, vector<1x16xf32>,
      %get3A_986 = vector.shape_cast %get3A_985 : vector<1x16xf32> to vector<16xf32>
      %add3A_987 = arith.addf %get3A_982, %get3A_986 : vector<16xf32>
      %swap3A_988 = arith.index_cast %add3A_936 : i32 to index
      %swap3A_989 = arith.constant 48 : index
      %swap3A_990 = tpu.vector_load %arg10[%swap3A_988, %swap3A_989] {strides = array<i32>} : memref<512x64xf32, #tpu.memory_space<vmem>>, vector<1x16xf32>,
      %swap3A_991 = vector.shape_cast %swap3A_990 : vector<1x16xf32> to vector<16xf32>
      %swap3A_992 = vector.shape_cast %add3A_987 : vector<16xf32> to vector<1x16xf32>
      tpu.vector_store %arg10[%swap3A_988, %swap3A_989], %swap3A_992 {strides = array<i32>} : memref<512x64xf32, #tpu.memory_space<vmem>>, vector<1x16xf32>,
      %slice3A_993 = vector.extract_strided_slice %get3A_746 {offsets = [4], sizes = [1], strides = [1]} : vector<16xi32> to vector<1xi32>
      %squeeze3A_994 = vector.extract %slice3A_993[0] : i32 from vector<1xi32>
      %mul3A_995 = arith.constant 16 : i32
      %mul3A_996 = arith.muli %add3A_710, %mul3A_995 : i32
      %add3A_997 = arith.constant 4 : i32
      %add3A_998 = arith.addi %mul3A_996, %add3A_997 : i32
      %get3A_999 = arith.index_cast %add3A_998 : i32 to index
      %get3A_1000 = arith.constant 0 : index
      %get3A_1001 = tpu.vector_load %arg10[%get3A_999, %get3A_1000] {strides = array<i32>} : memref<512x64xf32, #tpu.memory_space<vmem>>, vector<1x16xf32>,
      %get3A_1002 = vector.shape_cast %get3A_1001 : vector<1x16xf32> to vector<16xf32>
      %get3A_1003 = arith.index_cast %squeeze3A_994 : i32 to index
      %get3A_1004 = arith.constant 0 : index
      %get3A_1005 = tpu.vector_load %arg9[%get3A_1003, %get3A_1004] {strides = array<i32>} : memref<51x64xf32, #tpu.memory_space<vmem>>, vector<1x16xf32>,
      %get3A_1006 = vector.shape_cast %get3A_1005 : vector<1x16xf32> to vector<16xf32>
      %add3A_1007 = arith.addf %get3A_1002, %get3A_1006 : vector<16xf32>
      %swap3A_1008 = arith.index_cast %add3A_998 : i32 to index
      %swap3A_1009 = arith.constant 0 : index
      %swap3A_1010 = tpu.vector_load %arg10[%swap3A_1008, %swap3A_1009] {strides = array<i32>} : memref<512x64xf32, #tpu.memory_space<vmem>>, vector<1x16xf32>,
      %swap3A_1011 = vector.shape_cast %swap3A_1010 : vector<1x16xf32> to vector<16xf32>
      %swap3A_1012 = vector.shape_cast %add3A_1007 : vector<16xf32> to vector<1x16xf32>
      tpu.vector_store %arg10[%swap3A_1008, %swap3A_1009], %swap3A_1012 {strides = array<i32>} : memref<512x64xf32, #tpu.memory_space<vmem>>, vector<1x16xf32>,
      %get3A_1013 = arith.index_cast %add3A_998 : i32 to index
      %get3A_1014 = arith.constant 16 : index
      %get3A_1015 = tpu.vector_load %arg10[%get3A_1013, %get3A_1014] {strides = array<i32>} : memref<512x64xf32, #tpu.memory_space<vmem>>, vector<1x16xf32>,
      %get3A_1016 = vector.shape_cast %get3A_1015 : vector<1x16xf32> to vector<16xf32>
      %get3A_1017 = arith.index_cast %squeeze3A_994 : i32 to index
      %get3A_1018 = arith.constant 16 : index
      %get3A_1019 = tpu.vector_load %arg9[%get3A_1017, %get3A_1018] {strides = array<i32>} : memref<51x64xf32, #tpu.memory_space<vmem>>, vector<1x16xf32>,
      %get3A_1020 = vector.shape_cast %get3A_1019 : vector<1x16xf32> to vector<16xf32>
      %add3A_1021 = arith.addf %get3A_1016, %get3A_1020 : vector<16xf32>
      %swap3A_1022 = arith.index_cast %add3A_998 : i32 to index
      %swap3A_1023 = arith.constant 16 : index
      %swap3A_1024 = tpu.vector_load %arg10[%swap3A_1022, %swap3A_1023] {strides = array<i32>} : memref<512x64xf32, #tpu.memory_space<vmem>>, vector<1x16xf32>,
      %swap3A_1025 = vector.shape_cast %swap3A_1024 : vector<1x16xf32> to vector<16xf32>
      %swap3A_1026 = vector.shape_cast %add3A_1021 : vector<16xf32> to vector<1x16xf32>
      tpu.vector_store %arg10[%swap3A_1022, %swap3A_1023], %swap3A_1026 {strides = array<i32>} : memref<512x64xf32, #tpu.memory_space<vmem>>, vector<1x16xf32>,
      %get3A_1027 = arith.index_cast %add3A_998 : i32 to index
      %get3A_1028 = arith.constant 32 : index
      %get3A_1029 = tpu.vector_load %arg10[%get3A_1027, %get3A_1028] {strides = array<i32>} : memref<512x64xf32, #tpu.memory_space<vmem>>, vector<1x16xf32>,
      %get3A_1030 = vector.shape_cast %get3A_1029 : vector<1x16xf32> to vector<16xf32>
      %get3A_1031 = arith.index_cast %squeeze3A_994 : i32 to index
      %get3A_1032 = arith.constant 32 : index
      %get3A_1033 = tpu.vector_load %arg9[%get3A_1031, %get3A_1032] {strides = array<i32>} : memref<51x64xf32, #tpu.memory_space<vmem>>, vector<1x16xf32>,
      %get3A_1034 = vector.shape_cast %get3A_1033 : vector<1x16xf32> to vector<16xf32>
      %add3A_1035 = arith.addf %get3A_1030, %get3A_1034 : vector<16xf32>
      %swap3A_1036 = arith.index_cast %add3A_998 : i32 to index
      %swap3A_1037 = arith.constant 32 : index
      %swap3A_1038 = tpu.vector_load %arg10[%swap3A_1036, %swap3A_1037] {strides = array<i32>} : memref<512x64xf32, #tpu.memory_space<vmem>>, vector<1x16xf32>,
      %swap3A_1039 = vector.shape_cast %swap3A_1038 : vector<1x16xf32> to vector<16xf32>
      %swap3A_1040 = vector.shape_cast %add3A_1035 : vector<16xf32> to vector<1x16xf32>
      tpu.vector_store %arg10[%swap3A_1036, %swap3A_1037], %swap3A_1040 {strides = array<i32>} : memref<512x64xf32, #tpu.memory_space<vmem>>, vector<1x16xf32>,
      %get3A_1041 = arith.index_cast %add3A_998 : i32 to index
      %get3A_1042 = arith.constant 48 : index
      %get3A_1043 = tpu.vector_load %arg10[%get3A_1041, %get3A_1042] {strides = array<i32>} : memref<512x64xf32, #tpu.memory_space<vmem>>, vector<1x16xf32>,
      %get3A_1044 = vector.shape_cast %get3A_1043 : vector<1x16xf32> to vector<16xf32>
      %get3A_1045 = arith.index_cast %squeeze3A_994 : i32 to index
      %get3A_1046 = arith.constant 48 : index
      %get3A_1047 = tpu.vector_load %arg9[%get3A_1045, %get3A_1046] {strides = array<i32>} : memref<51x64xf32, #tpu.memory_space<vmem>>, vector<1x16xf32>,
      %get3A_1048 = vector.shape_cast %get3A_1047 : vector<1x16xf32> to vector<16xf32>
      %add3A_1049 = arith.addf %get3A_1044, %get3A_1048 : vector<16xf32>
      %swap3A_1050 = arith.index_cast %add3A_998 : i32 to index
      %swap3A_1051 = arith.constant 48 : index
      %swap3A_1052 = tpu.vector_load %arg10[%swap3A_1050, %swap3A_1051] {strides = array<i32>} : memref<512x64xf32, #tpu.memory_space<vmem>>, vector<1x16xf32>,
      %swap3A_1053 = vector.shape_cast %swap3A_1052 : vector<1x16xf32> to vector<16xf32>
      %swap3A_1054 = vector.shape_cast %add3A_1049 : vector<16xf32> to vector<1x16xf32>
      tpu.vector_store %arg10[%swap3A_1050, %swap3A_1051], %swap3A_1054 {strides = array<i32>} : memref<512x64xf32, #tpu.memory_space<vmem>>, vector<1x16xf32>,
      %slice3A_1055 = vector.extract_strided_slice %get3A_746 {offsets = [5], sizes = [1], strides = [1]} : vector<16xi32> to vector<1xi32>
      %squeeze3A_1056 = vector.extract %slice3A_1055[0] : i32 from vector<1xi32>
      %mul3A_1057 = arith.constant 16 : i32
      %mul3A_1058 = arith.muli %add3A_710, %mul3A_1057 : i32
      %add3A_1059 = arith.constant 5 : i32
      %add3A_1060 = arith.addi %mul3A_1058, %add3A_1059 : i32
      %get3A_1061 = arith.index_cast %add3A_1060 : i32 to index
      %get3A_1062 = arith.constant 0 : index
      %get3A_1063 = tpu.vector_load %arg10[%get3A_1061, %get3A_1062] {strides = array<i32>} : memref<512x64xf32, #tpu.memory_space<vmem>>, vector<1x16xf32>,
      %get3A_1064 = vector.shape_cast %get3A_1063 : vector<1x16xf32> to vector<16xf32>
      %get3A_1065 = arith.index_cast %squeeze3A_1056 : i32 to index
      %get3A_1066 = arith.constant 0 : index
      %get3A_1067 = tpu.vector_load %arg9[%get3A_1065, %get3A_1066] {strides = array<i32>} : memref<51x64xf32, #tpu.memory_space<vmem>>, vector<1x16xf32>,
      %get3A_1068 = vector.shape_cast %get3A_1067 : vector<1x16xf32> to vector<16xf32>
      %add3A_1069 = arith.addf %get3A_1064, %get3A_1068 : vector<16xf32>
      %swap3A_1070 = arith.index_cast %add3A_1060 : i32 to index
      %swap3A_1071 = arith.constant 0 : index
      %swap3A_1072 = tpu.vector_load %arg10[%swap3A_1070, %swap3A_1071] {strides = array<i32>} : memref<512x64xf32, #tpu.memory_space<vmem>>, vector<1x16xf32>,
      %swap3A_1073 = vector.shape_cast %swap3A_1072 : vector<1x16xf32> to vector<16xf32>
      %swap3A_1074 = vector.shape_cast %add3A_1069 : vector<16xf32> to vector<1x16xf32>
      tpu.vector_store %arg10[%swap3A_1070, %swap3A_1071], %swap3A_1074 {strides = array<i32>} : memref<512x64xf32, #tpu.memory_space<vmem>>, vector<1x16xf32>,
      %get3A_1075 = arith.index_cast %add3A_1060 : i32 to index
      %get3A_1076 = arith.constant 16 : index
      %get3A_1077 = tpu.vector_load %arg10[%get3A_1075, %get3A_1076] {strides = array<i32>} : memref<512x64xf32, #tpu.memory_space<vmem>>, vector<1x16xf32>,
      %get3A_1078 = vector.shape_cast %get3A_1077 : vector<1x16xf32> to vector<16xf32>
      %get3A_1079 = arith.index_cast %squeeze3A_1056 : i32 to index
      %get3A_1080 = arith.constant 16 : index
      %get3A_1081 = tpu.vector_load %arg9[%get3A_1079, %get3A_1080] {strides = array<i32>} : memref<51x64xf32, #tpu.memory_space<vmem>>, vector<1x16xf32>,
      %get3A_1082 = vector.shape_cast %get3A_1081 : vector<1x16xf32> to vector<16xf32>
      %add3A_1083 = arith.addf %get3A_1078, %get3A_1082 : vector<16xf32>
      %swap3A_1084 = arith.index_cast %add3A_1060 : i32 to index
      %swap3A_1085 = arith.constant 16 : index
      %swap3A_1086 = tpu.vector_load %arg10[%swap3A_1084, %swap3A_1085] {strides = array<i32>} : memref<512x64xf32, #tpu.memory_space<vmem>>, vector<1x16xf32>,
      %swap3A_1087 = vector.shape_cast %swap3A_1086 : vector<1x16xf32> to vector<16xf32>
      %swap3A_1088 = vector.shape_cast %add3A_1083 : vector<16xf32> to vector<1x16xf32>
      tpu.vector_store %arg10[%swap3A_1084, %swap3A_1085], %swap3A_1088 {strides = array<i32>} : memref<512x64xf32, #tpu.memory_space<vmem>>, vector<1x16xf32>,
      %get3A_1089 = arith.index_cast %add3A_1060 : i32 to index
      %get3A_1090 = arith.constant 32 : index
      %get3A_1091 = tpu.vector_load %arg10[%get3A_1089, %get3A_1090] {strides = array<i32>} : memref<512x64xf32, #tpu.memory_space<vmem>>, vector<1x16xf32>,
      %get3A_1092 = vector.shape_cast %get3A_1091 : vector<1x16xf32> to vector<16xf32>
      %get3A_1093 = arith.index_cast %squeeze3A_1056 : i32 to index
      %get3A_1094 = arith.constant 32 : index
      %get3A_1095 = tpu.vector_load %arg9[%get3A_1093, %get3A_1094] {strides = array<i32>} : memref<51x64xf32, #tpu.memory_space<vmem>>, vector<1x16xf32>,
      %get3A_1096 = vector.shape_cast %get3A_1095 : vector<1x16xf32> to vector<16xf32>
      %add3A_1097 = arith.addf %get3A_1092, %get3A_1096 : vector<16xf32>
      %swap3A_1098 = arith.index_cast %add3A_1060 : i32 to index
      %swap3A_1099 = arith.constant 32 : index
      %swap3A_1100 = tpu.vector_load %arg10[%swap3A_1098, %swap3A_1099] {strides = array<i32>} : memref<512x64xf32, #tpu.memory_space<vmem>>, vector<1x16xf32>,
      %swap3A_1101 = vector.shape_cast %swap3A_1100 : vector<1x16xf32> to vector<16xf32>
      %swap3A_1102 = vector.shape_cast %add3A_1097 : vector<16xf32> to vector<1x16xf32>
      tpu.vector_store %arg10[%swap3A_1098, %swap3A_1099], %swap3A_1102 {strides = array<i32>} : memref<512x64xf32, #tpu.memory_space<vmem>>, vector<1x16xf32>,
      %get3A_1103 = arith.index_cast %add3A_1060 : i32 to index
      %get3A_1104 = arith.constant 48 : index
      %get3A_1105 = tpu.vector_load %arg10[%get3A_1103, %get3A_1104] {strides = array<i32>} : memref<512x64xf32, #tpu.memory_space<vmem>>, vector<1x16xf32>,
      %get3A_1106 = vector.shape_cast %get3A_1105 : vector<1x16xf32> to vector<16xf32>
      %get3A_1107 = arith.index_cast %squeeze3A_1056 : i32 to index
      %get3A_1108 = arith.constant 48 : index
      %get3A_1109 = tpu.vector_load %arg9[%get3A_1107, %get3A_1108] {strides = array<i32>} : memref<51x64xf32, #tpu.memory_space<vmem>>, vector<1x16xf32>,
      %get3A_1110 = vector.shape_cast %get3A_1109 : vector<1x16xf32> to vector<16xf32>
      %add3A_1111 = arith.addf %get3A_1106, %get3A_1110 : vector<16xf32>
      %swap3A_1112 = arith.index_cast %add3A_1060 : i32 to index
      %swap3A_1113 = arith.constant 48 : index
      %swap3A_1114 = tpu.vector_load %arg10[%swap3A_1112, %swap3A_1113] {strides = array<i32>} : memref<512x64xf32, #tpu.memory_space<vmem>>, vector<1x16xf32>,
      %swap3A_1115 = vector.shape_cast %swap3A_1114 : vector<1x16xf32> to vector<16xf32>
      %swap3A_1116 = vector.shape_cast %add3A_1111 : vector<16xf32> to vector<1x16xf32>
      tpu.vector_store %arg10[%swap3A_1112, %swap3A_1113], %swap3A_1116 {strides = array<i32>} : memref<512x64xf32, #tpu.memory_space<vmem>>, vector<1x16xf32>,
      %slice3A_1117 = vector.extract_strided_slice %get3A_746 {offsets = [6], sizes = [1], strides = [1]} : vector<16xi32> to vector<1xi32>
      %squeeze3A_1118 = vector.extract %slice3A_1117[0] : i32 from vector<1xi32>
      %mul3A_1119 = arith.constant 16 : i32
      %mul3A_1120 = arith.muli %add3A_710, %mul3A_1119 : i32
      %add3A_1121 = arith.constant 6 : i32
      %add3A_1122 = arith.addi %mul3A_1120, %add3A_1121 : i32
      %get3A_1123 = arith.index_cast %add3A_1122 : i32 to index
      %get3A_1124 = arith.constant 0 : index
      %get3A_1125 = tpu.vector_load %arg10[%get3A_1123, %get3A_1124] {strides = array<i32>} : memref<512x64xf32, #tpu.memory_space<vmem>>, vector<1x16xf32>,
      %get3A_1126 = vector.shape_cast %get3A_1125 : vector<1x16xf32> to vector<16xf32>
      %get3A_1127 = arith.index_cast %squeeze3A_1118 : i32 to index
      %get3A_1128 = arith.constant 0 : index
      %get3A_1129 = tpu.vector_load %arg9[%get3A_1127, %get3A_1128] {strides = array<i32>} : memref<51x64xf32, #tpu.memory_space<vmem>>, vector<1x16xf32>,
      %get3A_1130 = vector.shape_cast %get3A_1129 : vector<1x16xf32> to vector<16xf32>
      %add3A_1131 = arith.addf %get3A_1126, %get3A_1130 : vector<16xf32>
      %swap3A_1132 = arith.index_cast %add3A_1122 : i32 to index
      %swap3A_1133 = arith.constant 0 : index
      %swap3A_1134 = tpu.vector_load %arg10[%swap3A_1132, %swap3A_1133] {strides = array<i32>} : memref<512x64xf32, #tpu.memory_space<vmem>>, vector<1x16xf32>,
      %swap3A_1135 = vector.shape_cast %swap3A_1134 : vector<1x16xf32> to vector<16xf32>
      %swap3A_1136 = vector.shape_cast %add3A_1131 : vector<16xf32> to vector<1x16xf32>
      tpu.vector_store %arg10[%swap3A_1132, %swap3A_1133], %swap3A_1136 {strides = array<i32>} : memref<512x64xf32, #tpu.memory_space<vmem>>, vector<1x16xf32>,
      %get3A_1137 = arith.index_cast %add3A_1122 : i32 to index
      %get3A_1138 = arith.constant 16 : index
      %get3A_1139 = tpu.vector_load %arg10[%get3A_1137, %get3A_1138] {strides = array<i32>} : memref<512x64xf32, #tpu.memory_space<vmem>>, vector<1x16xf32>,
      %get3A_1140 = vector.shape_cast %get3A_1139 : vector<1x16xf32> to vector<16xf32>
      %get3A_1141 = arith.index_cast %squeeze3A_1118 : i32 to index
      %get3A_1142 = arith.constant 16 : index
      %get3A_1143 = tpu.vector_load %arg9[%get3A_1141, %get3A_1142] {strides = array<i32>} : memref<51x64xf32, #tpu.memory_space<vmem>>, vector<1x16xf32>,
      %get3A_1144 = vector.shape_cast %get3A_1143 : vector<1x16xf32> to vector<16xf32>
      %add3A_1145 = arith.addf %get3A_1140, %get3A_1144 : vector<16xf32>
      %swap3A_1146 = arith.index_cast %add3A_1122 : i32 to index
      %swap3A_1147 = arith.constant 16 : index
      %swap3A_1148 = tpu.vector_load %arg10[%swap3A_1146, %swap3A_1147] {strides = array<i32>} : memref<512x64xf32, #tpu.memory_space<vmem>>, vector<1x16xf32>,
      %swap3A_1149 = vector.shape_cast %swap3A_1148 : vector<1x16xf32> to vector<16xf32>
      %swap3A_1150 = vector.shape_cast %add3A_1145 : vector<16xf32> to vector<1x16xf32>
      tpu.vector_store %arg10[%swap3A_1146, %swap3A_1147], %swap3A_1150 {strides = array<i32>} : memref<512x64xf32, #tpu.memory_space<vmem>>, vector<1x16xf32>,
      %get3A_1151 = arith.index_cast %add3A_1122 : i32 to index
      %get3A_1152 = arith.constant 32 : index
      %get3A_1153 = tpu.vector_load %arg10[%get3A_1151, %get3A_1152] {strides = array<i32>} : memref<512x64xf32, #tpu.memory_space<vmem>>, vector<1x16xf32>,
      %get3A_1154 = vector.shape_cast %get3A_1153 : vector<1x16xf32> to vector<16xf32>
      %get3A_1155 = arith.index_cast %squeeze3A_1118 : i32 to index
      %get3A_1156 = arith.constant 32 : index
      %get3A_1157 = tpu.vector_load %arg9[%get3A_1155, %get3A_1156] {strides = array<i32>} : memref<51x64xf32, #tpu.memory_space<vmem>>, vector<1x16xf32>,
      %get3A_1158 = vector.shape_cast %get3A_1157 : vector<1x16xf32> to vector<16xf32>
      %add3A_1159 = arith.addf %get3A_1154, %get3A_1158 : vector<16xf32>
      %swap3A_1160 = arith.index_cast %add3A_1122 : i32 to index
      %swap3A_1161 = arith.constant 32 : index
      %swap3A_1162 = tpu.vector_load %arg10[%swap3A_1160, %swap3A_1161] {strides = array<i32>} : memref<512x64xf32, #tpu.memory_space<vmem>>, vector<1x16xf32>,
      %swap3A_1163 = vector.shape_cast %swap3A_1162 : vector<1x16xf32> to vector<16xf32>
      %swap3A_1164 = vector.shape_cast %add3A_1159 : vector<16xf32> to vector<1x16xf32>
      tpu.vector_store %arg10[%swap3A_1160, %swap3A_1161], %swap3A_1164 {strides = array<i32>} : memref<512x64xf32, #tpu.memory_space<vmem>>, vector<1x16xf32>,
      %get3A_1165 = arith.index_cast %add3A_1122 : i32 to index
      %get3A_1166 = arith.constant 48 : index
      %get3A_1167 = tpu.vector_load %arg10[%get3A_1165, %get3A_1166] {strides = array<i32>} : memref<512x64xf32, #tpu.memory_space<vmem>>, vector<1x16xf32>,
      %get3A_1168 = vector.shape_cast %get3A_1167 : vector<1x16xf32> to vector<16xf32>
      %get3A_1169 = arith.index_cast %squeeze3A_1118 : i32 to index
      %get3A_1170 = arith.constant 48 : index
      %get3A_1171 = tpu.vector_load %arg9[%get3A_1169, %get3A_1170] {strides = array<i32>} : memref<51x64xf32, #tpu.memory_space<vmem>>, vector<1x16xf32>,
      %get3A_1172 = vector.shape_cast %get3A_1171 : vector<1x16xf32> to vector<16xf32>
      %add3A_1173 = arith.addf %get3A_1168, %get3A_1172 : vector<16xf32>
      %swap3A_1174 = arith.index_cast %add3A_1122 : i32 to index
      %swap3A_1175 = arith.constant 48 : index
      %swap3A_1176 = tpu.vector_load %arg10[%swap3A_1174, %swap3A_1175] {strides = array<i32>} : memref<512x64xf32, #tpu.memory_space<vmem>>, vector<1x16xf32>,
      %swap3A_1177 = vector.shape_cast %swap3A_1176 : vector<1x16xf32> to vector<16xf32>
      %swap3A_1178 = vector.shape_cast %add3A_1173 : vector<16xf32> to vector<1x16xf32>
      tpu.vector_store %arg10[%swap3A_1174, %swap3A_1175], %swap3A_1178 {strides = array<i32>} : memref<512x64xf32, #tpu.memory_space<vmem>>, vector<1x16xf32>,
      %slice3A_1179 = vector.extract_strided_slice %get3A_746 {offsets = [7], sizes = [1], strides = [1]} : vector<16xi32> to vector<1xi32>
      %squeeze3A_1180 = vector.extract %slice3A_1179[0] : i32 from vector<1xi32>
      %mul3A_1181 = arith.constant 16 : i32
      %mul3A_1182 = arith.muli %add3A_710, %mul3A_1181 : i32
      %add3A_1183 = arith.constant 7 : i32
      %add3A_1184 = arith.addi %mul3A_1182, %add3A_1183 : i32
      %get3A_1185 = arith.index_cast %add3A_1184 : i32 to index
      %get3A_1186 = arith.constant 0 : index
      %get3A_1187 = tpu.vector_load %arg10[%get3A_1185, %get3A_1186] {strides = array<i32>} : memref<512x64xf32, #tpu.memory_space<vmem>>, vector<1x16xf32>,
      %get3A_1188 = vector.shape_cast %get3A_1187 : vector<1x16xf32> to vector<16xf32>
      %get3A_1189 = arith.index_cast %squeeze3A_1180 : i32 to index
      %get3A_1190 = arith.constant 0 : index
      %get3A_1191 = tpu.vector_load %arg9[%get3A_1189, %get3A_1190] {strides = array<i32>} : memref<51x64xf32, #tpu.memory_space<vmem>>, vector<1x16xf32>,
      %get3A_1192 = vector.shape_cast %get3A_1191 : vector<1x16xf32> to vector<16xf32>
      %add3A_1193 = arith.addf %get3A_1188, %get3A_1192 : vector<16xf32>
      %swap3A_1194 = arith.index_cast %add3A_1184 : i32 to index
      %swap3A_1195 = arith.constant 0 : index
      %swap3A_1196 = tpu.vector_load %arg10[%swap3A_1194, %swap3A_1195] {strides = array<i32>} : memref<512x64xf32, #tpu.memory_space<vmem>>, vector<1x16xf32>,
      %swap3A_1197 = vector.shape_cast %swap3A_1196 : vector<1x16xf32> to vector<16xf32>
      %swap3A_1198 = vector.shape_cast %add3A_1193 : vector<16xf32> to vector<1x16xf32>
      tpu.vector_store %arg10[%swap3A_1194, %swap3A_1195], %swap3A_1198 {strides = array<i32>} : memref<512x64xf32, #tpu.memory_space<vmem>>, vector<1x16xf32>,
      %get3A_1199 = arith.index_cast %add3A_1184 : i32 to index
      %get3A_1200 = arith.constant 16 : index
      %get3A_1201 = tpu.vector_load %arg10[%get3A_1199, %get3A_1200] {strides = array<i32>} : memref<512x64xf32, #tpu.memory_space<vmem>>, vector<1x16xf32>,
      %get3A_1202 = vector.shape_cast %get3A_1201 : vector<1x16xf32> to vector<16xf32>
      %get3A_1203 = arith.index_cast %squeeze3A_1180 : i32 to index
      %get3A_1204 = arith.constant 16 : index
      %get3A_1205 = tpu.vector_load %arg9[%get3A_1203, %get3A_1204] {strides = array<i32>} : memref<51x64xf32, #tpu.memory_space<vmem>>, vector<1x16xf32>,
      %get3A_1206 = vector.shape_cast %get3A_1205 : vector<1x16xf32> to vector<16xf32>
      %add3A_1207 = arith.addf %get3A_1202, %get3A_1206 : vector<16xf32>
      %swap3A_1208 = arith.index_cast %add3A_1184 : i32 to index
      %swap3A_1209 = arith.constant 16 : index
      %swap3A_1210 = tpu.vector_load %arg10[%swap3A_1208, %swap3A_1209] {strides = array<i32>} : memref<512x64xf32, #tpu.memory_space<vmem>>, vector<1x16xf32>,
      %swap3A_1211 = vector.shape_cast %swap3A_1210 : vector<1x16xf32> to vector<16xf32>
      %swap3A_1212 = vector.shape_cast %add3A_1207 : vector<16xf32> to vector<1x16xf32>
      tpu.vector_store %arg10[%swap3A_1208, %swap3A_1209], %swap3A_1212 {strides = array<i32>} : memref<512x64xf32, #tpu.memory_space<vmem>>, vector<1x16xf32>,
      %get3A_1213 = arith.index_cast %add3A_1184 : i32 to index
      %get3A_1214 = arith.constant 32 : index
      %get3A_1215 = tpu.vector_load %arg10[%get3A_1213, %get3A_1214] {strides = array<i32>} : memref<512x64xf32, #tpu.memory_space<vmem>>, vector<1x16xf32>,
      %get3A_1216 = vector.shape_cast %get3A_1215 : vector<1x16xf32> to vector<16xf32>
      %get3A_1217 = arith.index_cast %squeeze3A_1180 : i32 to index
      %get3A_1218 = arith.constant 32 : index
      %get3A_1219 = tpu.vector_load %arg9[%get3A_1217, %get3A_1218] {strides = array<i32>} : memref<51x64xf32, #tpu.memory_space<vmem>>, vector<1x16xf32>,
      %get3A_1220 = vector.shape_cast %get3A_1219 : vector<1x16xf32> to vector<16xf32>
      %add3A_1221 = arith.addf %get3A_1216, %get3A_1220 : vector<16xf32>
      %swap3A_1222 = arith.index_cast %add3A_1184 : i32 to index
      %swap3A_1223 = arith.constant 32 : index
      %swap3A_1224 = tpu.vector_load %arg10[%swap3A_1222, %swap3A_1223] {strides = array<i32>} : memref<512x64xf32, #tpu.memory_space<vmem>>, vector<1x16xf32>,
      %swap3A_1225 = vector.shape_cast %swap3A_1224 : vector<1x16xf32> to vector<16xf32>
      %swap3A_1226 = vector.shape_cast %add3A_1221 : vector<16xf32> to vector<1x16xf32>
      tpu.vector_store %arg10[%swap3A_1222, %swap3A_1223], %swap3A_1226 {strides = array<i32>} : memref<512x64xf32, #tpu.memory_space<vmem>>, vector<1x16xf32>,
      %get3A_1227 = arith.index_cast %add3A_1184 : i32 to index
      %get3A_1228 = arith.constant 48 : index
      %get3A_1229 = tpu.vector_load %arg10[%get3A_1227, %get3A_1228] {strides = array<i32>} : memref<512x64xf32, #tpu.memory_space<vmem>>, vector<1x16xf32>,
      %get3A_1230 = vector.shape_cast %get3A_1229 : vector<1x16xf32> to vector<16xf32>
      %get3A_1231 = arith.index_cast %squeeze3A_1180 : i32 to index
      %get3A_1232 = arith.constant 48 : index
      %get3A_1233 = tpu.vector_load %arg9[%get3A_1231, %get3A_1232] {strides = array<i32>} : memref<51x64xf32, #tpu.memory_space<vmem>>, vector<1x16xf32>,
      %get3A_1234 = vector.shape_cast %get3A_1233 : vector<1x16xf32> to vector<16xf32>
      %add3A_1235 = arith.addf %get3A_1230, %get3A_1234 : vector<16xf32>
      %swap3A_1236 = arith.index_cast %add3A_1184 : i32 to index
      %swap3A_1237 = arith.constant 48 : index
      %swap3A_1238 = tpu.vector_load %arg10[%swap3A_1236, %swap3A_1237] {strides = array<i32>} : memref<512x64xf32, #tpu.memory_space<vmem>>, vector<1x16xf32>,
      %swap3A_1239 = vector.shape_cast %swap3A_1238 : vector<1x16xf32> to vector<16xf32>
      %swap3A_1240 = vector.shape_cast %add3A_1235 : vector<16xf32> to vector<1x16xf32>
      tpu.vector_store %arg10[%swap3A_1236, %swap3A_1237], %swap3A_1240 {strides = array<i32>} : memref<512x64xf32, #tpu.memory_space<vmem>>, vector<1x16xf32>,
      %slice3A_1241 = vector.extract_strided_slice %get3A_746 {offsets = [8], sizes = [1], strides = [1]} : vector<16xi32> to vector<1xi32>
      %squeeze3A_1242 = vector.extract %slice3A_1241[0] : i32 from vector<1xi32>
      %mul3A_1243 = arith.constant 16 : i32
      %mul3A_1244 = arith.muli %add3A_710, %mul3A_1243 : i32
      %add3A_1245 = arith.constant 8 : i32
      %add3A_1246 = arith.addi %mul3A_1244, %add3A_1245 : i32
      %get3A_1247 = arith.index_cast %add3A_1246 : i32 to index
      %get3A_1248 = arith.constant 0 : index
      %get3A_1249 = tpu.vector_load %arg10[%get3A_1247, %get3A_1248] {strides = array<i32>} : memref<512x64xf32, #tpu.memory_space<vmem>>, vector<1x16xf32>,
      %get3A_1250 = vector.shape_cast %get3A_1249 : vector<1x16xf32> to vector<16xf32>
      %get3A_1251 = arith.index_cast %squeeze3A_1242 : i32 to index
      %get3A_1252 = arith.constant 0 : index
      %get3A_1253 = tpu.vector_load %arg9[%get3A_1251, %get3A_1252] {strides = array<i32>} : memref<51x64xf32, #tpu.memory_space<vmem>>, vector<1x16xf32>,
      %get3A_1254 = vector.shape_cast %get3A_1253 : vector<1x16xf32> to vector<16xf32>
      %add3A_1255 = arith.addf %get3A_1250, %get3A_1254 : vector<16xf32>
      %swap3A_1256 = arith.index_cast %add3A_1246 : i32 to index
      %swap3A_1257 = arith.constant 0 : index
      %swap3A_1258 = tpu.vector_load %arg10[%swap3A_1256, %swap3A_1257] {strides = array<i32>} : memref<512x64xf32, #tpu.memory_space<vmem>>, vector<1x16xf32>,
      %swap3A_1259 = vector.shape_cast %swap3A_1258 : vector<1x16xf32> to vector<16xf32>
      %swap3A_1260 = vector.shape_cast %add3A_1255 : vector<16xf32> to vector<1x16xf32>
      tpu.vector_store %arg10[%swap3A_1256, %swap3A_1257], %swap3A_1260 {strides = array<i32>} : memref<512x64xf32, #tpu.memory_space<vmem>>, vector<1x16xf32>,
      %get3A_1261 = arith.index_cast %add3A_1246 : i32 to index
      %get3A_1262 = arith.constant 16 : index
      %get3A_1263 = tpu.vector_load %arg10[%get3A_1261, %get3A_1262] {strides = array<i32>} : memref<512x64xf32, #tpu.memory_space<vmem>>, vector<1x16xf32>,
      %get3A_1264 = vector.shape_cast %get3A_1263 : vector<1x16xf32> to vector<16xf32>
      %get3A_1265 = arith.index_cast %squeeze3A_1242 : i32 to index
      %get3A_1266 = arith.constant 16 : index
      %get3A_1267 = tpu.vector_load %arg9[%get3A_1265, %get3A_1266] {strides = array<i32>} : memref<51x64xf32, #tpu.memory_space<vmem>>, vector<1x16xf32>,
      %get3A_1268 = vector.shape_cast %get3A_1267 : vector<1x16xf32> to vector<16xf32>
      %add3A_1269 = arith.addf %get3A_1264, %get3A_1268 : vector<16xf32>
      %swap3A_1270 = arith.index_cast %add3A_1246 : i32 to index
      %swap3A_1271 = arith.constant 16 : index
      %swap3A_1272 = tpu.vector_load %arg10[%swap3A_1270, %swap3A_1271] {strides = array<i32>} : memref<512x64xf32, #tpu.memory_space<vmem>>, vector<1x16xf32>,
      %swap3A_1273 = vector.shape_cast %swap3A_1272 : vector<1x16xf32> to vector<16xf32>
      %swap3A_1274 = vector.shape_cast %add3A_1269 : vector<16xf32> to vector<1x16xf32>
      tpu.vector_store %arg10[%swap3A_1270, %swap3A_1271], %swap3A_1274 {strides = array<i32>} : memref<512x64xf32, #tpu.memory_space<vmem>>, vector<1x16xf32>,
      %get3A_1275 = arith.index_cast %add3A_1246 : i32 to index
      %get3A_1276 = arith.constant 32 : index
      %get3A_1277 = tpu.vector_load %arg10[%get3A_1275, %get3A_1276] {strides = array<i32>} : memref<512x64xf32, #tpu.memory_space<vmem>>, vector<1x16xf32>,
      %get3A_1278 = vector.shape_cast %get3A_1277 : vector<1x16xf32> to vector<16xf32>
      %get3A_1279 = arith.index_cast %squeeze3A_1242 : i32 to index
      %get3A_1280 = arith.constant 32 : index
      %get3A_1281 = tpu.vector_load %arg9[%get3A_1279, %get3A_1280] {strides = array<i32>} : memref<51x64xf32, #tpu.memory_space<vmem>>, vector<1x16xf32>,
      %get3A_1282 = vector.shape_cast %get3A_1281 : vector<1x16xf32> to vector<16xf32>
      %add3A_1283 = arith.addf %get3A_1278, %get3A_1282 : vector<16xf32>
      %swap3A_1284 = arith.index_cast %add3A_1246 : i32 to index
      %swap3A_1285 = arith.constant 32 : index
      %swap3A_1286 = tpu.vector_load %arg10[%swap3A_1284, %swap3A_1285] {strides = array<i32>} : memref<512x64xf32, #tpu.memory_space<vmem>>, vector<1x16xf32>,
      %swap3A_1287 = vector.shape_cast %swap3A_1286 : vector<1x16xf32> to vector<16xf32>
      %swap3A_1288 = vector.shape_cast %add3A_1283 : vector<16xf32> to vector<1x16xf32>
      tpu.vector_store %arg10[%swap3A_1284, %swap3A_1285], %swap3A_1288 {strides = array<i32>} : memref<512x64xf32, #tpu.memory_space<vmem>>, vector<1x16xf32>,
      %get3A_1289 = arith.index_cast %add3A_1246 : i32 to index
      %get3A_1290 = arith.constant 48 : index
      %get3A_1291 = tpu.vector_load %arg10[%get3A_1289, %get3A_1290] {strides = array<i32>} : memref<512x64xf32, #tpu.memory_space<vmem>>, vector<1x16xf32>,
      %get3A_1292 = vector.shape_cast %get3A_1291 : vector<1x16xf32> to vector<16xf32>
      %get3A_1293 = arith.index_cast %squeeze3A_1242 : i32 to index
      %get3A_1294 = arith.constant 48 : index
      %get3A_1295 = tpu.vector_load %arg9[%get3A_1293, %get3A_1294] {strides = array<i32>} : memref<51x64xf32, #tpu.memory_space<vmem>>, vector<1x16xf32>,
      %get3A_1296 = vector.shape_cast %get3A_1295 : vector<1x16xf32> to vector<16xf32>
      %add3A_1297 = arith.addf %get3A_1292, %get3A_1296 : vector<16xf32>
      %swap3A_1298 = arith.index_cast %add3A_1246 : i32 to index
      %swap3A_1299 = arith.constant 48 : index
      %swap3A_1300 = tpu.vector_load %arg10[%swap3A_1298, %swap3A_1299] {strides = array<i32>} : memref<512x64xf32, #tpu.memory_space<vmem>>, vector<1x16xf32>,
      %swap3A_1301 = vector.shape_cast %swap3A_1300 : vector<1x16xf32> to vector<16xf32>
      %swap3A_1302 = vector.shape_cast %add3A_1297 : vector<16xf32> to vector<1x16xf32>
      tpu.vector_store %arg10[%swap3A_1298, %swap3A_1299], %swap3A_1302 {strides = array<i32>} : memref<512x64xf32, #tpu.memory_space<vmem>>, vector<1x16xf32>,
      %slice3A_1303 = vector.extract_strided_slice %get3A_746 {offsets = [9], sizes = [1], strides = [1]} : vector<16xi32> to vector<1xi32>
      %squeeze3A_1304 = vector.extract %slice3A_1303[0] : i32 from vector<1xi32>
      %mul3A_1305 = arith.constant 16 : i32
      %mul3A_1306 = arith.muli %add3A_710, %mul3A_1305 : i32
      %add3A_1307 = arith.constant 9 : i32
      %add3A_1308 = arith.addi %mul3A_1306, %add3A_1307 : i32
      %get3A_1309 = arith.index_cast %add3A_1308 : i32 to index
      %get3A_1310 = arith.constant 0 : index
      %get3A_1311 = tpu.vector_load %arg10[%get3A_1309, %get3A_1310] {strides = array<i32>} : memref<512x64xf32, #tpu.memory_space<vmem>>, vector<1x16xf32>,
      %get3A_1312 = vector.shape_cast %get3A_1311 : vector<1x16xf32> to vector<16xf32>
      %get3A_1313 = arith.index_cast %squeeze3A_1304 : i32 to index
      %get3A_1314 = arith.constant 0 : index
      %get3A_1315 = tpu.vector_load %arg9[%get3A_1313, %get3A_1314] {strides = array<i32>} : memref<51x64xf32, #tpu.memory_space<vmem>>, vector<1x16xf32>,
      %get3A_1316 = vector.shape_cast %get3A_1315 : vector<1x16xf32> to vector<16xf32>
      %add3A_1317 = arith.addf %get3A_1312, %get3A_1316 : vector<16xf32>
      %swap3A_1318 = arith.index_cast %add3A_1308 : i32 to index
      %swap3A_1319 = arith.constant 0 : index
      %swap3A_1320 = tpu.vector_load %arg10[%swap3A_1318, %swap3A_1319] {strides = array<i32>} : memref<512x64xf32, #tpu.memory_space<vmem>>, vector<1x16xf32>,
      %swap3A_1321 = vector.shape_cast %swap3A_1320 : vector<1x16xf32> to vector<16xf32>
      %swap3A_1322 = vector.shape_cast %add3A_1317 : vector<16xf32> to vector<1x16xf32>
      tpu.vector_store %arg10[%swap3A_1318, %swap3A_1319], %swap3A_1322 {strides = array<i32>} : memref<512x64xf32, #tpu.memory_space<vmem>>, vector<1x16xf32>,
      %get3A_1323 = arith.index_cast %add3A_1308 : i32 to index
      %get3A_1324 = arith.constant 16 : index
      %get3A_1325 = tpu.vector_load %arg10[%get3A_1323, %get3A_1324] {strides = array<i32>} : memref<512x64xf32, #tpu.memory_space<vmem>>, vector<1x16xf32>,
      %get3A_1326 = vector.shape_cast %get3A_1325 : vector<1x16xf32> to vector<16xf32>
      %get3A_1327 = arith.index_cast %squeeze3A_1304 : i32 to index
      %get3A_1328 = arith.constant 16 : index
      %get3A_1329 = tpu.vector_load %arg9[%get3A_1327, %get3A_1328] {strides = array<i32>} : memref<51x64xf32, #tpu.memory_space<vmem>>, vector<1x16xf32>,
      %get3A_1330 = vector.shape_cast %get3A_1329 : vector<1x16xf32> to vector<16xf32>
      %add3A_1331 = arith.addf %get3A_1326, %get3A_1330 : vector<16xf32>
      %swap3A_1332 = arith.index_cast %add3A_1308 : i32 to index
      %swap3A_1333 = arith.constant 16 : index
      %swap3A_1334 = tpu.vector_load %arg10[%swap3A_1332, %swap3A_1333] {strides = array<i32>} : memref<512x64xf32, #tpu.memory_space<vmem>>, vector<1x16xf32>,
      %swap3A_1335 = vector.shape_cast %swap3A_1334 : vector<1x16xf32> to vector<16xf32>
      %swap3A_1336 = vector.shape_cast %add3A_1331 : vector<16xf32> to vector<1x16xf32>
      tpu.vector_store %arg10[%swap3A_1332, %swap3A_1333], %swap3A_1336 {strides = array<i32>} : memref<512x64xf32, #tpu.memory_space<vmem>>, vector<1x16xf32>,
      %get3A_1337 = arith.index_cast %add3A_1308 : i32 to index
      %get3A_1338 = arith.constant 32 : index
      %get3A_1339 = tpu.vector_load %arg10[%get3A_1337, %get3A_1338] {strides = array<i32>} : memref<512x64xf32, #tpu.memory_space<vmem>>, vector<1x16xf32>,
      %get3A_1340 = vector.shape_cast %get3A_1339 : vector<1x16xf32> to vector<16xf32>
      %get3A_1341 = arith.index_cast %squeeze3A_1304 : i32 to index
      %get3A_1342 = arith.constant 32 : index
      %get3A_1343 = tpu.vector_load %arg9[%get3A_1341, %get3A_1342] {strides = array<i32>} : memref<51x64xf32, #tpu.memory_space<vmem>>, vector<1x16xf32>,
      %get3A_1344 = vector.shape_cast %get3A_1343 : vector<1x16xf32> to vector<16xf32>
      %add3A_1345 = arith.addf %get3A_1340, %get3A_1344 : vector<16xf32>
      %swap3A_1346 = arith.index_cast %add3A_1308 : i32 to index
      %swap3A_1347 = arith.constant 32 : index
      %swap3A_1348 = tpu.vector_load %arg10[%swap3A_1346, %swap3A_1347] {strides = array<i32>} : memref<512x64xf32, #tpu.memory_space<vmem>>, vector<1x16xf32>,
      %swap3A_1349 = vector.shape_cast %swap3A_1348 : vector<1x16xf32> to vector<16xf32>
      %swap3A_1350 = vector.shape_cast %add3A_1345 : vector<16xf32> to vector<1x16xf32>
      tpu.vector_store %arg10[%swap3A_1346, %swap3A_1347], %swap3A_1350 {strides = array<i32>} : memref<512x64xf32, #tpu.memory_space<vmem>>, vector<1x16xf32>,
      %get3A_1351 = arith.index_cast %add3A_1308 : i32 to index
      %get3A_1352 = arith.constant 48 : index
      %get3A_1353 = tpu.vector_load %arg10[%get3A_1351, %get3A_1352] {strides = array<i32>} : memref<512x64xf32, #tpu.memory_space<vmem>>, vector<1x16xf32>,
      %get3A_1354 = vector.shape_cast %get3A_1353 : vector<1x16xf32> to vector<16xf32>
      %get3A_1355 = arith.index_cast %squeeze3A_1304 : i32 to index
      %get3A_1356 = arith.constant 48 : index
      %get3A_1357 = tpu.vector_load %arg9[%get3A_1355, %get3A_1356] {strides = array<i32>} : memref<51x64xf32, #tpu.memory_space<vmem>>, vector<1x16xf32>,
      %get3A_1358 = vector.shape_cast %get3A_1357 : vector<1x16xf32> to vector<16xf32>
      %add3A_1359 = arith.addf %get3A_1354, %get3A_1358 : vector<16xf32>
      %swap3A_1360 = arith.index_cast %add3A_1308 : i32 to index
      %swap3A_1361 = arith.constant 48 : index
      %swap3A_1362 = tpu.vector_load %arg10[%swap3A_1360, %swap3A_1361] {strides = array<i32>} : memref<512x64xf32, #tpu.memory_space<vmem>>, vector<1x16xf32>,
      %swap3A_1363 = vector.shape_cast %swap3A_1362 : vector<1x16xf32> to vector<16xf32>
      %swap3A_1364 = vector.shape_cast %add3A_1359 : vector<16xf32> to vector<1x16xf32>
      tpu.vector_store %arg10[%swap3A_1360, %swap3A_1361], %swap3A_1364 {strides = array<i32>} : memref<512x64xf32, #tpu.memory_space<vmem>>, vector<1x16xf32>,
      %slice3A_1365 = vector.extract_strided_slice %get3A_746 {offsets = [10], sizes = [1], strides = [1]} : vector<16xi32> to vector<1xi32>
      %squeeze3A_1366 = vector.extract %slice3A_1365[0] : i32 from vector<1xi32>
      %mul3A_1367 = arith.constant 16 : i32
      %mul3A_1368 = arith.muli %add3A_710, %mul3A_1367 : i32
      %add3A_1369 = arith.constant 10 : i32
      %add3A_1370 = arith.addi %mul3A_1368, %add3A_1369 : i32
      %get3A_1371 = arith.index_cast %add3A_1370 : i32 to index
      %get3A_1372 = arith.constant 0 : index
      %get3A_1373 = tpu.vector_load %arg10[%get3A_1371, %get3A_1372] {strides = array<i32>} : memref<512x64xf32, #tpu.memory_space<vmem>>, vector<1x16xf32>,
      %get3A_1374 = vector.shape_cast %get3A_1373 : vector<1x16xf32> to vector<16xf32>
      %get3A_1375 = arith.index_cast %squeeze3A_1366 : i32 to index
      %get3A_1376 = arith.constant 0 : index
      %get3A_1377 = tpu.vector_load %arg9[%get3A_1375, %get3A_1376] {strides = array<i32>} : memref<51x64xf32, #tpu.memory_space<vmem>>, vector<1x16xf32>,
      %get3A_1378 = vector.shape_cast %get3A_1377 : vector<1x16xf32> to vector<16xf32>
      %add3A_1379 = arith.addf %get3A_1374, %get3A_1378 : vector<16xf32>
      %swap3A_1380 = arith.index_cast %add3A_1370 : i32 to index
      %swap3A_1381 = arith.constant 0 : index
      %swap3A_1382 = tpu.vector_load %arg10[%swap3A_1380, %swap3A_1381] {strides = array<i32>} : memref<512x64xf32, #tpu.memory_space<vmem>>, vector<1x16xf32>,
      %swap3A_1383 = vector.shape_cast %swap3A_1382 : vector<1x16xf32> to vector<16xf32>
      %swap3A_1384 = vector.shape_cast %add3A_1379 : vector<16xf32> to vector<1x16xf32>
      tpu.vector_store %arg10[%swap3A_1380, %swap3A_1381], %swap3A_1384 {strides = array<i32>} : memref<512x64xf32, #tpu.memory_space<vmem>>, vector<1x16xf32>,
      %get3A_1385 = arith.index_cast %add3A_1370 : i32 to index
      %get3A_1386 = arith.constant 16 : index
      %get3A_1387 = tpu.vector_load %arg10[%get3A_1385, %get3A_1386] {strides = array<i32>} : memref<512x64xf32, #tpu.memory_space<vmem>>, vector<1x16xf32>,
      %get3A_1388 = vector.shape_cast %get3A_1387 : vector<1x16xf32> to vector<16xf32>
      %get3A_1389 = arith.index_cast %squeeze3A_1366 : i32 to index
      %get3A_1390 = arith.constant 16 : index
      %get3A_1391 = tpu.vector_load %arg9[%get3A_1389, %get3A_1390] {strides = array<i32>} : memref<51x64xf32, #tpu.memory_space<vmem>>, vector<1x16xf32>,
      %get3A_1392 = vector.shape_cast %get3A_1391 : vector<1x16xf32> to vector<16xf32>
      %add3A_1393 = arith.addf %get3A_1388, %get3A_1392 : vector<16xf32>
      %swap3A_1394 = arith.index_cast %add3A_1370 : i32 to index
      %swap3A_1395 = arith.constant 16 : index
      %swap3A_1396 = tpu.vector_load %arg10[%swap3A_1394, %swap3A_1395] {strides = array<i32>} : memref<512x64xf32, #tpu.memory_space<vmem>>, vector<1x16xf32>,
      %swap3A_1397 = vector.shape_cast %swap3A_1396 : vector<1x16xf32> to vector<16xf32>
      %swap3A_1398 = vector.shape_cast %add3A_1393 : vector<16xf32> to vector<1x16xf32>
      tpu.vector_store %arg10[%swap3A_1394, %swap3A_1395], %swap3A_1398 {strides = array<i32>} : memref<512x64xf32, #tpu.memory_space<vmem>>, vector<1x16xf32>,
      %get3A_1399 = arith.index_cast %add3A_1370 : i32 to index
      %get3A_1400 = arith.constant 32 : index
      %get3A_1401 = tpu.vector_load %arg10[%get3A_1399, %get3A_1400] {strides = array<i32>} : memref<512x64xf32, #tpu.memory_space<vmem>>, vector<1x16xf32>,
      %get3A_1402 = vector.shape_cast %get3A_1401 : vector<1x16xf32> to vector<16xf32>
      %get3A_1403 = arith.index_cast %squeeze3A_1366 : i32 to index
      %get3A_1404 = arith.constant 32 : index
      %get3A_1405 = tpu.vector_load %arg9[%get3A_1403, %get3A_1404] {strides = array<i32>} : memref<51x64xf32, #tpu.memory_space<vmem>>, vector<1x16xf32>,
      %get3A_1406 = vector.shape_cast %get3A_1405 : vector<1x16xf32> to vector<16xf32>
      %add3A_1407 = arith.addf %get3A_1402, %get3A_1406 : vector<16xf32>
      %swap3A_1408 = arith.index_cast %add3A_1370 : i32 to index
      %swap3A_1409 = arith.constant 32 : index
      %swap3A_1410 = tpu.vector_load %arg10[%swap3A_1408, %swap3A_1409] {strides = array<i32>} : memref<512x64xf32, #tpu.memory_space<vmem>>, vector<1x16xf32>,
      %swap3A_1411 = vector.shape_cast %swap3A_1410 : vector<1x16xf32> to vector<16xf32>
      %swap3A_1412 = vector.shape_cast %add3A_1407 : vector<16xf32> to vector<1x16xf32>
      tpu.vector_store %arg10[%swap3A_1408, %swap3A_1409], %swap3A_1412 {strides = array<i32>} : memref<512x64xf32, #tpu.memory_space<vmem>>, vector<1x16xf32>,
      %get3A_1413 = arith.index_cast %add3A_1370 : i32 to index
      %get3A_1414 = arith.constant 48 : index
      %get3A_1415 = tpu.vector_load %arg10[%get3A_1413, %get3A_1414] {strides = array<i32>} : memref<512x64xf32, #tpu.memory_space<vmem>>, vector<1x16xf32>,
      %get3A_1416 = vector.shape_cast %get3A_1415 : vector<1x16xf32> to vector<16xf32>
      %get3A_1417 = arith.index_cast %squeeze3A_1366 : i32 to index
      %get3A_1418 = arith.constant 48 : index
      %get3A_1419 = tpu.vector_load %arg9[%get3A_1417, %get3A_1418] {strides = array<i32>} : memref<51x64xf32, #tpu.memory_space<vmem>>, vector<1x16xf32>,
      %get3A_1420 = vector.shape_cast %get3A_1419 : vector<1x16xf32> to vector<16xf32>
      %add3A_1421 = arith.addf %get3A_1416, %get3A_1420 : vector<16xf32>
      %swap3A_1422 = arith.index_cast %add3A_1370 : i32 to index
      %swap3A_1423 = arith.constant 48 : index
      %swap3A_1424 = tpu.vector_load %arg10[%swap3A_1422, %swap3A_1423] {strides = array<i32>} : memref<512x64xf32, #tpu.memory_space<vmem>>, vector<1x16xf32>,
      %swap3A_1425 = vector.shape_cast %swap3A_1424 : vector<1x16xf32> to vector<16xf32>
      %swap3A_1426 = vector.shape_cast %add3A_1421 : vector<16xf32> to vector<1x16xf32>
      tpu.vector_store %arg10[%swap3A_1422, %swap3A_1423], %swap3A_1426 {strides = array<i32>} : memref<512x64xf32, #tpu.memory_space<vmem>>, vector<1x16xf32>,
      %slice3A_1427 = vector.extract_strided_slice %get3A_746 {offsets = [11], sizes = [1], strides = [1]} : vector<16xi32> to vector<1xi32>
      %squeeze3A_1428 = vector.extract %slice3A_1427[0] : i32 from vector<1xi32>
      %mul3A_1429 = arith.constant 16 : i32
      %mul3A_1430 = arith.muli %add3A_710, %mul3A_1429 : i32
      %add3A_1431 = arith.constant 11 : i32
      %add3A_1432 = arith.addi %mul3A_1430, %add3A_1431 : i32
      %get3A_1433 = arith.index_cast %add3A_1432 : i32 to index
      %get3A_1434 = arith.constant 0 : index
      %get3A_1435 = tpu.vector_load %arg10[%get3A_1433, %get3A_1434] {strides = array<i32>} : memref<512x64xf32, #tpu.memory_space<vmem>>, vector<1x16xf32>,
      %get3A_1436 = vector.shape_cast %get3A_1435 : vector<1x16xf32> to vector<16xf32>
      %get3A_1437 = arith.index_cast %squeeze3A_1428 : i32 to index
      %get3A_1438 = arith.constant 0 : index
      %get3A_1439 = tpu.vector_load %arg9[%get3A_1437, %get3A_1438] {strides = array<i32>} : memref<51x64xf32, #tpu.memory_space<vmem>>, vector<1x16xf32>,
      %get3A_1440 = vector.shape_cast %get3A_1439 : vector<1x16xf32> to vector<16xf32>
      %add3A_1441 = arith.addf %get3A_1436, %get3A_1440 : vector<16xf32>
      %swap3A_1442 = arith.index_cast %add3A_1432 : i32 to index
      %swap3A_1443 = arith.constant 0 : index
      %swap3A_1444 = tpu.vector_load %arg10[%swap3A_1442, %swap3A_1443] {strides = array<i32>} : memref<512x64xf32, #tpu.memory_space<vmem>>, vector<1x16xf32>,
      %swap3A_1445 = vector.shape_cast %swap3A_1444 : vector<1x16xf32> to vector<16xf32>
      %swap3A_1446 = vector.shape_cast %add3A_1441 : vector<16xf32> to vector<1x16xf32>
      tpu.vector_store %arg10[%swap3A_1442, %swap3A_1443], %swap3A_1446 {strides = array<i32>} : memref<512x64xf32, #tpu.memory_space<vmem>>, vector<1x16xf32>,
      %get3A_1447 = arith.index_cast %add3A_1432 : i32 to index
      %get3A_1448 = arith.constant 16 : index
      %get3A_1449 = tpu.vector_load %arg10[%get3A_1447, %get3A_1448] {strides = array<i32>} : memref<512x64xf32, #tpu.memory_space<vmem>>, vector<1x16xf32>,
      %get3A_1450 = vector.shape_cast %get3A_1449 : vector<1x16xf32> to vector<16xf32>
      %get3A_1451 = arith.index_cast %squeeze3A_1428 : i32 to index
      %get3A_1452 = arith.constant 16 : index
      %get3A_1453 = tpu.vector_load %arg9[%get3A_1451, %get3A_1452] {strides = array<i32>} : memref<51x64xf32, #tpu.memory_space<vmem>>, vector<1x16xf32>,
      %get3A_1454 = vector.shape_cast %get3A_1453 : vector<1x16xf32> to vector<16xf32>
      %add3A_1455 = arith.addf %get3A_1450, %get3A_1454 : vector<16xf32>
      %swap3A_1456 = arith.index_cast %add3A_1432 : i32 to index
      %swap3A_1457 = arith.constant 16 : index
      %swap3A_1458 = tpu.vector_load %arg10[%swap3A_1456, %swap3A_1457] {strides = array<i32>} : memref<512x64xf32, #tpu.memory_space<vmem>>, vector<1x16xf32>,
      %swap3A_1459 = vector.shape_cast %swap3A_1458 : vector<1x16xf32> to vector<16xf32>
      %swap3A_1460 = vector.shape_cast %add3A_1455 : vector<16xf32> to vector<1x16xf32>
      tpu.vector_store %arg10[%swap3A_1456, %swap3A_1457], %swap3A_1460 {strides = array<i32>} : memref<512x64xf32, #tpu.memory_space<vmem>>, vector<1x16xf32>,
      %get3A_1461 = arith.index_cast %add3A_1432 : i32 to index
      %get3A_1462 = arith.constant 32 : index
      %get3A_1463 = tpu.vector_load %arg10[%get3A_1461, %get3A_1462] {strides = array<i32>} : memref<512x64xf32, #tpu.memory_space<vmem>>, vector<1x16xf32>,
      %get3A_1464 = vector.shape_cast %get3A_1463 : vector<1x16xf32> to vector<16xf32>
      %get3A_1465 = arith.index_cast %squeeze3A_1428 : i32 to index
      %get3A_1466 = arith.constant 32 : index
      %get3A_1467 = tpu.vector_load %arg9[%get3A_1465, %get3A_1466] {strides = array<i32>} : memref<51x64xf32, #tpu.memory_space<vmem>>, vector<1x16xf32>,
      %get3A_1468 = vector.shape_cast %get3A_1467 : vector<1x16xf32> to vector<16xf32>
      %add3A_1469 = arith.addf %get3A_1464, %get3A_1468 : vector<16xf32>
      %swap3A_1470 = arith.index_cast %add3A_1432 : i32 to index
      %swap3A_1471 = arith.constant 32 : index
      %swap3A_1472 = tpu.vector_load %arg10[%swap3A_1470, %swap3A_1471] {strides = array<i32>} : memref<512x64xf32, #tpu.memory_space<vmem>>, vector<1x16xf32>,
      %swap3A_1473 = vector.shape_cast %swap3A_1472 : vector<1x16xf32> to vector<16xf32>
      %swap3A_1474 = vector.shape_cast %add3A_1469 : vector<16xf32> to vector<1x16xf32>
      tpu.vector_store %arg10[%swap3A_1470, %swap3A_1471], %swap3A_1474 {strides = array<i32>} : memref<512x64xf32, #tpu.memory_space<vmem>>, vector<1x16xf32>,
      %get3A_1475 = arith.index_cast %add3A_1432 : i32 to index
      %get3A_1476 = arith.constant 48 : index
      %get3A_1477 = tpu.vector_load %arg10[%get3A_1475, %get3A_1476] {strides = array<i32>} : memref<512x64xf32, #tpu.memory_space<vmem>>, vector<1x16xf32>,
      %get3A_1478 = vector.shape_cast %get3A_1477 : vector<1x16xf32> to vector<16xf32>
      %get3A_1479 = arith.index_cast %squeeze3A_1428 : i32 to index
      %get3A_1480 = arith.constant 48 : index
      %get3A_1481 = tpu.vector_load %arg9[%get3A_1479, %get3A_1480] {strides = array<i32>} : memref<51x64xf32, #tpu.memory_space<vmem>>, vector<1x16xf32>,
      %get3A_1482 = vector.shape_cast %get3A_1481 : vector<1x16xf32> to vector<16xf32>
      %add3A_1483 = arith.addf %get3A_1478, %get3A_1482 : vector<16xf32>
      %swap3A_1484 = arith.index_cast %add3A_1432 : i32 to index
      %swap3A_1485 = arith.constant 48 : index
      %swap3A_1486 = tpu.vector_load %arg10[%swap3A_1484, %swap3A_1485] {strides = array<i32>} : memref<512x64xf32, #tpu.memory_space<vmem>>, vector<1x16xf32>,
      %swap3A_1487 = vector.shape_cast %swap3A_1486 : vector<1x16xf32> to vector<16xf32>
      %swap3A_1488 = vector.shape_cast %add3A_1483 : vector<16xf32> to vector<1x16xf32>
      tpu.vector_store %arg10[%swap3A_1484, %swap3A_1485], %swap3A_1488 {strides = array<i32>} : memref<512x64xf32, #tpu.memory_space<vmem>>, vector<1x16xf32>,
      %slice3A_1489 = vector.extract_strided_slice %get3A_746 {offsets = [12], sizes = [1], strides = [1]} : vector<16xi32> to vector<1xi32>
      %squeeze3A_1490 = vector.extract %slice3A_1489[0] : i32 from vector<1xi32>
      %mul3A_1491 = arith.constant 16 : i32
      %mul3A_1492 = arith.muli %add3A_710, %mul3A_1491 : i32
      %add3A_1493 = arith.constant 12 : i32
      %add3A_1494 = arith.addi %mul3A_1492, %add3A_1493 : i32
      %get3A_1495 = arith.index_cast %add3A_1494 : i32 to index
      %get3A_1496 = arith.constant 0 : index
      %get3A_1497 = tpu.vector_load %arg10[%get3A_1495, %get3A_1496] {strides = array<i32>} : memref<512x64xf32, #tpu.memory_space<vmem>>, vector<1x16xf32>,
      %get3A_1498 = vector.shape_cast %get3A_1497 : vector<1x16xf32> to vector<16xf32>
      %get3A_1499 = arith.index_cast %squeeze3A_1490 : i32 to index
      %get3A_1500 = arith.constant 0 : index
      %get3A_1501 = tpu.vector_load %arg9[%get3A_1499, %get3A_1500] {strides = array<i32>} : memref<51x64xf32, #tpu.memory_space<vmem>>, vector<1x16xf32>,
      %get3A_1502 = vector.shape_cast %get3A_1501 : vector<1x16xf32> to vector<16xf32>
      %add3A_1503 = arith.addf %get3A_1498, %get3A_1502 : vector<16xf32>
      %swap3A_1504 = arith.index_cast %add3A_1494 : i32 to index
      %swap3A_1505 = arith.constant 0 : index
      %swap3A_1506 = tpu.vector_load %arg10[%swap3A_1504, %swap3A_1505] {strides = array<i32>} : memref<512x64xf32, #tpu.memory_space<vmem>>, vector<1x16xf32>,
      %swap3A_1507 = vector.shape_cast %swap3A_1506 : vector<1x16xf32> to vector<16xf32>
      %swap3A_1508 = vector.shape_cast %add3A_1503 : vector<16xf32> to vector<1x16xf32>
      tpu.vector_store %arg10[%swap3A_1504, %swap3A_1505], %swap3A_1508 {strides = array<i32>} : memref<512x64xf32, #tpu.memory_space<vmem>>, vector<1x16xf32>,
      %get3A_1509 = arith.index_cast %add3A_1494 : i32 to index
      %get3A_1510 = arith.constant 16 : index
      %get3A_1511 = tpu.vector_load %arg10[%get3A_1509, %get3A_1510] {strides = array<i32>} : memref<512x64xf32, #tpu.memory_space<vmem>>, vector<1x16xf32>,
      %get3A_1512 = vector.shape_cast %get3A_1511 : vector<1x16xf32> to vector<16xf32>
      %get3A_1513 = arith.index_cast %squeeze3A_1490 : i32 to index
      %get3A_1514 = arith.constant 16 : index
      %get3A_1515 = tpu.vector_load %arg9[%get3A_1513, %get3A_1514] {strides = array<i32>} : memref<51x64xf32, #tpu.memory_space<vmem>>, vector<1x16xf32>,
      %get3A_1516 = vector.shape_cast %get3A_1515 : vector<1x16xf32> to vector<16xf32>
      %add3A_1517 = arith.addf %get3A_1512, %get3A_1516 : vector<16xf32>
      %swap3A_1518 = arith.index_cast %add3A_1494 : i32 to index
      %swap3A_1519 = arith.constant 16 : index
      %swap3A_1520 = tpu.vector_load %arg10[%swap3A_1518, %swap3A_1519] {strides = array<i32>} : memref<512x64xf32, #tpu.memory_space<vmem>>, vector<1x16xf32>,
      %swap3A_1521 = vector.shape_cast %swap3A_1520 : vector<1x16xf32> to vector<16xf32>
      %swap3A_1522 = vector.shape_cast %add3A_1517 : vector<16xf32> to vector<1x16xf32>
      tpu.vector_store %arg10[%swap3A_1518, %swap3A_1519], %swap3A_1522 {strides = array<i32>} : memref<512x64xf32, #tpu.memory_space<vmem>>, vector<1x16xf32>,
      %get3A_1523 = arith.index_cast %add3A_1494 : i32 to index
      %get3A_1524 = arith.constant 32 : index
      %get3A_1525 = tpu.vector_load %arg10[%get3A_1523, %get3A_1524] {strides = array<i32>} : memref<512x64xf32, #tpu.memory_space<vmem>>, vector<1x16xf32>,
      %get3A_1526 = vector.shape_cast %get3A_1525 : vector<1x16xf32> to vector<16xf32>
      %get3A_1527 = arith.index_cast %squeeze3A_1490 : i32 to index
      %get3A_1528 = arith.constant 32 : index
      %get3A_1529 = tpu.vector_load %arg9[%get3A_1527, %get3A_1528] {strides = array<i32>} : memref<51x64xf32, #tpu.memory_space<vmem>>, vector<1x16xf32>,
      %get3A_1530 = vector.shape_cast %get3A_1529 : vector<1x16xf32> to vector<16xf32>
      %add3A_1531 = arith.addf %get3A_1526, %get3A_1530 : vector<16xf32>
      %swap3A_1532 = arith.index_cast %add3A_1494 : i32 to index
      %swap3A_1533 = arith.constant 32 : index
      %swap3A_1534 = tpu.vector_load %arg10[%swap3A_1532, %swap3A_1533] {strides = array<i32>} : memref<512x64xf32, #tpu.memory_space<vmem>>, vector<1x16xf32>,
      %swap3A_1535 = vector.shape_cast %swap3A_1534 : vector<1x16xf32> to vector<16xf32>
      %swap3A_1536 = vector.shape_cast %add3A_1531 : vector<16xf32> to vector<1x16xf32>
      tpu.vector_store %arg10[%swap3A_1532, %swap3A_1533], %swap3A_1536 {strides = array<i32>} : memref<512x64xf32, #tpu.memory_space<vmem>>, vector<1x16xf32>,
      %get3A_1537 = arith.index_cast %add3A_1494 : i32 to index
      %get3A_1538 = arith.constant 48 : index
      %get3A_1539 = tpu.vector_load %arg10[%get3A_1537, %get3A_1538] {strides = array<i32>} : memref<512x64xf32, #tpu.memory_space<vmem>>, vector<1x16xf32>,
      %get3A_1540 = vector.shape_cast %get3A_1539 : vector<1x16xf32> to vector<16xf32>
      %get3A_1541 = arith.index_cast %squeeze3A_1490 : i32 to index
      %get3A_1542 = arith.constant 48 : index
      %get3A_1543 = tpu.vector_load %arg9[%get3A_1541, %get3A_1542] {strides = array<i32>} : memref<51x64xf32, #tpu.memory_space<vmem>>, vector<1x16xf32>,
      %get3A_1544 = vector.shape_cast %get3A_1543 : vector<1x16xf32> to vector<16xf32>
      %add3A_1545 = arith.addf %get3A_1540, %get3A_1544 : vector<16xf32>
      %swap3A_1546 = arith.index_cast %add3A_1494 : i32 to index
      %swap3A_1547 = arith.constant 48 : index
      %swap3A_1548 = tpu.vector_load %arg10[%swap3A_1546, %swap3A_1547] {strides = array<i32>} : memref<512x64xf32, #tpu.memory_space<vmem>>, vector<1x16xf32>,
      %swap3A_1549 = vector.shape_cast %swap3A_1548 : vector<1x16xf32> to vector<16xf32>
      %swap3A_1550 = vector.shape_cast %add3A_1545 : vector<16xf32> to vector<1x16xf32>
      tpu.vector_store %arg10[%swap3A_1546, %swap3A_1547], %swap3A_1550 {strides = array<i32>} : memref<512x64xf32, #tpu.memory_space<vmem>>, vector<1x16xf32>,
      %slice3A_1551 = vector.extract_strided_slice %get3A_746 {offsets = [13], sizes = [1], strides = [1]} : vector<16xi32> to vector<1xi32>
      %squeeze3A_1552 = vector.extract %slice3A_1551[0] : i32 from vector<1xi32>
      %mul3A_1553 = arith.constant 16 : i32
      %mul3A_1554 = arith.muli %add3A_710, %mul3A_1553 : i32
      %add3A_1555 = arith.constant 13 : i32
      %add3A_1556 = arith.addi %mul3A_1554, %add3A_1555 : i32
      %get3A_1557 = arith.index_cast %add3A_1556 : i32 to index
      %get3A_1558 = arith.constant 0 : index
      %get3A_1559 = tpu.vector_load %arg10[%get3A_1557, %get3A_1558] {strides = array<i32>} : memref<512x64xf32, #tpu.memory_space<vmem>>, vector<1x16xf32>,
      %get3A_1560 = vector.shape_cast %get3A_1559 : vector<1x16xf32> to vector<16xf32>
      %get3A_1561 = arith.index_cast %squeeze3A_1552 : i32 to index
      %get3A_1562 = arith.constant 0 : index
      %get3A_1563 = tpu.vector_load %arg9[%get3A_1561, %get3A_1562] {strides = array<i32>} : memref<51x64xf32, #tpu.memory_space<vmem>>, vector<1x16xf32>,
      %get3A_1564 = vector.shape_cast %get3A_1563 : vector<1x16xf32> to vector<16xf32>
      %add3A_1565 = arith.addf %get3A_1560, %get3A_1564 : vector<16xf32>
      %swap3A_1566 = arith.index_cast %add3A_1556 : i32 to index
      %swap3A_1567 = arith.constant 0 : index
      %swap3A_1568 = tpu.vector_load %arg10[%swap3A_1566, %swap3A_1567] {strides = array<i32>} : memref<512x64xf32, #tpu.memory_space<vmem>>, vector<1x16xf32>,
      %swap3A_1569 = vector.shape_cast %swap3A_1568 : vector<1x16xf32> to vector<16xf32>
      %swap3A_1570 = vector.shape_cast %add3A_1565 : vector<16xf32> to vector<1x16xf32>
      tpu.vector_store %arg10[%swap3A_1566, %swap3A_1567], %swap3A_1570 {strides = array<i32>} : memref<512x64xf32, #tpu.memory_space<vmem>>, vector<1x16xf32>,
      %get3A_1571 = arith.index_cast %add3A_1556 : i32 to index
      %get3A_1572 = arith.constant 16 : index
      %get3A_1573 = tpu.vector_load %arg10[%get3A_1571, %get3A_1572] {strides = array<i32>} : memref<512x64xf32, #tpu.memory_space<vmem>>, vector<1x16xf32>,
      %get3A_1574 = vector.shape_cast %get3A_1573 : vector<1x16xf32> to vector<16xf32>
      %get3A_1575 = arith.index_cast %squeeze3A_1552 : i32 to index
      %get3A_1576 = arith.constant 16 : index
      %get3A_1577 = tpu.vector_load %arg9[%get3A_1575, %get3A_1576] {strides = array<i32>} : memref<51x64xf32, #tpu.memory_space<vmem>>, vector<1x16xf32>,
      %get3A_1578 = vector.shape_cast %get3A_1577 : vector<1x16xf32> to vector<16xf32>
      %add3A_1579 = arith.addf %get3A_1574, %get3A_1578 : vector<16xf32>
      %swap3A_1580 = arith.index_cast %add3A_1556 : i32 to index
      %swap3A_1581 = arith.constant 16 : index
      %swap3A_1582 = tpu.vector_load %arg10[%swap3A_1580, %swap3A_1581] {strides = array<i32>} : memref<512x64xf32, #tpu.memory_space<vmem>>, vector<1x16xf32>,
      %swap3A_1583 = vector.shape_cast %swap3A_1582 : vector<1x16xf32> to vector<16xf32>
      %swap3A_1584 = vector.shape_cast %add3A_1579 : vector<16xf32> to vector<1x16xf32>
      tpu.vector_store %arg10[%swap3A_1580, %swap3A_1581], %swap3A_1584 {strides = array<i32>} : memref<512x64xf32, #tpu.memory_space<vmem>>, vector<1x16xf32>,
      %get3A_1585 = arith.index_cast %add3A_1556 : i32 to index
      %get3A_1586 = arith.constant 32 : index
      %get3A_1587 = tpu.vector_load %arg10[%get3A_1585, %get3A_1586] {strides = array<i32>} : memref<512x64xf32, #tpu.memory_space<vmem>>, vector<1x16xf32>,
      %get3A_1588 = vector.shape_cast %get3A_1587 : vector<1x16xf32> to vector<16xf32>
      %get3A_1589 = arith.index_cast %squeeze3A_1552 : i32 to index
      %get3A_1590 = arith.constant 32 : index
      %get3A_1591 = tpu.vector_load %arg9[%get3A_1589, %get3A_1590] {strides = array<i32>} : memref<51x64xf32, #tpu.memory_space<vmem>>, vector<1x16xf32>,
      %get3A_1592 = vector.shape_cast %get3A_1591 : vector<1x16xf32> to vector<16xf32>
      %add3A_1593 = arith.addf %get3A_1588, %get3A_1592 : vector<16xf32>
      %swap3A_1594 = arith.index_cast %add3A_1556 : i32 to index
      %swap3A_1595 = arith.constant 32 : index
      %swap3A_1596 = tpu.vector_load %arg10[%swap3A_1594, %swap3A_1595] {strides = array<i32>} : memref<512x64xf32, #tpu.memory_space<vmem>>, vector<1x16xf32>,
      %swap3A_1597 = vector.shape_cast %swap3A_1596 : vector<1x16xf32> to vector<16xf32>
      %swap3A_1598 = vector.shape_cast %add3A_1593 : vector<16xf32> to vector<1x16xf32>
      tpu.vector_store %arg10[%swap3A_1594, %swap3A_1595], %swap3A_1598 {strides = array<i32>} : memref<512x64xf32, #tpu.memory_space<vmem>>, vector<1x16xf32>,
      %get3A_1599 = arith.index_cast %add3A_1556 : i32 to index
      %get3A_1600 = arith.constant 48 : index
      %get3A_1601 = tpu.vector_load %arg10[%get3A_1599, %get3A_1600] {strides = array<i32>} : memref<512x64xf32, #tpu.memory_space<vmem>>, vector<1x16xf32>,
      %get3A_1602 = vector.shape_cast %get3A_1601 : vector<1x16xf32> to vector<16xf32>
      %get3A_1603 = arith.index_cast %squeeze3A_1552 : i32 to index
      %get3A_1604 = arith.constant 48 : index
      %get3A_1605 = tpu.vector_load %arg9[%get3A_1603, %get3A_1604] {strides = array<i32>} : memref<51x64xf32, #tpu.memory_space<vmem>>, vector<1x16xf32>,
      %get3A_1606 = vector.shape_cast %get3A_1605 : vector<1x16xf32> to vector<16xf32>
      %add3A_1607 = arith.addf %get3A_1602, %get3A_1606 : vector<16xf32>
      %swap3A_1608 = arith.index_cast %add3A_1556 : i32 to index
      %swap3A_1609 = arith.constant 48 : index
      %swap3A_1610 = tpu.vector_load %arg10[%swap3A_1608, %swap3A_1609] {strides = array<i32>} : memref<512x64xf32, #tpu.memory_space<vmem>>, vector<1x16xf32>,
      %swap3A_1611 = vector.shape_cast %swap3A_1610 : vector<1x16xf32> to vector<16xf32>
      %swap3A_1612 = vector.shape_cast %add3A_1607 : vector<16xf32> to vector<1x16xf32>
      tpu.vector_store %arg10[%swap3A_1608, %swap3A_1609], %swap3A_1612 {strides = array<i32>} : memref<512x64xf32, #tpu.memory_space<vmem>>, vector<1x16xf32>,
      %slice3A_1613 = vector.extract_strided_slice %get3A_746 {offsets = [14], sizes = [1], strides = [1]} : vector<16xi32> to vector<1xi32>
      %squeeze3A_1614 = vector.extract %slice3A_1613[0] : i32 from vector<1xi32>
      %mul3A_1615 = arith.constant 16 : i32
      %mul3A_1616 = arith.muli %add3A_710, %mul3A_1615 : i32
      %add3A_1617 = arith.constant 14 : i32
      %add3A_1618 = arith.addi %mul3A_1616, %add3A_1617 : i32
      %get3A_1619 = arith.index_cast %add3A_1618 : i32 to index
      %get3A_1620 = arith.constant 0 : index
      %get3A_1621 = tpu.vector_load %arg10[%get3A_1619, %get3A_1620] {strides = array<i32>} : memref<512x64xf32, #tpu.memory_space<vmem>>, vector<1x16xf32>,
      %get3A_1622 = vector.shape_cast %get3A_1621 : vector<1x16xf32> to vector<16xf32>
      %get3A_1623 = arith.index_cast %squeeze3A_1614 : i32 to index
      %get3A_1624 = arith.constant 0 : index
      %get3A_1625 = tpu.vector_load %arg9[%get3A_1623, %get3A_1624] {strides = array<i32>} : memref<51x64xf32, #tpu.memory_space<vmem>>, vector<1x16xf32>,
      %get3A_1626 = vector.shape_cast %get3A_1625 : vector<1x16xf32> to vector<16xf32>
      %add3A_1627 = arith.addf %get3A_1622, %get3A_1626 : vector<16xf32>
      %swap3A_1628 = arith.index_cast %add3A_1618 : i32 to index
      %swap3A_1629 = arith.constant 0 : index
      %swap3A_1630 = tpu.vector_load %arg10[%swap3A_1628, %swap3A_1629] {strides = array<i32>} : memref<512x64xf32, #tpu.memory_space<vmem>>, vector<1x16xf32>,
      %swap3A_1631 = vector.shape_cast %swap3A_1630 : vector<1x16xf32> to vector<16xf32>
      %swap3A_1632 = vector.shape_cast %add3A_1627 : vector<16xf32> to vector<1x16xf32>
      tpu.vector_store %arg10[%swap3A_1628, %swap3A_1629], %swap3A_1632 {strides = array<i32>} : memref<512x64xf32, #tpu.memory_space<vmem>>, vector<1x16xf32>,
      %get3A_1633 = arith.index_cast %add3A_1618 : i32 to index
      %get3A_1634 = arith.constant 16 : index
      %get3A_1635 = tpu.vector_load %arg10[%get3A_1633, %get3A_1634] {strides = array<i32>} : memref<512x64xf32, #tpu.memory_space<vmem>>, vector<1x16xf32>,
      %get3A_1636 = vector.shape_cast %get3A_1635 : vector<1x16xf32> to vector<16xf32>
      %get3A_1637 = arith.index_cast %squeeze3A_1614 : i32 to index
      %get3A_1638 = arith.constant 16 : index
      %get3A_1639 = tpu.vector_load %arg9[%get3A_1637, %get3A_1638] {strides = array<i32>} : memref<51x64xf32, #tpu.memory_space<vmem>>, vector<1x16xf32>,
      %get3A_1640 = vector.shape_cast %get3A_1639 : vector<1x16xf32> to vector<16xf32>
      %add3A_1641 = arith.addf %get3A_1636, %get3A_1640 : vector<16xf32>
      %swap3A_1642 = arith.index_cast %add3A_1618 : i32 to index
      %swap3A_1643 = arith.constant 16 : index
      %swap3A_1644 = tpu.vector_load %arg10[%swap3A_1642, %swap3A_1643] {strides = array<i32>} : memref<512x64xf32, #tpu.memory_space<vmem>>, vector<1x16xf32>,
      %swap3A_1645 = vector.shape_cast %swap3A_1644 : vector<1x16xf32> to vector<16xf32>
      %swap3A_1646 = vector.shape_cast %add3A_1641 : vector<16xf32> to vector<1x16xf32>
      tpu.vector_store %arg10[%swap3A_1642, %swap3A_1643], %swap3A_1646 {strides = array<i32>} : memref<512x64xf32, #tpu.memory_space<vmem>>, vector<1x16xf32>,
      %get3A_1647 = arith.index_cast %add3A_1618 : i32 to index
      %get3A_1648 = arith.constant 32 : index
      %get3A_1649 = tpu.vector_load %arg10[%get3A_1647, %get3A_1648] {strides = array<i32>} : memref<512x64xf32, #tpu.memory_space<vmem>>, vector<1x16xf32>,
      %get3A_1650 = vector.shape_cast %get3A_1649 : vector<1x16xf32> to vector<16xf32>
      %get3A_1651 = arith.index_cast %squeeze3A_1614 : i32 to index
      %get3A_1652 = arith.constant 32 : index
      %get3A_1653 = tpu.vector_load %arg9[%get3A_1651, %get3A_1652] {strides = array<i32>} : memref<51x64xf32, #tpu.memory_space<vmem>>, vector<1x16xf32>,
      %get3A_1654 = vector.shape_cast %get3A_1653 : vector<1x16xf32> to vector<16xf32>
      %add3A_1655 = arith.addf %get3A_1650, %get3A_1654 : vector<16xf32>
      %swap3A_1656 = arith.index_cast %add3A_1618 : i32 to index
      %swap3A_1657 = arith.constant 32 : index
      %swap3A_1658 = tpu.vector_load %arg10[%swap3A_1656, %swap3A_1657] {strides = array<i32>} : memref<512x64xf32, #tpu.memory_space<vmem>>, vector<1x16xf32>,
      %swap3A_1659 = vector.shape_cast %swap3A_1658 : vector<1x16xf32> to vector<16xf32>
      %swap3A_1660 = vector.shape_cast %add3A_1655 : vector<16xf32> to vector<1x16xf32>
      tpu.vector_store %arg10[%swap3A_1656, %swap3A_1657], %swap3A_1660 {strides = array<i32>} : memref<512x64xf32, #tpu.memory_space<vmem>>, vector<1x16xf32>,
      %get3A_1661 = arith.index_cast %add3A_1618 : i32 to index
      %get3A_1662 = arith.constant 48 : index
      %get3A_1663 = tpu.vector_load %arg10[%get3A_1661, %get3A_1662] {strides = array<i32>} : memref<512x64xf32, #tpu.memory_space<vmem>>, vector<1x16xf32>,
      %get3A_1664 = vector.shape_cast %get3A_1663 : vector<1x16xf32> to vector<16xf32>
      %get3A_1665 = arith.index_cast %squeeze3A_1614 : i32 to index
      %get3A_1666 = arith.constant 48 : index
      %get3A_1667 = tpu.vector_load %arg9[%get3A_1665, %get3A_1666] {strides = array<i32>} : memref<51x64xf32, #tpu.memory_space<vmem>>, vector<1x16xf32>,
      %get3A_1668 = vector.shape_cast %get3A_1667 : vector<1x16xf32> to vector<16xf32>
      %add3A_1669 = arith.addf %get3A_1664, %get3A_1668 : vector<16xf32>
      %swap3A_1670 = arith.index_cast %add3A_1618 : i32 to index
      %swap3A_1671 = arith.constant 48 : index
      %swap3A_1672 = tpu.vector_load %arg10[%swap3A_1670, %swap3A_1671] {strides = array<i32>} : memref<512x64xf32, #tpu.memory_space<vmem>>, vector<1x16xf32>,
      %swap3A_1673 = vector.shape_cast %swap3A_1672 : vector<1x16xf32> to vector<16xf32>
      %swap3A_1674 = vector.shape_cast %add3A_1669 : vector<16xf32> to vector<1x16xf32>
      tpu.vector_store %arg10[%swap3A_1670, %swap3A_1671], %swap3A_1674 {strides = array<i32>} : memref<512x64xf32, #tpu.memory_space<vmem>>, vector<1x16xf32>,
      %slice3A_1675 = vector.extract_strided_slice %get3A_746 {offsets = [15], sizes = [1], strides = [1]} : vector<16xi32> to vector<1xi32>
      %squeeze3A_1676 = vector.extract %slice3A_1675[0] : i32 from vector<1xi32>
      %mul3A_1677 = arith.constant 16 : i32
      %mul3A_1678 = arith.muli %add3A_710, %mul3A_1677 : i32
      %add3A_1679 = arith.constant 15 : i32
      %add3A_1680 = arith.addi %mul3A_1678, %add3A_1679 : i32
      %get3A_1681 = arith.index_cast %add3A_1680 : i32 to index
      %get3A_1682 = arith.constant 0 : index
      %get3A_1683 = tpu.vector_load %arg10[%get3A_1681, %get3A_1682] {strides = array<i32>} : memref<512x64xf32, #tpu.memory_space<vmem>>, vector<1x16xf32>,
      %get3A_1684 = vector.shape_cast %get3A_1683 : vector<1x16xf32> to vector<16xf32>
      %get3A_1685 = arith.index_cast %squeeze3A_1676 : i32 to index
      %get3A_1686 = arith.constant 0 : index
      %get3A_1687 = tpu.vector_load %arg9[%get3A_1685, %get3A_1686] {strides = array<i32>} : memref<51x64xf32, #tpu.memory_space<vmem>>, vector<1x16xf32>,
      %get3A_1688 = vector.shape_cast %get3A_1687 : vector<1x16xf32> to vector<16xf32>
      %add3A_1689 = arith.addf %get3A_1684, %get3A_1688 : vector<16xf32>
      %swap3A_1690 = arith.index_cast %add3A_1680 : i32 to index
      %swap3A_1691 = arith.constant 0 : index
      %swap3A_1692 = tpu.vector_load %arg10[%swap3A_1690, %swap3A_1691] {strides = array<i32>} : memref<512x64xf32, #tpu.memory_space<vmem>>, vector<1x16xf32>,
      %swap3A_1693 = vector.shape_cast %swap3A_1692 : vector<1x16xf32> to vector<16xf32>
      %swap3A_1694 = vector.shape_cast %add3A_1689 : vector<16xf32> to vector<1x16xf32>
      tpu.vector_store %arg10[%swap3A_1690, %swap3A_1691], %swap3A_1694 {strides = array<i32>} : memref<512x64xf32, #tpu.memory_space<vmem>>, vector<1x16xf32>,
      %get3A_1695 = arith.index_cast %add3A_1680 : i32 to index
      %get3A_1696 = arith.constant 16 : index
      %get3A_1697 = tpu.vector_load %arg10[%get3A_1695, %get3A_1696] {strides = array<i32>} : memref<512x64xf32, #tpu.memory_space<vmem>>, vector<1x16xf32>,
      %get3A_1698 = vector.shape_cast %get3A_1697 : vector<1x16xf32> to vector<16xf32>
      %get3A_1699 = arith.index_cast %squeeze3A_1676 : i32 to index
      %get3A_1700 = arith.constant 16 : index
      %get3A_1701 = tpu.vector_load %arg9[%get3A_1699, %get3A_1700] {strides = array<i32>} : memref<51x64xf32, #tpu.memory_space<vmem>>, vector<1x16xf32>,
      %get3A_1702 = vector.shape_cast %get3A_1701 : vector<1x16xf32> to vector<16xf32>
      %add3A_1703 = arith.addf %get3A_1698, %get3A_1702 : vector<16xf32>
      %swap3A_1704 = arith.index_cast %add3A_1680 : i32 to index
      %swap3A_1705 = arith.constant 16 : index
      %swap3A_1706 = tpu.vector_load %arg10[%swap3A_1704, %swap3A_1705] {strides = array<i32>} : memref<512x64xf32, #tpu.memory_space<vmem>>, vector<1x16xf32>,
      %swap3A_1707 = vector.shape_cast %swap3A_1706 : vector<1x16xf32> to vector<16xf32>
      %swap3A_1708 = vector.shape_cast %add3A_1703 : vector<16xf32> to vector<1x16xf32>
      tpu.vector_store %arg10[%swap3A_1704, %swap3A_1705], %swap3A_1708 {strides = array<i32>} : memref<512x64xf32, #tpu.memory_space<vmem>>, vector<1x16xf32>,
      %get3A_1709 = arith.index_cast %add3A_1680 : i32 to index
      %get3A_1710 = arith.constant 32 : index
      %get3A_1711 = tpu.vector_load %arg10[%get3A_1709, %get3A_1710] {strides = array<i32>} : memref<512x64xf32, #tpu.memory_space<vmem>>, vector<1x16xf32>,
      %get3A_1712 = vector.shape_cast %get3A_1711 : vector<1x16xf32> to vector<16xf32>
      %get3A_1713 = arith.index_cast %squeeze3A_1676 : i32 to index
      %get3A_1714 = arith.constant 32 : index
      %get3A_1715 = tpu.vector_load %arg9[%get3A_1713, %get3A_1714] {strides = array<i32>} : memref<51x64xf32, #tpu.memory_space<vmem>>, vector<1x16xf32>,
      %get3A_1716 = vector.shape_cast %get3A_1715 : vector<1x16xf32> to vector<16xf32>
      %add3A_1717 = arith.addf %get3A_1712, %get3A_1716 : vector<16xf32>
      %swap3A_1718 = arith.index_cast %add3A_1680 : i32 to index
      %swap3A_1719 = arith.constant 32 : index
      %swap3A_1720 = tpu.vector_load %arg10[%swap3A_1718, %swap3A_1719] {strides = array<i32>} : memref<512x64xf32, #tpu.memory_space<vmem>>, vector<1x16xf32>,
      %swap3A_1721 = vector.shape_cast %swap3A_1720 : vector<1x16xf32> to vector<16xf32>
      %swap3A_1722 = vector.shape_cast %add3A_1717 : vector<16xf32> to vector<1x16xf32>
      tpu.vector_store %arg10[%swap3A_1718, %swap3A_1719], %swap3A_1722 {strides = array<i32>} : memref<512x64xf32, #tpu.memory_space<vmem>>, vector<1x16xf32>,
      %get3A_1723 = arith.index_cast %add3A_1680 : i32 to index
      %get3A_1724 = arith.constant 48 : index
      %get3A_1725 = tpu.vector_load %arg10[%get3A_1723, %get3A_1724] {strides = array<i32>} : memref<512x64xf32, #tpu.memory_space<vmem>>, vector<1x16xf32>,
      %get3A_1726 = vector.shape_cast %get3A_1725 : vector<1x16xf32> to vector<16xf32>
      %get3A_1727 = arith.index_cast %squeeze3A_1676 : i32 to index
      %get3A_1728 = arith.constant 48 : index
      %get3A_1729 = tpu.vector_load %arg9[%get3A_1727, %get3A_1728] {strides = array<i32>} : memref<51x64xf32, #tpu.memory_space<vmem>>, vector<1x16xf32>,
      %get3A_1730 = vector.shape_cast %get3A_1729 : vector<1x16xf32> to vector<16xf32>
      %add3A_1731 = arith.addf %get3A_1726, %get3A_1730 : vector<16xf32>
      %swap3A_1732 = arith.index_cast %add3A_1680 : i32 to index
      %swap3A_1733 = arith.constant 48 : index
      %swap3A_1734 = tpu.vector_load %arg10[%swap3A_1732, %swap3A_1733] {strides = array<i32>} : memref<512x64xf32, #tpu.memory_space<vmem>>, vector<1x16xf32>,
      %swap3A_1735 = vector.shape_cast %swap3A_1734 : vector<1x16xf32> to vector<16xf32>
      %swap3A_1736 = vector.shape_cast %add3A_1731 : vector<16xf32> to vector<1x16xf32>
      tpu.vector_store %arg10[%swap3A_1732, %swap3A_1733], %swap3A_1736 {strides = array<i32>} : memref<512x64xf32, #tpu.memory_space<vmem>>, vector<1x16xf32>,
    }
    %scan3A_705 = arith.constant 32 : i32
    "tpu.region"() ({
      %run_scoped3A = tpu.sem_alloc : memref<!tpu.dma_semaphore, #tpu.memory_space<semaphore_mem>>
      %dma_start3A_706 = arith.constant 0 : i32
      %dma_start3A_707 = tpu.memref_slice %arg6[%mul3A_2, %dma_start3A_706] : memref<16384x64xf32, #tpu.memory_space<hbm>> -> memref<512x64xf32, #tpu.memory_space<hbm>>
      %dma_start3A_708 = arith.constant 0 : i32
      %dma_start3A_709 = tpu.memref_slice %arg6[%mul3A_2, %dma_start3A_708] : memref<16384x64xf32, #tpu.memory_space<hbm>> -> memref<512x64xf32, #tpu.memory_space<hbm>>
      tpu.enqueue_dma source(%arg10 : memref<512x64xf32, #tpu.memory_space<vmem>>) target(%dma_start3A_709 : memref<512x64xf32, #tpu.memory_space<hbm>>) target_semaphore(%run_scoped3A : memref<!tpu.dma_semaphore, #tpu.memory_space<semaphore_mem>>)
      %dma_wait3A_710 = arith.constant 0 : i32
      %dma_wait3A_711 = tpu.memref_slice %arg6[%mul3A_2, %dma_wait3A_710] : memref<16384x64xf32, #tpu.memory_space<hbm>> -> memref<512x64xf32, #tpu.memory_space<hbm>>
      %dma_wait3A_712 = arith.constant 0 : i32
      %dma_wait3A_713 = tpu.memref_slice %arg6[%mul3A_2, %dma_wait3A_712] : memref<16384x64xf32, #tpu.memory_space<hbm>> -> memref<512x64xf32, #tpu.memory_space<hbm>>
      tpu.wait_dma2 semaphore(%run_scoped3A : memref<!tpu.dma_semaphore, #tpu.memory_space<semaphore_mem>>) src(%arg10 : memref<512x64xf32, #tpu.memory_space<vmem>>) dst(%dma_wait3A_713 : memref<512x64xf32, #tpu.memory_space<hbm>>)
      tpu.yield
    }) : () -> ()
    return
  }
}

#map = affine_map<(d0, d1) -> (0)>
#map1 = affine_map<(d0, d1) -> (0, 0)>
module attributes {stable_mosaic.version = 14 : i64} {
  func.func @_encode_attr(%arg0: i32, %arg1: i32, %arg2: memref<32768xi32, #tpu.memory_space<hbm>>, %arg3: memref<16384x64xf32, #tpu.memory_space<hbm>>, %arg4: memref<100000x64xf32, #tpu.memory_space<hbm>>, %arg5: memref<16384x64xf32, #tpu.memory_space<hbm>>, %arg6: memref<4x128xi32, #tpu.memory_space<vmem>>, %arg7: memref<512x64xf32, #tpu.memory_space<vmem>>, %arg8: memref<512x64xf32, #tpu.memory_space<vmem>>, %arg9: memref<!tpu.dma_semaphore, #tpu.memory_space<semaphore_mem>>, %arg10: memref<!tpu.dma_semaphore, #tpu.memory_space<semaphore_mem>>) attributes {dimension_semantics = [#tpu.dimension_semantics<core_parallel>, #tpu.dimension_semantics<subcore_parallel>], iteration_bounds = array<i64: 2, 16>, scalar_prefetch = 0 : i64, scratch_operands = 5 : i64, tpu.core_type = #tpu.core_type<sc_vector_subcore>, window_params = [{transform_indices = #map}, {transform_indices = #map1}, {transform_indices = #map1}, {transform_indices = #map1}]} {
    %mul3A = arith.constant 2 : i32
    %mul3A_0 = arith.muli %arg1, %mul3A : i32
    %add3A = arith.addi %mul3A_0, %arg0 : i32
    %mul3A_1 = arith.constant 512 : i32
    %mul3A_2 = arith.muli %add3A, %mul3A_1 : i32
    %mul3A_3 = arith.constant 4 : i32
    %mul3A_4 = arith.muli %add3A, %mul3A_3 : i32
    %add3A_5 = arith.constant 0 : i32
    %add3A_6 = arith.addi %mul3A_4, %add3A_5 : i32
    %mul3A_7 = arith.constant 256 : i32
    %mul3A_8 = arith.muli %add3A_6, %mul3A_7 : i32
    %add3A_9 = arith.constant 128 : i32
    %add3A_10 = arith.addi %mul3A_8, %add3A_9 : i32
    %dma_start3A = arith.constant 0 : i32
    %dma_start3A_11 = arith.constant 0 : i32
    %dma_start3A_12 = tpu.memref_slice %arg6[%dma_start3A, %dma_start3A_11] : memref<4x128xi32, #tpu.memory_space<vmem>> -> memref<1x128xi32, #tpu.memory_space<vmem>>
    %dma_start3A_13 = tpu.memref_squeeze %dma_start3A_12 : memref<1x128xi32, #tpu.memory_space<vmem>> -> memref<128xi32, #tpu.memory_space<vmem>>
    %dma_start3A_14 = tpu.memref_slice %arg2[%add3A_10] : memref<32768xi32, #tpu.memory_space<hbm>> -> memref<128xi32, #tpu.memory_space<hbm>>
    %dma_start3A_15 = arith.constant 0 : i32
    %dma_start3A_16 = tpu.memref_slice %arg6[%dma_start3A, %dma_start3A_15] : memref<4x128xi32, #tpu.memory_space<vmem>> -> memref<1x128xi32, #tpu.memory_space<vmem>>
    %dma_start3A_17 = tpu.memref_squeeze %dma_start3A_16 : memref<1x128xi32, #tpu.memory_space<vmem>> -> memref<128xi32, #tpu.memory_space<vmem>>
    %dma_start3A_18 = tpu.memref_slice %arg2[%add3A_10] : memref<32768xi32, #tpu.memory_space<hbm>> -> memref<128xi32, #tpu.memory_space<hbm>>
    tpu.enqueue_dma source(%dma_start3A_18 : memref<128xi32, #tpu.memory_space<hbm>>) target(%dma_start3A_17 : memref<128xi32, #tpu.memory_space<vmem>>) target_semaphore(%arg9 : memref<!tpu.dma_semaphore, #tpu.memory_space<semaphore_mem>>)
    %mul3A_19 = arith.constant 4 : i32
    %mul3A_20 = arith.muli %add3A, %mul3A_19 : i32
    %add3A_21 = arith.constant 1 : i32
    %add3A_22 = arith.addi %mul3A_20, %add3A_21 : i32
    %mul3A_23 = arith.constant 256 : i32
    %mul3A_24 = arith.muli %add3A_22, %mul3A_23 : i32
    %add3A_25 = arith.constant 128 : i32
    %add3A_26 = arith.addi %mul3A_24, %add3A_25 : i32
    %dma_start3A_27 = arith.constant 1 : i32
    %dma_start3A_28 = arith.constant 0 : i32
    %dma_start3A_29 = tpu.memref_slice %arg6[%dma_start3A_27, %dma_start3A_28] : memref<4x128xi32, #tpu.memory_space<vmem>> -> memref<1x128xi32, #tpu.memory_space<vmem>>
    %dma_start3A_30 = tpu.memref_squeeze %dma_start3A_29 : memref<1x128xi32, #tpu.memory_space<vmem>> -> memref<128xi32, #tpu.memory_space<vmem>>
    %dma_start3A_31 = tpu.memref_slice %arg2[%add3A_26] : memref<32768xi32, #tpu.memory_space<hbm>> -> memref<128xi32, #tpu.memory_space<hbm>>
    %dma_start3A_32 = arith.constant 0 : i32
    %dma_start3A_33 = tpu.memref_slice %arg6[%dma_start3A_27, %dma_start3A_32] : memref<4x128xi32, #tpu.memory_space<vmem>> -> memref<1x128xi32, #tpu.memory_space<vmem>>
    %dma_start3A_34 = tpu.memref_squeeze %dma_start3A_33 : memref<1x128xi32, #tpu.memory_space<vmem>> -> memref<128xi32, #tpu.memory_space<vmem>>
    %dma_start3A_35 = tpu.memref_slice %arg2[%add3A_26] : memref<32768xi32, #tpu.memory_space<hbm>> -> memref<128xi32, #tpu.memory_space<hbm>>
    tpu.enqueue_dma source(%dma_start3A_35 : memref<128xi32, #tpu.memory_space<hbm>>) target(%dma_start3A_34 : memref<128xi32, #tpu.memory_space<vmem>>) target_semaphore(%arg9 : memref<!tpu.dma_semaphore, #tpu.memory_space<semaphore_mem>>)
    %mul3A_36 = arith.constant 4 : i32
    %mul3A_37 = arith.muli %add3A, %mul3A_36 : i32
    %add3A_38 = arith.constant 2 : i32
    %add3A_39 = arith.addi %mul3A_37, %add3A_38 : i32
    %mul3A_40 = arith.constant 256 : i32
    %mul3A_41 = arith.muli %add3A_39, %mul3A_40 : i32
    %add3A_42 = arith.constant 128 : i32
    %add3A_43 = arith.addi %mul3A_41, %add3A_42 : i32
    %dma_start3A_44 = arith.constant 2 : i32
    %dma_start3A_45 = arith.constant 0 : i32
    %dma_start3A_46 = tpu.memref_slice %arg6[%dma_start3A_44, %dma_start3A_45] : memref<4x128xi32, #tpu.memory_space<vmem>> -> memref<1x128xi32, #tpu.memory_space<vmem>>
    %dma_start3A_47 = tpu.memref_squeeze %dma_start3A_46 : memref<1x128xi32, #tpu.memory_space<vmem>> -> memref<128xi32, #tpu.memory_space<vmem>>
    %dma_start3A_48 = tpu.memref_slice %arg2[%add3A_43] : memref<32768xi32, #tpu.memory_space<hbm>> -> memref<128xi32, #tpu.memory_space<hbm>>
    %dma_start3A_49 = arith.constant 0 : i32
    %dma_start3A_50 = tpu.memref_slice %arg6[%dma_start3A_44, %dma_start3A_49] : memref<4x128xi32, #tpu.memory_space<vmem>> -> memref<1x128xi32, #tpu.memory_space<vmem>>
    %dma_start3A_51 = tpu.memref_squeeze %dma_start3A_50 : memref<1x128xi32, #tpu.memory_space<vmem>> -> memref<128xi32, #tpu.memory_space<vmem>>
    %dma_start3A_52 = tpu.memref_slice %arg2[%add3A_43] : memref<32768xi32, #tpu.memory_space<hbm>> -> memref<128xi32, #tpu.memory_space<hbm>>
    tpu.enqueue_dma source(%dma_start3A_52 : memref<128xi32, #tpu.memory_space<hbm>>) target(%dma_start3A_51 : memref<128xi32, #tpu.memory_space<vmem>>) target_semaphore(%arg9 : memref<!tpu.dma_semaphore, #tpu.memory_space<semaphore_mem>>)
    %mul3A_53 = arith.constant 4 : i32
    %mul3A_54 = arith.muli %add3A, %mul3A_53 : i32
    %add3A_55 = arith.constant 3 : i32
    %add3A_56 = arith.addi %mul3A_54, %add3A_55 : i32
    %mul3A_57 = arith.constant 256 : i32
    %mul3A_58 = arith.muli %add3A_56, %mul3A_57 : i32
    %add3A_59 = arith.constant 128 : i32
    %add3A_60 = arith.addi %mul3A_58, %add3A_59 : i32
    %dma_start3A_61 = arith.constant 3 : i32
    %dma_start3A_62 = arith.constant 0 : i32
    %dma_start3A_63 = tpu.memref_slice %arg6[%dma_start3A_61, %dma_start3A_62] : memref<4x128xi32, #tpu.memory_space<vmem>> -> memref<1x128xi32, #tpu.memory_space<vmem>>
    %dma_start3A_64 = tpu.memref_squeeze %dma_start3A_63 : memref<1x128xi32, #tpu.memory_space<vmem>> -> memref<128xi32, #tpu.memory_space<vmem>>
    %dma_start3A_65 = tpu.memref_slice %arg2[%add3A_60] : memref<32768xi32, #tpu.memory_space<hbm>> -> memref<128xi32, #tpu.memory_space<hbm>>
    %dma_start3A_66 = arith.constant 0 : i32
    %dma_start3A_67 = tpu.memref_slice %arg6[%dma_start3A_61, %dma_start3A_66] : memref<4x128xi32, #tpu.memory_space<vmem>> -> memref<1x128xi32, #tpu.memory_space<vmem>>
    %dma_start3A_68 = tpu.memref_squeeze %dma_start3A_67 : memref<1x128xi32, #tpu.memory_space<vmem>> -> memref<128xi32, #tpu.memory_space<vmem>>
    %dma_start3A_69 = tpu.memref_slice %arg2[%add3A_60] : memref<32768xi32, #tpu.memory_space<hbm>> -> memref<128xi32, #tpu.memory_space<hbm>>
    tpu.enqueue_dma source(%dma_start3A_69 : memref<128xi32, #tpu.memory_space<hbm>>) target(%dma_start3A_68 : memref<128xi32, #tpu.memory_space<vmem>>) target_semaphore(%arg9 : memref<!tpu.dma_semaphore, #tpu.memory_space<semaphore_mem>>)
    %dma_start3A_70 = arith.constant 0 : i32
    %dma_start3A_71 = tpu.memref_slice %arg3[%mul3A_2, %dma_start3A_70] : memref<16384x64xf32, #tpu.memory_space<hbm>> -> memref<512x64xf32, #tpu.memory_space<hbm>>
    %dma_start3A_72 = arith.constant 0 : i32
    %dma_start3A_73 = tpu.memref_slice %arg3[%mul3A_2, %dma_start3A_72] : memref<16384x64xf32, #tpu.memory_space<hbm>> -> memref<512x64xf32, #tpu.memory_space<hbm>>
    tpu.enqueue_dma source(%dma_start3A_73 : memref<512x64xf32, #tpu.memory_space<hbm>>) target(%arg7 : memref<512x64xf32, #tpu.memory_space<vmem>>) target_semaphore(%arg9 : memref<!tpu.dma_semaphore, #tpu.memory_space<semaphore_mem>>)
    %dma_wait3A = arith.constant 0 : i32
    %dma_wait3A_74 = arith.constant 0 : i32
    %dma_wait3A_75 = tpu.memref_slice %arg6[%dma_wait3A, %dma_wait3A_74] : memref<4x128xi32, #tpu.memory_space<vmem>> -> memref<1x128xi32, #tpu.memory_space<vmem>>
    %dma_wait3A_76 = tpu.memref_squeeze %dma_wait3A_75 : memref<1x128xi32, #tpu.memory_space<vmem>> -> memref<128xi32, #tpu.memory_space<vmem>>
    %dma_wait3A_77 = tpu.memref_slice %arg2[%add3A_10] : memref<32768xi32, #tpu.memory_space<hbm>> -> memref<128xi32, #tpu.memory_space<hbm>>
    %dma_wait3A_78 = arith.constant 0 : i32
    %dma_wait3A_79 = tpu.memref_slice %arg6[%dma_wait3A, %dma_wait3A_78] : memref<4x128xi32, #tpu.memory_space<vmem>> -> memref<1x128xi32, #tpu.memory_space<vmem>>
    %dma_wait3A_80 = tpu.memref_squeeze %dma_wait3A_79 : memref<1x128xi32, #tpu.memory_space<vmem>> -> memref<128xi32, #tpu.memory_space<vmem>>
    %dma_wait3A_81 = tpu.memref_slice %arg2[%add3A_10] : memref<32768xi32, #tpu.memory_space<hbm>> -> memref<128xi32, #tpu.memory_space<hbm>>
    tpu.wait_dma2 semaphore(%arg9 : memref<!tpu.dma_semaphore, #tpu.memory_space<semaphore_mem>>) src(%dma_wait3A_81 : memref<128xi32, #tpu.memory_space<hbm>>) dst(%dma_wait3A_80 : memref<128xi32, #tpu.memory_space<vmem>>)
    %dma_wait3A_82 = arith.constant 1 : i32
    %dma_wait3A_83 = arith.constant 0 : i32
    %dma_wait3A_84 = tpu.memref_slice %arg6[%dma_wait3A_82, %dma_wait3A_83] : memref<4x128xi32, #tpu.memory_space<vmem>> -> memref<1x128xi32, #tpu.memory_space<vmem>>
    %dma_wait3A_85 = tpu.memref_squeeze %dma_wait3A_84 : memref<1x128xi32, #tpu.memory_space<vmem>> -> memref<128xi32, #tpu.memory_space<vmem>>
    %dma_wait3A_86 = tpu.memref_slice %arg2[%add3A_26] : memref<32768xi32, #tpu.memory_space<hbm>> -> memref<128xi32, #tpu.memory_space<hbm>>
    %dma_wait3A_87 = arith.constant 0 : i32
    %dma_wait3A_88 = tpu.memref_slice %arg6[%dma_wait3A_82, %dma_wait3A_87] : memref<4x128xi32, #tpu.memory_space<vmem>> -> memref<1x128xi32, #tpu.memory_space<vmem>>
    %dma_wait3A_89 = tpu.memref_squeeze %dma_wait3A_88 : memref<1x128xi32, #tpu.memory_space<vmem>> -> memref<128xi32, #tpu.memory_space<vmem>>
    %dma_wait3A_90 = tpu.memref_slice %arg2[%add3A_26] : memref<32768xi32, #tpu.memory_space<hbm>> -> memref<128xi32, #tpu.memory_space<hbm>>
    tpu.wait_dma2 semaphore(%arg9 : memref<!tpu.dma_semaphore, #tpu.memory_space<semaphore_mem>>) src(%dma_wait3A_90 : memref<128xi32, #tpu.memory_space<hbm>>) dst(%dma_wait3A_89 : memref<128xi32, #tpu.memory_space<vmem>>)
    %dma_wait3A_91 = arith.constant 2 : i32
    %dma_wait3A_92 = arith.constant 0 : i32
    %dma_wait3A_93 = tpu.memref_slice %arg6[%dma_wait3A_91, %dma_wait3A_92] : memref<4x128xi32, #tpu.memory_space<vmem>> -> memref<1x128xi32, #tpu.memory_space<vmem>>
    %dma_wait3A_94 = tpu.memref_squeeze %dma_wait3A_93 : memref<1x128xi32, #tpu.memory_space<vmem>> -> memref<128xi32, #tpu.memory_space<vmem>>
    %dma_wait3A_95 = tpu.memref_slice %arg2[%add3A_43] : memref<32768xi32, #tpu.memory_space<hbm>> -> memref<128xi32, #tpu.memory_space<hbm>>
    %dma_wait3A_96 = arith.constant 0 : i32
    %dma_wait3A_97 = tpu.memref_slice %arg6[%dma_wait3A_91, %dma_wait3A_96] : memref<4x128xi32, #tpu.memory_space<vmem>> -> memref<1x128xi32, #tpu.memory_space<vmem>>
    %dma_wait3A_98 = tpu.memref_squeeze %dma_wait3A_97 : memref<1x128xi32, #tpu.memory_space<vmem>> -> memref<128xi32, #tpu.memory_space<vmem>>
    %dma_wait3A_99 = tpu.memref_slice %arg2[%add3A_43] : memref<32768xi32, #tpu.memory_space<hbm>> -> memref<128xi32, #tpu.memory_space<hbm>>
    tpu.wait_dma2 semaphore(%arg9 : memref<!tpu.dma_semaphore, #tpu.memory_space<semaphore_mem>>) src(%dma_wait3A_99 : memref<128xi32, #tpu.memory_space<hbm>>) dst(%dma_wait3A_98 : memref<128xi32, #tpu.memory_space<vmem>>)
    %dma_wait3A_100 = arith.constant 3 : i32
    %dma_wait3A_101 = arith.constant 0 : i32
    %dma_wait3A_102 = tpu.memref_slice %arg6[%dma_wait3A_100, %dma_wait3A_101] : memref<4x128xi32, #tpu.memory_space<vmem>> -> memref<1x128xi32, #tpu.memory_space<vmem>>
    %dma_wait3A_103 = tpu.memref_squeeze %dma_wait3A_102 : memref<1x128xi32, #tpu.memory_space<vmem>> -> memref<128xi32, #tpu.memory_space<vmem>>
    %dma_wait3A_104 = tpu.memref_slice %arg2[%add3A_60] : memref<32768xi32, #tpu.memory_space<hbm>> -> memref<128xi32, #tpu.memory_space<hbm>>
    %dma_wait3A_105 = arith.constant 0 : i32
    %dma_wait3A_106 = tpu.memref_slice %arg6[%dma_wait3A_100, %dma_wait3A_105] : memref<4x128xi32, #tpu.memory_space<vmem>> -> memref<1x128xi32, #tpu.memory_space<vmem>>
    %dma_wait3A_107 = tpu.memref_squeeze %dma_wait3A_106 : memref<1x128xi32, #tpu.memory_space<vmem>> -> memref<128xi32, #tpu.memory_space<vmem>>
    %dma_wait3A_108 = tpu.memref_slice %arg2[%add3A_60] : memref<32768xi32, #tpu.memory_space<hbm>> -> memref<128xi32, #tpu.memory_space<hbm>>
    tpu.wait_dma2 semaphore(%arg9 : memref<!tpu.dma_semaphore, #tpu.memory_space<semaphore_mem>>) src(%dma_wait3A_108 : memref<128xi32, #tpu.memory_space<hbm>>) dst(%dma_wait3A_107 : memref<128xi32, #tpu.memory_space<vmem>>)
    %dma_start3A_109 = arith.constant 0 : i32
    %dma_start3A_110 = arith.constant 0 : i32
    %dma_start3A_111 = arith.constant 0 : i32
    %dma_start3A_112 = tpu.memref_slice %arg8[%dma_start3A_110, %dma_start3A_111] : memref<512x64xf32, #tpu.memory_space<vmem>> -> memref<128x64xf32, #tpu.memory_space<vmem>>
    %dma_start3A_113 = arith.constant 0 : i32
    %dma_start3A_114 = tpu.memref_slice %arg6[%dma_start3A_109, %dma_start3A_113] : memref<4x128xi32, #tpu.memory_space<vmem>> -> memref<1x128xi32, #tpu.memory_space<vmem>>
    %dma_start3A_115 = tpu.memref_squeeze %dma_start3A_114 : memref<1x128xi32, #tpu.memory_space<vmem>> -> memref<128xi32, #tpu.memory_space<vmem>>
    %dma_start3A_116 = arith.constant 0 : i32
    %dma_start3A_117 = arith.constant 0 : i32
    %dma_start3A_118 = tpu.memref_slice %arg4[%dma_start3A_116, %dma_start3A_117] : memref<100000x64xf32, #tpu.memory_space<hbm>> -> memref<100000x64xf32, #tpu.memory_space<hbm>>
    tpu.enqueue_indirect_dma source(%dma_start3A_118 : memref<100000x64xf32, #tpu.memory_space<hbm>>) target(%dma_start3A_112 : memref<128x64xf32, #tpu.memory_space<vmem>>) offsets(%dma_start3A_115 : memref<128xi32, #tpu.memory_space<vmem>>) semaphore(%arg10 : memref<!tpu.dma_semaphore, #tpu.memory_space<semaphore_mem>>)
    %dma_start3A_119 = arith.constant 1 : i32
    %dma_start3A_120 = arith.constant 128 : i32
    %dma_start3A_121 = arith.constant 0 : i32
    %dma_start3A_122 = tpu.memref_slice %arg8[%dma_start3A_120, %dma_start3A_121] : memref<512x64xf32, #tpu.memory_space<vmem>> -> memref<128x64xf32, #tpu.memory_space<vmem>>
    %dma_start3A_123 = arith.constant 0 : i32
    %dma_start3A_124 = tpu.memref_slice %arg6[%dma_start3A_119, %dma_start3A_123] : memref<4x128xi32, #tpu.memory_space<vmem>> -> memref<1x128xi32, #tpu.memory_space<vmem>>
    %dma_start3A_125 = tpu.memref_squeeze %dma_start3A_124 : memref<1x128xi32, #tpu.memory_space<vmem>> -> memref<128xi32, #tpu.memory_space<vmem>>
    %dma_start3A_126 = arith.constant 0 : i32
    %dma_start3A_127 = arith.constant 0 : i32
    %dma_start3A_128 = tpu.memref_slice %arg4[%dma_start3A_126, %dma_start3A_127] : memref<100000x64xf32, #tpu.memory_space<hbm>> -> memref<100000x64xf32, #tpu.memory_space<hbm>>
    tpu.enqueue_indirect_dma source(%dma_start3A_128 : memref<100000x64xf32, #tpu.memory_space<hbm>>) target(%dma_start3A_122 : memref<128x64xf32, #tpu.memory_space<vmem>>) offsets(%dma_start3A_125 : memref<128xi32, #tpu.memory_space<vmem>>) semaphore(%arg10 : memref<!tpu.dma_semaphore, #tpu.memory_space<semaphore_mem>>)
    %dma_start3A_129 = arith.constant 2 : i32
    %dma_start3A_130 = arith.constant 256 : i32
    %dma_start3A_131 = arith.constant 0 : i32
    %dma_start3A_132 = tpu.memref_slice %arg8[%dma_start3A_130, %dma_start3A_131] : memref<512x64xf32, #tpu.memory_space<vmem>> -> memref<128x64xf32, #tpu.memory_space<vmem>>
    %dma_start3A_133 = arith.constant 0 : i32
    %dma_start3A_134 = tpu.memref_slice %arg6[%dma_start3A_129, %dma_start3A_133] : memref<4x128xi32, #tpu.memory_space<vmem>> -> memref<1x128xi32, #tpu.memory_space<vmem>>
    %dma_start3A_135 = tpu.memref_squeeze %dma_start3A_134 : memref<1x128xi32, #tpu.memory_space<vmem>> -> memref<128xi32, #tpu.memory_space<vmem>>
    %dma_start3A_136 = arith.constant 0 : i32
    %dma_start3A_137 = arith.constant 0 : i32
    %dma_start3A_138 = tpu.memref_slice %arg4[%dma_start3A_136, %dma_start3A_137] : memref<100000x64xf32, #tpu.memory_space<hbm>> -> memref<100000x64xf32, #tpu.memory_space<hbm>>
    tpu.enqueue_indirect_dma source(%dma_start3A_138 : memref<100000x64xf32, #tpu.memory_space<hbm>>) target(%dma_start3A_132 : memref<128x64xf32, #tpu.memory_space<vmem>>) offsets(%dma_start3A_135 : memref<128xi32, #tpu.memory_space<vmem>>) semaphore(%arg10 : memref<!tpu.dma_semaphore, #tpu.memory_space<semaphore_mem>>)
    %dma_start3A_139 = arith.constant 3 : i32
    %dma_start3A_140 = arith.constant 384 : i32
    %dma_start3A_141 = arith.constant 0 : i32
    %dma_start3A_142 = tpu.memref_slice %arg8[%dma_start3A_140, %dma_start3A_141] : memref<512x64xf32, #tpu.memory_space<vmem>> -> memref<128x64xf32, #tpu.memory_space<vmem>>
    %dma_start3A_143 = arith.constant 0 : i32
    %dma_start3A_144 = tpu.memref_slice %arg6[%dma_start3A_139, %dma_start3A_143] : memref<4x128xi32, #tpu.memory_space<vmem>> -> memref<1x128xi32, #tpu.memory_space<vmem>>
    %dma_start3A_145 = tpu.memref_squeeze %dma_start3A_144 : memref<1x128xi32, #tpu.memory_space<vmem>> -> memref<128xi32, #tpu.memory_space<vmem>>
    %dma_start3A_146 = arith.constant 0 : i32
    %dma_start3A_147 = arith.constant 0 : i32
    %dma_start3A_148 = tpu.memref_slice %arg4[%dma_start3A_146, %dma_start3A_147] : memref<100000x64xf32, #tpu.memory_space<hbm>> -> memref<100000x64xf32, #tpu.memory_space<hbm>>
    tpu.enqueue_indirect_dma source(%dma_start3A_148 : memref<100000x64xf32, #tpu.memory_space<hbm>>) target(%dma_start3A_142 : memref<128x64xf32, #tpu.memory_space<vmem>>) offsets(%dma_start3A_145 : memref<128xi32, #tpu.memory_space<vmem>>) semaphore(%arg10 : memref<!tpu.dma_semaphore, #tpu.memory_space<semaphore_mem>>)
    %dma_wait3A_149 = arith.constant 0 : i32
    %dma_wait3A_150 = tpu.memref_slice %arg3[%mul3A_2, %dma_wait3A_149] : memref<16384x64xf32, #tpu.memory_space<hbm>> -> memref<512x64xf32, #tpu.memory_space<hbm>>
    %dma_wait3A_151 = arith.constant 0 : i32
    %dma_wait3A_152 = tpu.memref_slice %arg3[%mul3A_2, %dma_wait3A_151] : memref<16384x64xf32, #tpu.memory_space<hbm>> -> memref<512x64xf32, #tpu.memory_space<hbm>>
    tpu.wait_dma2 semaphore(%arg9 : memref<!tpu.dma_semaphore, #tpu.memory_space<semaphore_mem>>) src(%dma_wait3A_152 : memref<512x64xf32, #tpu.memory_space<hbm>>) dst(%arg7 : memref<512x64xf32, #tpu.memory_space<vmem>>)
    %dma_wait3A_153 = arith.constant 0 : i32
    %dma_wait3A_154 = arith.constant 0 : i32
    %dma_wait3A_155 = arith.constant 0 : i32
    %dma_wait3A_156 = tpu.memref_slice %arg8[%dma_wait3A_154, %dma_wait3A_155] : memref<512x64xf32, #tpu.memory_space<vmem>> -> memref<128x64xf32, #tpu.memory_space<vmem>>
    %dma_wait3A_157 = arith.constant 0 : i32
    %dma_wait3A_158 = tpu.memref_slice %arg6[%dma_wait3A_153, %dma_wait3A_157] : memref<4x128xi32, #tpu.memory_space<vmem>> -> memref<1x128xi32, #tpu.memory_space<vmem>>
    %dma_wait3A_159 = tpu.memref_squeeze %dma_wait3A_158 : memref<1x128xi32, #tpu.memory_space<vmem>> -> memref<128xi32, #tpu.memory_space<vmem>>
    %dma_wait3A_160 = arith.constant 0 : i32
    %dma_wait3A_161 = arith.constant 0 : i32
    %dma_wait3A_162 = tpu.memref_slice %arg4[%dma_wait3A_160, %dma_wait3A_161] : memref<100000x64xf32, #tpu.memory_space<hbm>> -> memref<100000x64xf32, #tpu.memory_space<hbm>>
    tpu.wait_indirect_dma semaphore(%arg10 : memref<!tpu.dma_semaphore, #tpu.memory_space<semaphore_mem>>) src(%dma_wait3A_162 : memref<100000x64xf32, #tpu.memory_space<hbm>>) dst(%dma_wait3A_156 : memref<128x64xf32, #tpu.memory_space<vmem>>)
    %dma_wait3A_163 = arith.constant 1 : i32
    %dma_wait3A_164 = arith.constant 128 : i32
    %dma_wait3A_165 = arith.constant 0 : i32
    %dma_wait3A_166 = tpu.memref_slice %arg8[%dma_wait3A_164, %dma_wait3A_165] : memref<512x64xf32, #tpu.memory_space<vmem>> -> memref<128x64xf32, #tpu.memory_space<vmem>>
    %dma_wait3A_167 = arith.constant 0 : i32
    %dma_wait3A_168 = tpu.memref_slice %arg6[%dma_wait3A_163, %dma_wait3A_167] : memref<4x128xi32, #tpu.memory_space<vmem>> -> memref<1x128xi32, #tpu.memory_space<vmem>>
    %dma_wait3A_169 = tpu.memref_squeeze %dma_wait3A_168 : memref<1x128xi32, #tpu.memory_space<vmem>> -> memref<128xi32, #tpu.memory_space<vmem>>
    %dma_wait3A_170 = arith.constant 0 : i32
    %dma_wait3A_171 = arith.constant 0 : i32
    %dma_wait3A_172 = tpu.memref_slice %arg4[%dma_wait3A_170, %dma_wait3A_171] : memref<100000x64xf32, #tpu.memory_space<hbm>> -> memref<100000x64xf32, #tpu.memory_space<hbm>>
    tpu.wait_indirect_dma semaphore(%arg10 : memref<!tpu.dma_semaphore, #tpu.memory_space<semaphore_mem>>) src(%dma_wait3A_172 : memref<100000x64xf32, #tpu.memory_space<hbm>>) dst(%dma_wait3A_166 : memref<128x64xf32, #tpu.memory_space<vmem>>)
    %dma_wait3A_173 = arith.constant 2 : i32
    %dma_wait3A_174 = arith.constant 256 : i32
    %dma_wait3A_175 = arith.constant 0 : i32
    %dma_wait3A_176 = tpu.memref_slice %arg8[%dma_wait3A_174, %dma_wait3A_175] : memref<512x64xf32, #tpu.memory_space<vmem>> -> memref<128x64xf32, #tpu.memory_space<vmem>>
    %dma_wait3A_177 = arith.constant 0 : i32
    %dma_wait3A_178 = tpu.memref_slice %arg6[%dma_wait3A_173, %dma_wait3A_177] : memref<4x128xi32, #tpu.memory_space<vmem>> -> memref<1x128xi32, #tpu.memory_space<vmem>>
    %dma_wait3A_179 = tpu.memref_squeeze %dma_wait3A_178 : memref<1x128xi32, #tpu.memory_space<vmem>> -> memref<128xi32, #tpu.memory_space<vmem>>
    %dma_wait3A_180 = arith.constant 0 : i32
    %dma_wait3A_181 = arith.constant 0 : i32
    %dma_wait3A_182 = tpu.memref_slice %arg4[%dma_wait3A_180, %dma_wait3A_181] : memref<100000x64xf32, #tpu.memory_space<hbm>> -> memref<100000x64xf32, #tpu.memory_space<hbm>>
    tpu.wait_indirect_dma semaphore(%arg10 : memref<!tpu.dma_semaphore, #tpu.memory_space<semaphore_mem>>) src(%dma_wait3A_182 : memref<100000x64xf32, #tpu.memory_space<hbm>>) dst(%dma_wait3A_176 : memref<128x64xf32, #tpu.memory_space<vmem>>)
    %dma_wait3A_183 = arith.constant 3 : i32
    %dma_wait3A_184 = arith.constant 384 : i32
    %dma_wait3A_185 = arith.constant 0 : i32
    %dma_wait3A_186 = tpu.memref_slice %arg8[%dma_wait3A_184, %dma_wait3A_185] : memref<512x64xf32, #tpu.memory_space<vmem>> -> memref<128x64xf32, #tpu.memory_space<vmem>>
    %dma_wait3A_187 = arith.constant 0 : i32
    %dma_wait3A_188 = tpu.memref_slice %arg6[%dma_wait3A_183, %dma_wait3A_187] : memref<4x128xi32, #tpu.memory_space<vmem>> -> memref<1x128xi32, #tpu.memory_space<vmem>>
    %dma_wait3A_189 = tpu.memref_squeeze %dma_wait3A_188 : memref<1x128xi32, #tpu.memory_space<vmem>> -> memref<128xi32, #tpu.memory_space<vmem>>
    %dma_wait3A_190 = arith.constant 0 : i32
    %dma_wait3A_191 = arith.constant 0 : i32
    %dma_wait3A_192 = tpu.memref_slice %arg4[%dma_wait3A_190, %dma_wait3A_191] : memref<100000x64xf32, #tpu.memory_space<hbm>> -> memref<100000x64xf32, #tpu.memory_space<hbm>>
    tpu.wait_indirect_dma semaphore(%arg10 : memref<!tpu.dma_semaphore, #tpu.memory_space<semaphore_mem>>) src(%dma_wait3A_192 : memref<100000x64xf32, #tpu.memory_space<hbm>>) dst(%dma_wait3A_186 : memref<128x64xf32, #tpu.memory_space<vmem>>)
    %scan3A = arith.constant 0 : i32
    %scan3A_193 = arith.constant 512 : i32
    %scan3A_194 = arith.addi %scan3A, %scan3A_193 : i32
    %scan3A_195 = arith.constant 1 : i32
    scf.for %scan3A_197 = %scan3A to %scan3A_194 step %scan3A_195  : i32 {
      %mul3A_198 = arith.constant 1 : i32
      %mul3A_199 = arith.muli %scan3A_197, %mul3A_198 : i32
      %add3A_200 = arith.constant 0 : i32
      %add3A_201 = arith.addi %add3A_200, %mul3A_199 : i32
      %get3A = arith.index_cast %add3A_201 : i32 to index
      %get3A_202 = arith.constant 0 : index
      %get3A_203 = tpu.vector_load %arg7[%get3A, %get3A_202] {strides = array<i32>} : memref<512x64xf32, #tpu.memory_space<vmem>>, vector<1x16xf32>,
      %get3A_204 = vector.shape_cast %get3A_203 : vector<1x16xf32> to vector<16xf32>
      %get3A_205 = arith.index_cast %add3A_201 : i32 to index
      %get3A_206 = arith.constant 0 : index
      %get3A_207 = tpu.vector_load %arg8[%get3A_205, %get3A_206] {strides = array<i32>} : memref<512x64xf32, #tpu.memory_space<vmem>>, vector<1x16xf32>,
      %get3A_208 = vector.shape_cast %get3A_207 : vector<1x16xf32> to vector<16xf32>
      %add3A_209 = arith.addf %get3A_204, %get3A_208 : vector<16xf32>
      %swap3A = arith.index_cast %add3A_201 : i32 to index
      %swap3A_210 = arith.constant 0 : index
      %swap3A_211 = tpu.vector_load %arg7[%swap3A, %swap3A_210] {strides = array<i32>} : memref<512x64xf32, #tpu.memory_space<vmem>>, vector<1x16xf32>,
      %swap3A_212 = vector.shape_cast %swap3A_211 : vector<1x16xf32> to vector<16xf32>
      %swap3A_213 = vector.shape_cast %add3A_209 : vector<16xf32> to vector<1x16xf32>
      tpu.vector_store %arg7[%swap3A, %swap3A_210], %swap3A_213 {strides = array<i32>} : memref<512x64xf32, #tpu.memory_space<vmem>>, vector<1x16xf32>,
      %get3A_214 = arith.index_cast %add3A_201 : i32 to index
      %get3A_215 = arith.constant 16 : index
      %get3A_216 = tpu.vector_load %arg7[%get3A_214, %get3A_215] {strides = array<i32>} : memref<512x64xf32, #tpu.memory_space<vmem>>, vector<1x16xf32>,
      %get3A_217 = vector.shape_cast %get3A_216 : vector<1x16xf32> to vector<16xf32>
      %get3A_218 = arith.index_cast %add3A_201 : i32 to index
      %get3A_219 = arith.constant 16 : index
      %get3A_220 = tpu.vector_load %arg8[%get3A_218, %get3A_219] {strides = array<i32>} : memref<512x64xf32, #tpu.memory_space<vmem>>, vector<1x16xf32>,
      %get3A_221 = vector.shape_cast %get3A_220 : vector<1x16xf32> to vector<16xf32>
      %add3A_222 = arith.addf %get3A_217, %get3A_221 : vector<16xf32>
      %swap3A_223 = arith.index_cast %add3A_201 : i32 to index
      %swap3A_224 = arith.constant 16 : index
      %swap3A_225 = tpu.vector_load %arg7[%swap3A_223, %swap3A_224] {strides = array<i32>} : memref<512x64xf32, #tpu.memory_space<vmem>>, vector<1x16xf32>,
      %swap3A_226 = vector.shape_cast %swap3A_225 : vector<1x16xf32> to vector<16xf32>
      %swap3A_227 = vector.shape_cast %add3A_222 : vector<16xf32> to vector<1x16xf32>
      tpu.vector_store %arg7[%swap3A_223, %swap3A_224], %swap3A_227 {strides = array<i32>} : memref<512x64xf32, #tpu.memory_space<vmem>>, vector<1x16xf32>,
      %get3A_228 = arith.index_cast %add3A_201 : i32 to index
      %get3A_229 = arith.constant 32 : index
      %get3A_230 = tpu.vector_load %arg7[%get3A_228, %get3A_229] {strides = array<i32>} : memref<512x64xf32, #tpu.memory_space<vmem>>, vector<1x16xf32>,
      %get3A_231 = vector.shape_cast %get3A_230 : vector<1x16xf32> to vector<16xf32>
      %get3A_232 = arith.index_cast %add3A_201 : i32 to index
      %get3A_233 = arith.constant 32 : index
      %get3A_234 = tpu.vector_load %arg8[%get3A_232, %get3A_233] {strides = array<i32>} : memref<512x64xf32, #tpu.memory_space<vmem>>, vector<1x16xf32>,
      %get3A_235 = vector.shape_cast %get3A_234 : vector<1x16xf32> to vector<16xf32>
      %add3A_236 = arith.addf %get3A_231, %get3A_235 : vector<16xf32>
      %swap3A_237 = arith.index_cast %add3A_201 : i32 to index
      %swap3A_238 = arith.constant 32 : index
      %swap3A_239 = tpu.vector_load %arg7[%swap3A_237, %swap3A_238] {strides = array<i32>} : memref<512x64xf32, #tpu.memory_space<vmem>>, vector<1x16xf32>,
      %swap3A_240 = vector.shape_cast %swap3A_239 : vector<1x16xf32> to vector<16xf32>
      %swap3A_241 = vector.shape_cast %add3A_236 : vector<16xf32> to vector<1x16xf32>
      tpu.vector_store %arg7[%swap3A_237, %swap3A_238], %swap3A_241 {strides = array<i32>} : memref<512x64xf32, #tpu.memory_space<vmem>>, vector<1x16xf32>,
      %get3A_242 = arith.index_cast %add3A_201 : i32 to index
      %get3A_243 = arith.constant 48 : index
      %get3A_244 = tpu.vector_load %arg7[%get3A_242, %get3A_243] {strides = array<i32>} : memref<512x64xf32, #tpu.memory_space<vmem>>, vector<1x16xf32>,
      %get3A_245 = vector.shape_cast %get3A_244 : vector<1x16xf32> to vector<16xf32>
      %get3A_246 = arith.index_cast %add3A_201 : i32 to index
      %get3A_247 = arith.constant 48 : index
      %get3A_248 = tpu.vector_load %arg8[%get3A_246, %get3A_247] {strides = array<i32>} : memref<512x64xf32, #tpu.memory_space<vmem>>, vector<1x16xf32>,
      %get3A_249 = vector.shape_cast %get3A_248 : vector<1x16xf32> to vector<16xf32>
      %add3A_250 = arith.addf %get3A_245, %get3A_249 : vector<16xf32>
      %swap3A_251 = arith.index_cast %add3A_201 : i32 to index
      %swap3A_252 = arith.constant 48 : index
      %swap3A_253 = tpu.vector_load %arg7[%swap3A_251, %swap3A_252] {strides = array<i32>} : memref<512x64xf32, #tpu.memory_space<vmem>>, vector<1x16xf32>,
      %swap3A_254 = vector.shape_cast %swap3A_253 : vector<1x16xf32> to vector<16xf32>
      %swap3A_255 = vector.shape_cast %add3A_250 : vector<16xf32> to vector<1x16xf32>
      tpu.vector_store %arg7[%swap3A_251, %swap3A_252], %swap3A_255 {strides = array<i32>} : memref<512x64xf32, #tpu.memory_space<vmem>>, vector<1x16xf32>,
    }
    %scan3A_196 = arith.constant 512 : i32
    "tpu.region"() ({
      %run_scoped3A = tpu.sem_alloc : memref<!tpu.dma_semaphore, #tpu.memory_space<semaphore_mem>>
      %dma_start3A_197 = arith.constant 0 : i32
      %dma_start3A_198 = tpu.memref_slice %arg5[%mul3A_2, %dma_start3A_197] : memref<16384x64xf32, #tpu.memory_space<hbm>> -> memref<512x64xf32, #tpu.memory_space<hbm>>
      %dma_start3A_199 = arith.constant 0 : i32
      %dma_start3A_200 = tpu.memref_slice %arg5[%mul3A_2, %dma_start3A_199] : memref<16384x64xf32, #tpu.memory_space<hbm>> -> memref<512x64xf32, #tpu.memory_space<hbm>>
      tpu.enqueue_dma source(%arg7 : memref<512x64xf32, #tpu.memory_space<vmem>>) target(%dma_start3A_200 : memref<512x64xf32, #tpu.memory_space<hbm>>) target_semaphore(%run_scoped3A : memref<!tpu.dma_semaphore, #tpu.memory_space<semaphore_mem>>)
      %dma_wait3A_201 = arith.constant 0 : i32
      %dma_wait3A_202 = tpu.memref_slice %arg5[%mul3A_2, %dma_wait3A_201] : memref<16384x64xf32, #tpu.memory_space<hbm>> -> memref<512x64xf32, #tpu.memory_space<hbm>>
      %dma_wait3A_203 = arith.constant 0 : i32
      %dma_wait3A_204 = tpu.memref_slice %arg5[%mul3A_2, %dma_wait3A_203] : memref<16384x64xf32, #tpu.memory_space<hbm>> -> memref<512x64xf32, #tpu.memory_space<hbm>>
      tpu.wait_dma2 semaphore(%run_scoped3A : memref<!tpu.dma_semaphore, #tpu.memory_space<semaphore_mem>>) src(%arg7 : memref<512x64xf32, #tpu.memory_space<vmem>>) dst(%dma_wait3A_204 : memref<512x64xf32, #tpu.memory_space<hbm>>)
      tpu.yield
    }) : () -> ()
    return
  }
}

</mosaic_0001>

<sc_bundles>
// kernel: kernel.4.cloned.1.call-start
scs
__scs_entry_jumppad:
0x0: {  	(pc) =	sbr.rel $0x88, $3  }
0x1: {  	(tag) =	ssettag $0x0;
	lr =	simm.s32 $0x1  }
0x2: {  	[smem:$0x3F9C] =	sst lr;
	_ =	strace $0xD0000000  }
0x3: {  	_ = 	snop  }
0x4: {  	_ = 	snop  }
0x5: {  	_ = 	snop  }
0x6: {  	_ = 	snop  }
0x7: {  	_ = 	snop  }
__scs_overlays_trampoline_lowered:
0x8: {  	[smem:$0x3FAB] =	sst s0  }
0x9: {  	[smem:$0x3FAC] =	sst s1  }
0xa: {  	[smem:$0x3FAD] =	sst s2  }
0xb: {  	[smem:$0x3FAE] =	sst s3  }
0xc: {  	[smem:$0x3FAF] =	sst s4  }
0xd: {  	[smem:$0x3FB0] =	sst s5  }
0xe: {  	[smem:$0x3FB1] =	sst s6  }
0xf: {  	[smem:$0x3FB2] =	sst s7  }
0x10: {  	[smem:$0x3FB3] =	sst s8  }
0x11: {  	[smem:$0x3FB4] =	sst s9;
	s0 =	simm.s32 @!p0 $0x0  }
0x12: {  	s1 =	sld [smem:$0x3F9A];
	s0 =	simm.s32 @p0 $0x1  }
0x13: {  	[smem:$0x3FB5] =	sst s0;
	s0 =	simm.s32 @!p1 $0x0  }
0x14: {  	s2 =	sld [smem:$0x3F99];
	s0 =	simm.s32 @p1 $0x1  }
0x15: {  	[smem:$0x3FB6] =	sst s0;
	s0 =	simm.s32 @!p2 $0x0  }
0x16: {  	s3 =	sld [smem:$0x3FDB];
	s0 =	simm.s32 @p2 $0x1  }
0x17: {  	s4 =	simm.s32 $0x1BF5;
	[smem:$0x3FB8] =	sst s0  }
0x18: {  	s0 =	sld [smem:$0x3F9B];
	_ =	swait.ge [sflag:s4], $0x0  }
0x19: {  	s7 =	sld [smem:$0x3F9C]  }
0x1a: {  	s8 =	sadd.s32 $0xFFFFE003, lr  }
0x1b: {  	s9 =	sadd.s32 $0xFFFFFEF7, lr;
	s5 =	simm.s32 $0xFFFFFFFF;
	p2 =	slt.u32 s8, $0xFFFFF086  }
0x1c: {  	p1 =	slt.u32 s9, $0xF7A;
	s5 =	simm.s32 @!p2 $0x0  }
0x1d: {  	s5 =	simm.s32 @p1 $0x1;
	p0 =	seq.s32 s7, s2  }
0x1e: {  	s7 =	smul.u32 @!p0 $0xF7A, s2;
	p2 =	seq.s32 @!p0 s5, $0x0  }
0x1f: {  	s9 =	smul.u32 $0xF7A, s1;
	s8 =	simm.s32 @!p0 $0x1BF5;
	p2 =	por !p2, p0  }
0x20: {  	[sflag:s8] =	ssyncset.s32 @!p0 $0xFFFFF086;
	s6 =	sadd.s32 @!p0 s3, s7;
	s7 =	simm.s32 @!p0 $0x108  }
0x21: {  	s3 =	sadd.s32 s3, s9;
	s6 =	sadd.s32 @!p0 $0x88, s6;
	s7 =	simm.s32 @p2 $0x1082  }
0x22: {  	[simem:s7], [sflag:s8] =	dma.local @!p0 [hbm:s6], $0xF7A  }
0x23: {  	s9 =	sor.u32 $0xD0000000, s2;
	s6 =	simm.s32 $0x108;
	_ =	swait.ge @!p0 [sflag:s8], $0x0  }
0x24: {  	s3 =	sadd.s32 $0x88, s3;
	s6 =	simm.s32 @!p1 $0x1082;
	[sflag:s4] =	ssyncset.s32 $0xFFFFF086  }
0x25: {  	[simem:s6], [sflag:s4] =	dma.local [hbm:s3], $0xF7A  }
0x26: {  	[smem:$0x3F9C] =	sst s1;
	(tag) =	ssettag s2;
	_ =	strace s9  }
0x27: {  	s1 =	sld [smem:$0x3FAC]  }
0x28: {  	s2 =	sld [smem:$0x3FAD]  }
0x29: {  	s4 =	sld [smem:$0x3FAF]  }
0x2a: {  	p0 =	seq.s32 s5, $0x0;
	s5 =	sld [smem:$0x3FB0]  }
0x2b: {  	s6 =	sld [smem:$0x3FB1]  }
0x2c: {  	s7 =	sld [smem:$0x3FB2]  }
0x2d: {  	s3 =	simm.s32 $0x108;
	s8 =	sld [smem:$0x3FB3]  }
0x2e: {  	s3 =	simm.s32 @!p0 $0x1082;
	s9 =	sld [smem:$0x3FB4]  }
0x2f: {  	lr =	sadd.s32 s0, s3;
	s0 =	sld [smem:$0x3FAB]  }
0x30: {  	s3 =	sld [smem:$0x3FAE]  }
0x31: {  	[smem:$0x3FB7] =	sst s10  }
0x32: {  	s10 =	sld [smem:$0x3FB5];
	_ =	sdelay $0x3  }
0x33: {  	p0 =	seq.s32 s10, $0x1;
	s10 =	sld [smem:$0x3FB7];
	_ =	sdelay $0x3  }
0x34: {  	[smem:$0x3FB7] =	sst s10  }
0x35: {  	s10 =	sld [smem:$0x3FB6];
	_ =	sdelay $0x3  }
0x36: {  	p1 =	seq.s32 s10, $0x1;
	s10 =	sld [smem:$0x3FB7];
	_ =	sdelay $0x3  }
0x37: {  	[smem:$0x3FB7] =	sst s10  }
0x38: {  	s10 =	sld [smem:$0x3FB8]  }
0x39: {  	_ = 	snop;
	(pc) =	sbr.ind lr, $3  }
0x3a: {  	_ = 	snop  }
0x3b: {  	_ = 	snop  }
0x3c: {  	p2 =	seq.s32 s10, $0x1;
	s10 =	sld [smem:$0x3FB7]  }
0x3d: {  	_ =	shalt  }
0x3e: {  	_ =	shalt  }
0x3f: {  	_ =	shalt  }
0x40: {  	_ =	shalt  }
0x41: {  	_ =	shalt  }
0x42: {  	_ =	shalt  }
0x43: {  	_ =	shalt  }
0x44: {  	_ =	shalt  }
0x45: {  	_ =	shalt  }
0x46: {  	_ =	shalt  }
0x47: {  	_ =	shalt  }
0x48: {  	_ =	shalt  }
0x49: {  	_ =	shalt  }
0x4a: {  	_ =	shalt  }
0x4b: {  	_ =	shalt  }
0x4c: {  	_ =	shalt  }
0x4d: {  	_ =	shalt  }
0x4e: {  	_ =	shalt  }
0x4f: {  	_ =	shalt  }
0x50: {  	_ =	shalt  }
0x51: {  	_ =	shalt  }
0x52: {  	_ =	shalt  }
0x53: {  	_ =	shalt  }
0x54: {  	_ =	shalt  }
0x55: {  	_ =	shalt  }
0x56: {  	_ =	shalt  }
0x57: {  	_ =	shalt  }
0x58: {  	_ =	shalt  }
0x59: {  	_ =	shalt  }
0x5a: {  	_ =	shalt  }
0x5b: {  	_ =	shalt  }
0x5c: {  	_ =	shalt  }
0x5d: {  	_ =	shalt  }
0x5e: {  	_ =	shalt  }
0x5f: {  	_ =	shalt  }
0x60: {  	_ =	shalt  }
0x61: {  	_ =	shalt  }
0x62: {  	_ =	shalt  }
0x63: {  	_ =	shalt  }
0x64: {  	_ =	shalt  }
0x65: {  	_ =	shalt  }
0x66: {  	_ =	shalt  }
0x67: {  	_ =	shalt  }
0x68: {  	_ =	shalt  }
0x69: {  	_ =	shalt  }
0x6a: {  	_ =	shalt  }
0x6b: {  	_ =	shalt  }
0x6c: {  	_ =	shalt  }
0x6d: {  	_ =	shalt  }
0x6e: {  	_ =	shalt  }
0x6f: {  	_ =	shalt  }
0x70: {  	_ =	shalt  }
0x71: {  	_ =	shalt  }
0x72: {  	_ =	shalt  }
0x73: {  	_ =	shalt  }
0x74: {  	_ =	shalt  }
0x75: {  	_ =	shalt  }
0x76: {  	_ =	shalt  }
0x77: {  	_ =	shalt  }
0x78: {  	_ =	shalt  }
0x79: {  	_ =	shalt  }
0x7a: {  	_ =	shalt  }
0x7b: {  	_ =	shalt  }
0x7c: {  	_ =	shalt  }
0x7d: {  	_ =	shalt  }
0x7e: {  	_ =	shalt  }
0x7f: {  	_ =	shalt  }
0x80: {  	_ =	shalt  }
0x81: {  	_ =	shalt  }
0x82: {  	_ =	shalt  }
0x83: {  	_ =	shalt  }
0x84: {  	_ =	shalt  }
0x85: {  	_ =	shalt  }
0x86: {  	_ =	shalt  }
0x87: {  	_ =	shalt  }
.Lfunc_end0:
.L_simem_size_0:
called_computation_lowered:
.L_overlay_start_0:
0x88: {  	s2 =	sld [smem:$0x3FD9]  }
0x89: {  	s3 =	sld [smem:$0x3FFE];
	_ =	sdelay $0x1  }
0x8a: {  	s1 =	srdreg.scid  }
0x8b: {  	s0 =	sand.u32 $0x1, s1  }
0x8c: {  	s17 =	sshll.u32 s0, $0xA;
	s2 =	sadd.s32 s3, s2  }
0x8d: {  	s2 =	sadd.s32 s2, s17  }
0x8e: {  	[smem:$0x3FC3] =	sst s2  }
0x8f: {  	_ = 	snop  }
0x90: {  	s2 =	sld [smem:$0x3FC9]  }
0x91: {  	s18 =	sld [smem:$0x3FC8]  }
0x92: {  	s4 =	sld [smem:$0x3FD0];
	(tm) =	ssettm $0x1  }
0x93: {  	s5 =	sld [smem:$0x3FFB];
	_ =	sdelay $0x3  }
0x94: {  	_ =	strace s5  }
0x95: {  	s5 =	sld [smem:$0x3FFC];
	_ =	sdelay $0x3  }
0x96: {  	_ =	strace s5  }
0x97: {  	s5 =	sld [smem:$0x3FFD];
	_ =	sdelay $0x3  }
0x98: {  	_ =	strace s5  }
0x99: {  	_ =	strace $0x8FFFFFFF  }
0x9a: {  	s19 =	sld [smem:$0x3FDB];
	_ =	sdelay $0x1  }
0x9b: {  	s6 =	simm.s32 $_scs_section_size  }
0x9c: {  	s7 =	simm.s32 $_size__tile_overlayer_lowered;
	s8 =	simm.s32 $_tile_overlayer_lowered  }
0x9d: {  	s22 =	simm.s32 $0x1BFF;
	s21 =	sshll.u32 s8, $0x1;
	s5 =	sadd.s32 s6, s19  }
0x9e: {  	s9 =	simm.s32 $0x0;
	s20 =	sshll.u32 s7, $0x1;
	s7 =	sadd.s32 s21, s5  }
0x9f: {  	[timem:s9], [sflag:s22] =	dma.local [hbm:s7], s20  }
0xa0: {  	_ =	swait.ge [sflag:s22], s20  }
0xa1: {  	s6 =	ssub.s32 $0x0, s20;
	[sflag:s22] =	ssyncset.done $0x0  }
0xa2: {  	[sflag:s22] =	ssyncadd.s32 s6;
	_ =	sdelay $0x1  }
0xa3: {  	s23 =	simm.s32 $0x1B8B  }
0xa4: {  	_ =	swait.ge [sflag:s23], $0x1  }
0xa5: {  	[sflag:s23] =	ssyncset.done $0x0  }
0xa6: {  	s25 =	simm.s32 $0x1B8E;
	s24 =	sld [smem:$0x3FFE];
	[sflag:s23] =	ssyncadd.s32 $0xFFFFFFFF  }
0xa7: {  	s26 =	simm.s32 $execute0_lowered;
	[smem:$0x3FD2] =	sst s25  }
0xa8: {  	s7 =	sshll.u32 s26, $0x1;
	_ =	strace $0x80000046;
	[dreg:$0x1] =	wrdreg $0xFFFFFFFF  }
0xa9: {  	s28 =	simm.s32 $_size_execute0_lowered;
	s5 =	sadd.s32 s5, s7;
	[dreg:$0x0] =	wrdreg $0x0  }
0xaa: {  	s7 =	sshll.u32 s28, $0x1;
	[dreg:$0x2] =	wrdreg s5  }
0xab: {  	[dreg:$0x3] =	wrdreg s7  }
0xac: {  	[dreg:$0x4] =	wrdreg $0xC0  }
0xad: {  	_ =	task [dreg:s9], $0x5FFFF  }
0xae: {  	[dreg:$0x1] =	wrdreg $0xFFFFFFFF  }
0xaf: {  	[dreg:$0x0] =	wrdreg $0x60  }
0xb0: {  	[dreg:$0x2] =	wrdreg s2  }
0xb1: {  	[dreg:$0x3] =	wrdreg s18  }
0xb2: {  	[dreg:$0x4] =	wrdreg s24  }
0xb3: {  	[dreg:$0x5] =	wrdreg s4  }
0xb4: {  	[dreg:$0x6] =	wrdreg $0x9  }
0xb5: {  	_ =	task.clear_ibuf [dreg:s9], $0x7FFFF;
	_ =	strace $0x90000046  }
0xb6: {  	s29 =	simm.s32 $0x9;
	_ =	strace $0x80000048  }
0xb7: {  	_ =	swait.ge [sflag:s29], $0x1  }
0xb8: {  	[sflag:s29] =	ssyncadd.s32 $0xFFFFFFFF  }
0xb9: {  	_ =	strace $0x90000048  }
0xba: {  	_ =	sfence  }
0xbb: {  	s30 =	sld [smem:$0x0];
	_ =	sdelay $0x2  }
0xbc: {  	s31 =	sshll.u32 s1, $0xD;
	s1 =	sshrl.u32 s1, $0x2  }
0xbd: {  	s3 =	sand.u32 $0x4000, s31;
	s1 =	sadd.s32 s1, s30  }
0xbe: {  	s0 =	sor.u32 s3, s0;
	s1 =	sshll.u32 s1, $0x11  }
0xbf: {  	s0 =	sor.u32 s1, s0  }
0xc0: {  	s0 =	sadd.s32 $0x8F2B, s0  }
0xc1: {  	[sflag:s0] =	ssyncadd.remote.s32 $0x1  }
0xc2: {  	_ =	sfence.sel $0xFFFF  }
0xc3: {  	[dreg:$0x0] =	wrdreg $0xFFFFFFFF;
	(pc) =	sbr.abs _section_cstart, $3  }
0xc4: {  	[dreg:$0x1] =	wrdreg $0xFFFFFFFF  }
0xc5: {  	_ =	task.clear_ibuf [dreg:s9], $0x2FFFF;
	_ =	strace $0x9FFFFFFF  }
0xc6: {  	(tm) =	ssettm $0x7FFFFFFF  }
0xc7: {  	_ =	shalt  }
tec
execute0_lowered:
.L_overlay_start_1:
0x0: {  	(tag) =	ssettag $0x1  }
0x1: {  	s0 =	rddreg [dreg:$0x0]  }
0x2: {  	s1 =	rddreg [dreg:$0x1]  }
0x3: {  	s2 =	rddreg [dreg:$0x2];
	s4 =	srdreg.scid  }
0x4: {  	s6 =	stileid.u32;
	s3 =	simm.s32 $0x0;
	s16 =	simm.s32 $0x80  }
0x5: {  	s18 =	simm.s32 $0x100;
	s19 =	simm.s32 $0x300;
	s20 =	simm.s32 $0x180  }
0x6: {  	s21 =	simm.s32 $0x380;
	s22 =	simm.s32 $0x400;
	s23 =	simm.s32 $0x3  }
0x7: {  	s24 =	simm.s32 $0x1;
	s28 =	simm.s32 $0x50C0;
	s29 =	simm.s32 $0x70C0  }
0x8: {  	s30 =	simm.s32 $0x2;
	s31 =	simm.s32 $0x0;
	s5 =	sand.u32 $0x1, s4  }
0x9: {  	s25 =	sshll.u32 s6, $0x1;
	[smem:$0x7FF] =	sst s3;
	s4 =	sadd.s32 $0x188E00, s2  }
0xa: {  	s6 =	sor.u32 s5, s25;
	_ =	strace $0x80000047;
	s5 =	ssub.s32 $0x2, s5  }
0xb: {  	s25 =	simm.s32 $0x10C0;
	s7 =	sshll.u32 s6, $0xC;
	s26 =	sshrl.u32 s5, $0x1  }
0xc: {  	s8 =	sshll.u32 s6, $0x7;
	s6 =	sshll.u32 s6, $0x6;
	s2 =	sadd.s32 s7, s2  }
0xd: {  	s14 =	ssub.s32 s5, s26;
	s5 =	sadd.s32 s0, s8;
	s6 =	sadd.s32 s1, s6  }
0xe: {  	s26 =	simm.s32 $0x30C0;
	s7 =	sadd.s32 $0x20, s5;
	s8 =	sadd.s32 $0x10, s6  }
0xf: {  	s9 =	sadd.s32 $0x40, s5;
	s10 =	sadd.s32 $0x20, s6;
	s11 =	sadd.s32 $0x60, s5  }
0x10: {  	s12 =	sadd.s32 $0x30, s6;
	s13 =	sadd.s32 $0x2400, s2;
	s14 =	smax.u32 s14, $0x1  }
.LBB2_1:
0x11: {  	[tilespmem:s3], [sflag:$0x1] =	stream.linear.gather [hbm4b:s5+s3], $0x80, $0x38;
	[tilespmem:$0x90C0] =	vst v63  }
0x12: {  	s0 =	simm.s32 $0x200  }
0x13: {  	[tilespmem:s0], [sflag:$0x1] =	stream.linear.gather [hbm4b:s6+s3], $0x80, $0x38;
	[tilespmem:$0x90C0] =	vst v63  }
0x14: {  	_ = 	snop  }
0x15: {  	[tilespmem:s16], [sflag:$0x1] =	stream.linear.gather [hbm4b:s7+s3], $0x80, $0x38;
	[tilespmem:$0x90C0] =	vst v63  }
0x16: {  	s15 =	simm.s32 $0x280  }
0x17: {  	[tilespmem:s15], [sflag:$0x1] =	stream.linear.gather [hbm4b:s8+s3], $0x80, $0x38;
	[tilespmem:$0x90C0] =	vst v63  }
0x18: {  	_ = 	snop  }
0x19: {  	[tilespmem:s18], [sflag:$0x1] =	stream.linear.gather [hbm4b:s9+s3], $0x80, $0x38;
	[tilespmem:$0x90C0] =	vst v63  }
0x1a: {  	_ = 	snop  }
0x1b: {  	[tilespmem:s19], [sflag:$0x1] =	stream.linear.gather [hbm4b:s10+s3], $0x80, $0x38;
	[tilespmem:$0x90C0] =	vst v63  }
0x1c: {  	_ = 	snop  }
0x1d: {  	[tilespmem:s20], [sflag:$0x1] =	stream.linear.gather [hbm4b:s11+s3], $0x80, $0x38;
	[tilespmem:$0x90C0] =	vst v63  }
0x1e: {  	_ = 	snop  }
0x1f: {  	[tilespmem:s21], [sflag:$0x1] =	stream.linear.gather [hbm4b:s12+s3], $0x80, $0x38;
	[tilespmem:$0x90C0] =	vst v63  }
0x20: {  	s17 =	rddreg [dreg:$0x3]  }
0x21: {  	[tilespmem:s22], [sflag:$0x3] =	stream.linear.gather [hbm4b:s17+s3], $0xCC0, $0x38;
	[tilespmem:$0x90C0] =	vst v63  }
0x22: {  	_ =	swait.ge [sflag:s23], $0xCC0  }
0x23: {  	[sflag:s23] =	ssyncset.done $0x0  }
0x24: {  	[sflag:s23] =	ssyncadd.s32 $0xFFFFF340  }
0x25: {  	_ =	swait.ge [sflag:s24], $0x80  }
0x26: {  	[sflag:s24] =	ssyncset.done $0x0  }
0x27: {  	[sflag:s24] =	ssyncadd.s32 $0xFFFFFF80  }
0x28: {  	_ =	swait.ge [sflag:s24], $0x80  }
0x29: {  	[sflag:s24] =	ssyncset.done $0x0  }
0x2a: {  	[sflag:s24] =	ssyncadd.s32 $0xFFFFFF80  }
0x2b: {  	_ =	swait.ge [sflag:s24], $0x80  }
0x2c: {  	[sflag:s24] =	ssyncset.done $0x0  }
0x2d: {  	[sflag:s24] =	ssyncadd.s32 $0xFFFFFF80  }
0x2e: {  	_ =	swait.ge [sflag:s24], $0x80  }
0x2f: {  	[sflag:s24] =	ssyncset.done $0x0  }
0x30: {  	[sflag:s24] =	ssyncadd.s32 $0xFFFFFF80  }
0x31: {  	_ =	swait.ge [sflag:s24], $0x80  }
0x32: {  	[sflag:s24] =	ssyncset.done $0x0  }
0x33: {  	[sflag:s24] =	ssyncadd.s32 $0xFFFFFF80  }
0x34: {  	_ =	swait.ge [sflag:s24], $0x80  }
0x35: {  	[sflag:s24] =	ssyncset.done $0x0  }
0x36: {  	[sflag:s24] =	ssyncadd.s32 $0xFFFFFF80  }
0x37: {  	_ =	swait.ge [sflag:s24], $0x80  }
0x38: {  	[sflag:s24] =	ssyncset.done $0x0  }
0x39: {  	[sflag:s24] =	ssyncadd.s32 $0xFFFFFF80  }
0x3a: {  	_ =	swait.ge [sflag:s24], $0x80  }
0x3b: {  	[sflag:s24] =	ssyncset.done $0x0  }
0x3c: {  	[sflag:s24] =	ssyncadd.s32 $0xFFFFFF80  }
0x3d: {  	v0 =	vld [tilespmem:$0x200]  }
0x3e: {  	v1 =	vld [tilespmem:$0x210]  }
0x3f: {  	v2 =	vld [tilespmem:$0x220]  }
0x40: {  	v3 =	vld [tilespmem:$0x230]  }
0x41: {  	v4 =	vld [tilespmem:$0x240]  }
0x42: {  	v5 =	vld [tilespmem:$0x250];
	vm0 =	vlt.s32 v0, $0x32  }
0x43: {  	v6 =	vld [tilespmem:$0x260];
	vm9 =	vlt.s32 v1, $0x32;
	v0 =	vnsel vm0, $0x32, v0  }
0x44: {  	v9 =	vld [tilespmem:$0x270];
	vm10 =	vlt.s32 v2, $0x32;
	v8 =	vnsel vm9, $0x32, v1;
	[tilespmem:$0x200] =	vst v0  }
0x45: {  	v11 =	vld [tilespmem:$0x280];
	vm11 =	vlt.s32 v3, $0x32;
	v10 =	vnsel vm10, $0x32, v2;
	[tilespmem:$0x210] =	vst v8  }
0x46: {  	v13 =	vld [tilespmem:$0x290];
	vm12 =	vlt.s32 v4, $0x32;
	v12 =	vnsel vm11, $0x32, v3;
	[tilespmem:$0x220] =	vst v10  }
0x47: {  	v15 =	vld [tilespmem:$0x2A0];
	vm13 =	vlt.s32 v5, $0x32;
	v14 =	vnsel vm12, $0x32, v4;
	[tilespmem:$0x230] =	vst v12  }
0x48: {  	v17 =	vld [tilespmem:$0x2B0];
	vm14 =	vlt.s32 v6, $0x32;
	v16 =	vnsel vm13, $0x32, v5;
	[tilespmem:$0x240] =	vst v14  }
0x49: {  	v19 =	vld [tilespmem:$0x2C0];
	vm15 =	vlt.s32 v9, $0x32;
	v18 =	vnsel vm14, $0x32, v6;
	[tilespmem:$0x250] =	vst v16  }
0x4a: {  	v21 =	vld [tilespmem:$0x2D0];
	vm4 =	vlt.s32 v11, $0x32;
	v20 =	vnsel vm15, $0x32, v9;
	[tilespmem:$0x260] =	vst v18  }
0x4b: {  	v23 =	vld [tilespmem:$0x2E0];
	vm5 =	vlt.s32 v13, $0x32;
	v22 =	vnsel vm4, $0x32, v11;
	[tilespmem:$0x270] =	vst v20  }
0x4c: {  	v25 =	vld [tilespmem:$0x2F0];
	vm6 =	vlt.s32 v15, $0x32;
	v24 =	vnsel vm5, $0x32, v13;
	[tilespmem:$0x280] =	vst v22  }
0x4d: {  	v27 =	vld [tilespmem:$0x300];
	vm7 =	vlt.s32 v17, $0x32;
	v26 =	vnsel vm6, $0x32, v15;
	[tilespmem:$0x290] =	vst v24  }
0x4e: {  	v29 =	vld [tilespmem:$0x310];
	vm8 =	vlt.s32 v19, $0x32;
	v28 =	vnsel vm7, $0x32, v17;
	[tilespmem:$0x2A0] =	vst v26  }
0x4f: {  	v31 =	vld [tilespmem:$0x320];
	v30 =	vnsel vm8, $0x32, v19;
	vm9 =	vlt.s32 v21, $0x32;
	[tilespmem:$0x2B0] =	vst v28  }
0x50: {  	v33 =	vld [tilespmem:$0x330];
	vm10 =	vlt.s32 v23, $0x32;
	[tilespmem:$0x2C0] =	vst v30;
	v32 =	vnsel vm9, $0x32, v21  }
0x51: {  	v35 =	vld [tilespmem:$0x340];
	vm11 =	vlt.s32 v25, $0x32;
	v34 =	vnsel vm10, $0x32, v23;
	[tilespmem:$0x2D0] =	vst v32  }
0x52: {  	v37 =	vld [tilespmem:$0x350];
	vm12 =	vlt.s32 v27, $0x32;
	v36 =	vnsel vm11, $0x32, v25;
	[tilespmem:$0x2E0] =	vst v34  }
0x53: {  	v39 =	vld [tilespmem:$0x360];
	vm13 =	vlt.s32 v29, $0x32;
	v38 =	vnsel vm12, $0x32, v27;
	[tilespmem:$0x2F0] =	vst v36  }
0x54: {  	v41 =	vld [tilespmem:$0x370];
	vm14 =	vlt.s32 v31, $0x32;
	v40 =	vnsel vm13, $0x32, v29;
	[tilespmem:$0x300] =	vst v38  }
0x55: {  	v43 =	vld [tilespmem:$0x380];
	vm15 =	vlt.s32 v33, $0x32;
	v42 =	vnsel vm14, $0x32, v31;
	[tilespmem:$0x310] =	vst v40  }
0x56: {  	v45 =	vld [tilespmem:$0x390];
	vm4 =	vlt.s32 v35, $0x32;
	v44 =	vnsel vm15, $0x32, v33;
	[tilespmem:$0x320] =	vst v42  }
0x57: {  	v47 =	vld [tilespmem:$0x3A0];
	vm5 =	vlt.s32 v37, $0x32;
	v46 =	vnsel vm4, $0x32, v35;
	[tilespmem:$0x330] =	vst v44  }
0x58: {  	v49 =	vld [tilespmem:$0x3B0];
	vm6 =	vlt.s32 v39, $0x32;
	v48 =	vnsel vm5, $0x32, v37;
	[tilespmem:$0x340] =	vst v46  }
0x59: {  	v51 =	vld [tilespmem:$0x3C0];
	vm7 =	vlt.s32 v41, $0x32;
	v50 =	vnsel vm6, $0x32, v39;
	[tilespmem:$0x350] =	vst v48  }
0x5a: {  	v53 =	vld [tilespmem:$0x3D0];
	vm8 =	vlt.s32 v43, $0x32;
	v52 =	vnsel vm7, $0x32, v41;
	[tilespmem:$0x360] =	vst v50  }
0x5b: {  	v55 =	vld [tilespmem:$0x3E0];
	v54 =	vnsel vm8, $0x32, v43;
	vm9 =	vlt.s32 v45, $0x32;
	[tilespmem:$0x370] =	vst v52  }
0x5c: {  	v57 =	vld [tilespmem:$0x3F0];
	vm10 =	vlt.s32 v47, $0x32;
	[tilespmem:$0x380] =	vst v54;
	v56 =	vnsel vm9, $0x32, v45  }
0x5d: {  	vm11 =	vlt.s32 v49, $0x32;
	v58 =	vnsel vm10, $0x32, v47;
	[tilespmem:$0x390] =	vst v56  }
0x5e: {  	vm12 =	vlt.s32 v51, $0x32;
	v59 =	vnsel vm11, $0x32, v49;
	[tilespmem:$0x3A0] =	vst v58  }
0x5f: {  	vm13 =	vlt.s32 v53, $0x32;
	v60 =	vnsel vm12, $0x32, v51;
	[tilespmem:$0x3B0] =	vst v59  }
0x60: {  	vm14 =	vlt.s32 v55, $0x32;
	v61 =	vnsel vm13, $0x32, v53;
	[tilespmem:$0x3C0] =	vst v60  }
0x61: {  	vm15 =	vlt.s32 v57, $0x32;
	v62 =	vnsel vm14, $0x32, v55;
	[tilespmem:$0x3D0] =	vst v61  }
0x62: {  	v63 =	vnsel vm15, $0x32, v57;
	[tilespmem:$0x3E0] =	vst v62  }
0x63: {  	[tilespmem:$0x3F0] =	vst v63  }
0x64: {  	[tilespmem:s25], [sflag:$0x2] =	stream.indirect.gather [hbm4b:s4+s16], $0x40, s3, s16, $0xb8;
	[tilespmem:$0x90C0] =	vst v63  }
0x65: {  	_ = 	snop  }
0x66: {  	[tilespmem:s26], [sflag:$0x2] =	stream.indirect.gather [hbm4b:s4+s16], $0x40, s16, s16, $0xb8;
	[tilespmem:$0x90C0] =	vst v63  }
0x67: {  	_ = 	snop  }
0x68: {  	[tilespmem:s28], [sflag:$0x2] =	stream.indirect.gather [hbm4b:s4+s16], $0x40, s18, s16, $0xb8;
	[tilespmem:$0x90C0] =	vst v63  }
0x69: {  	_ = 	snop  }
0x6a: {  	[tilespmem:s29], [sflag:$0x2] =	stream.indirect.gather [hbm4b:s4+s16], $0x40, s20, s16, $0xb8;
	[tilespmem:$0x90C0] =	vst v63  }
0x6b: {  	_ =	swait.ge [sflag:s30], $0x2000  }
0x6c: {  	[sflag:s30] =	ssyncset.done $0x0  }
0x6d: {  	[sflag:s30] =	ssyncadd.s32 $0xFFFFE000  }
0x6e: {  	_ =	swait.ge [sflag:s30], $0x2000  }
0x6f: {  	[sflag:s30] =	ssyncset.done $0x0  }
0x70: {  	[sflag:s30] =	ssyncadd.s32 $0xFFFFE000  }
0x71: {  	_ =	swait.ge [sflag:s30], $0x2000  }
0x72: {  	[sflag:s30] =	ssyncset.done $0x0  }
0x73: {  	[sflag:s30] =	ssyncadd.s32 $0xFFFFE000  }
0x74: {  	_ =	swait.ge [sflag:s30], $0x2000  }
0x75: {  	s1 =	simm.s32 $0x0;
	[sflag:s30] =	ssyncset.done $0x0  }
0x76: {  	s2 =	simm.s32 $0x0;
	s0 =	simm.s32 $0x12C0;
	[sflag:s30] =	ssyncadd.s32 $0xFFFFE000  }
.LBB2_2:
0x77: {  	s15 =	sand.u32 $0x600, s2  }
0x78: {  	s17 =	sand.u32 $0x70, s1;
	s15 =	sshrl.u32 s15, $0x2  }
0x79: {  	s15 =	sor.u32 s17, s15  }
0x7a: {  	v0 =	vld [tilespmem:s15+$0x200];
	_ =	sdelay $0x4  }
0x7b: {  	v0 =	vshll.u32 v0, $0x8  }
0x7c: {  	v0 =	vshra.s32 v0, $0x2  }
0x7d: {  	(v2sf) =	vpush v0, $0x0;
	_ =	sdelay $0xe  }
0x7e: {  	v1 =	vld [tilespmem:s0+$0xFFFFFE00];
	s17 =	spop (v2sf)  }
0x7f: {  	v2 =	vld [tilespmem:s17+$0x400];
	_ =	sdelay $0x4  }
0x80: {  	v1 =	vadd.f32 v2, v1;
	_ =	sdelay $0x1  }
0x81: {  	v57 =	vld [tilespmem:s0+$0xFFFFFE10];
	[tilespmem:s0+$0xFFFFFE00] =	vst v1  }
0x82: {  	v58 =	vld [tilespmem:s17+$0x410];
	_ =	sdelay $0x4  }
0x83: {  	v1 =	vadd.f32 v58, v57;
	_ =	sdelay $0x1  }
0x84: {  	v59 =	vld [tilespmem:s0+$0xFFFFFE20];
	[tilespmem:s0+$0xFFFFFE10] =	vst v1  }
0x85: {  	(v2sf) =	vpush v0, $0x1;
	v60 =	vld [tilespmem:s17+$0x420];
	_ =	sdelay $0x4  }
0x86: {  	v1 =	vadd.f32 v60, v59;
	_ =	sdelay $0x1  }
0x87: {  	v61 =	vld [tilespmem:s0+$0xFFFFFE30];
	[tilespmem:s0+$0xFFFFFE20] =	vst v1  }
0x88: {  	v62 =	vld [tilespmem:s17+$0x430];
	_ =	sdelay $0x4  }
0x89: {  	v1 =	vadd.f32 v62, v61;
	_ =	sdelay $0x1  }
0x8a: {  	v63 =	vld [tilespmem:s0+$0xFFFFFE40];
	s17 =	spop (v2sf);
	[tilespmem:s0+$0xFFFFFE30] =	vst v1  }
0x8b: {  	v4 =	vld [tilespmem:s17+$0x400];
	_ =	sdelay $0x4  }
0x8c: {  	v1 =	vadd.f32 v4, v63;
	_ =	sdelay $0x1  }
0x8d: {  	v5 =	vld [tilespmem:s0+$0xFFFFFE50];
	[tilespmem:s0+$0xFFFFFE40] =	vst v1  }
0x8e: {  	v6 =	vld [tilespmem:s17+$0x410];
	_ =	sdelay $0x4  }
0x8f: {  	v1 =	vadd.f32 v6, v5;
	_ =	sdelay $0x1  }
0x90: {  	v7 =	vld [tilespmem:s0+$0xFFFFFE60];
	[tilespmem:s0+$0xFFFFFE50] =	vst v1  }
0x91: {  	(v2sf) =	vpush v0, $0x2;
	v8 =	vld [tilespmem:s17+$0x420];
	_ =	sdelay $0x4  }
0x92: {  	v1 =	vadd.f32 v8, v7;
	_ =	sdelay $0x1  }
0x93: {  	v9 =	vld [tilespmem:s0+$0xFFFFFE70];
	[tilespmem:s0+$0xFFFFFE60] =	vst v1  }
0x94: {  	v10 =	vld [tilespmem:s17+$0x430];
	_ =	sdelay $0x4  }
0x95: {  	v1 =	vadd.f32 v10, v9;
	_ =	sdelay $0x1  }
0x96: {  	v11 =	vld [tilespmem:s0+$0xFFFFFE80];
	s17 =	spop (v2sf);
	[tilespmem:s0+$0xFFFFFE70] =	vst v1  }
0x97: {  	v12 =	vld [tilespmem:s17+$0x400];
	_ =	sdelay $0x4  }
0x98: {  	v1 =	vadd.f32 v12, v11;
	_ =	sdelay $0x1  }
0x99: {  	v13 =	vld [tilespmem:s0+$0xFFFFFE90];
	[tilespmem:s0+$0xFFFFFE80] =	vst v1  }
0x9a: {  	v14 =	vld [tilespmem:s17+$0x410];
	_ =	sdelay $0x4  }
0x9b: {  	v1 =	vadd.f32 v14, v13;
	_ =	sdelay $0x1  }
0x9c: {  	v15 =	vld [tilespmem:s0+$0xFFFFFEA0];
	[tilespmem:s0+$0xFFFFFE90] =	vst v1  }
0x9d: {  	(v2sf) =	vpush v0, $0x3;
	v16 =	vld [tilespmem:s17+$0x420];
	_ =	sdelay $0x4  }
0x9e: {  	v1 =	vadd.f32 v16, v15;
	_ =	sdelay $0x1  }
0x9f: {  	v17 =	vld [tilespmem:s0+$0xFFFFFEB0];
	[tilespmem:s0+$0xFFFFFEA0] =	vst v1  }
0xa0: {  	v18 =	vld [tilespmem:s17+$0x430];
	_ =	sdelay $0x4  }
0xa1: {  	v1 =	vadd.f32 v18, v17;
	_ =	sdelay $0x1  }
0xa2: {  	v19 =	vld [tilespmem:s0+$0xFFFFFEC0];
	s17 =	spop (v2sf);
	[tilespmem:s0+$0xFFFFFEB0] =	vst v1  }
0xa3: {  	v20 =	vld [tilespmem:s17+$0x400];
	_ =	sdelay $0x4  }
0xa4: {  	v1 =	vadd.f32 v20, v19;
	_ =	sdelay $0x1  }
0xa5: {  	v21 =	vld [tilespmem:s0+$0xFFFFFED0];
	[tilespmem:s0+$0xFFFFFEC0] =	vst v1  }
0xa6: {  	v22 =	vld [tilespmem:s17+$0x410];
	_ =	sdelay $0x4  }
0xa7: {  	v1 =	vadd.f32 v22, v21;
	_ =	sdelay $0x1  }
0xa8: {  	v23 =	vld [tilespmem:s0+$0xFFFFFEE0];
	[tilespmem:s0+$0xFFFFFED0] =	vst v1  }
0xa9: {  	(v2sf) =	vpush v0, $0x4;
	v24 =	vld [tilespmem:s17+$0x420];
	_ =	sdelay $0x4  }
0xaa: {  	v1 =	vadd.f32 v24, v23;
	_ =	sdelay $0x1  }
0xab: {  	v25 =	vld [tilespmem:s0+$0xFFFFFEF0];
	[tilespmem:s0+$0xFFFFFEE0] =	vst v1  }
0xac: {  	v26 =	vld [tilespmem:s17+$0x430];
	_ =	sdelay $0x4  }
0xad: {  	v1 =	vadd.f32 v26, v25;
	_ =	sdelay $0x1  }
0xae: {  	v27 =	vld [tilespmem:s0+$0xFFFFFF00];
	s17 =	spop (v2sf);
	[tilespmem:s0+$0xFFFFFEF0] =	vst v1  }
0xaf: {  	v28 =	vld [tilespmem:s17+$0x400];
	_ =	sdelay $0x4  }
0xb0: {  	v1 =	vadd.f32 v28, v27;
	_ =	sdelay $0x1  }
0xb1: {  	v29 =	vld [tilespmem:s0+$0xFFFFFF10];
	[tilespmem:s0+$0xFFFFFF00] =	vst v1  }
0xb2: {  	v30 =	vld [tilespmem:s17+$0x410];
	_ =	sdelay $0x4  }
0xb3: {  	v1 =	vadd.f32 v30, v29;
	_ =	sdelay $0x1  }
0xb4: {  	v31 =	vld [tilespmem:s0+$0xFFFFFF20];
	[tilespmem:s0+$0xFFFFFF10] =	vst v1  }
0xb5: {  	(v2sf) =	vpush v0, $0x5;
	v32 =	vld [tilespmem:s17+$0x420];
	_ =	sdelay $0x4  }
0xb6: {  	v1 =	vadd.f32 v32, v31;
	_ =	sdelay $0x1  }
0xb7: {  	v33 =	vld [tilespmem:s0+$0xFFFFFF30];
	[tilespmem:s0+$0xFFFFFF20] =	vst v1  }
0xb8: {  	v34 =	vld [tilespmem:s17+$0x430];
	_ =	sdelay $0x4  }
0xb9: {  	v1 =	vadd.f32 v34, v33;
	_ =	sdelay $0x1  }
0xba: {  	v35 =	vld [tilespmem:s0+$0xFFFFFF40];
	s17 =	spop (v2sf);
	[tilespmem:s0+$0xFFFFFF30] =	vst v1  }
0xbb: {  	v36 =	vld [tilespmem:s17+$0x400];
	_ =	sdelay $0x4  }
0xbc: {  	v1 =	vadd.f32 v36, v35;
	_ =	sdelay $0x1  }
0xbd: {  	v37 =	vld [tilespmem:s0+$0xFFFFFF50];
	[tilespmem:s0+$0xFFFFFF40] =	vst v1  }
0xbe: {  	v38 =	vld [tilespmem:s17+$0x410];
	_ =	sdelay $0x4  }
0xbf: {  	v1 =	vadd.f32 v38, v37;
	_ =	sdelay $0x1  }
0xc0: {  	v39 =	vld [tilespmem:s0+$0xFFFFFF60];
	[tilespmem:s0+$0xFFFFFF50] =	vst v1  }
0xc1: {  	(v2sf) =	vpush v0, $0x6;
	v40 =	vld [tilespmem:s17+$0x420];
	_ =	sdelay $0x4  }
0xc2: {  	v1 =	vadd.f32 v40, v39;
	_ =	sdelay $0x1  }
0xc3: {  	v41 =	vld [tilespmem:s0+$0xFFFFFF70];
	[tilespmem:s0+$0xFFFFFF60] =	vst v1  }
0xc4: {  	v42 =	vld [tilespmem:s17+$0x430];
	_ =	sdelay $0x4  }
0xc5: {  	v1 =	vadd.f32 v42, v41;
	_ =	sdelay $0x1  }
0xc6: {  	v43 =	vld [tilespmem:s0+$0xFFFFFF80];
	s17 =	spop (v2sf);
	[tilespmem:s0+$0xFFFFFF70] =	vst v1  }
0xc7: {  	v44 =	vld [tilespmem:s17+$0x400];
	_ =	sdelay $0x4  }
0xc8: {  	v1 =	vadd.f32 v44, v43;
	_ =	sdelay $0x1  }
0xc9: {  	v45 =	vld [tilespmem:s0+$0xFFFFFF90];
	[tilespmem:s0+$0xFFFFFF80] =	vst v1  }
0xca: {  	v46 =	vld [tilespmem:s17+$0x410];
	_ =	sdelay $0x4  }
0xcb: {  	v1 =	vadd.f32 v46, v45;
	_ =	sdelay $0x1  }
0xcc: {  	v47 =	vld [tilespmem:s0+$0xFFFFFFA0];
	[tilespmem:s0+$0xFFFFFF90] =	vst v1  }
0xcd: {  	(v2sf) =	vpush v0, $0x7;
	v48 =	vld [tilespmem:s17+$0x420];
	_ =	sdelay $0x4  }
0xce: {  	v1 =	vadd.f32 v48, v47;
	_ =	sdelay $0x1  }
0xcf: {  	v49 =	vld [tilespmem:s0+$0xFFFFFFB0];
	[tilespmem:s0+$0xFFFFFFA0] =	vst v1  }
0xd0: {  	v50 =	vld [tilespmem:s17+$0x430];
	_ =	sdelay $0x4  }
0xd1: {  	v1 =	vadd.f32 v50, v49;
	_ =	sdelay $0x1  }
0xd2: {  	v51 =	vld [tilespmem:s0+$0xFFFFFFC0];
	s17 =	spop (v2sf);
	[tilespmem:s0+$0xFFFFFFB0] =	vst v1  }
0xd3: {  	v52 =	vld [tilespmem:s17+$0x400];
	_ =	sdelay $0x4  }
0xd4: {  	v1 =	vadd.f32 v52, v51;
	_ =	sdelay $0x1  }
0xd5: {  	v53 =	vld [tilespmem:s0+$0xFFFFFFD0];
	[tilespmem:s0+$0xFFFFFFC0] =	vst v1  }
0xd6: {  	v54 =	vld [tilespmem:s17+$0x410];
	_ =	sdelay $0x4  }
0xd7: {  	v1 =	vadd.f32 v54, v53;
	_ =	sdelay $0x1  }
0xd8: {  	v55 =	vld [tilespmem:s0+$0xFFFFFFE0];
	[tilespmem:s0+$0xFFFFFFD0] =	vst v1  }
0xd9: {  	(v2sf) =	vpush v0, $0x8;
	v56 =	vld [tilespmem:s17+$0x420];
	_ =	sdelay $0x4  }
0xda: {  	v1 =	vadd.f32 v56, v55;
	_ =	sdelay $0x1  }
0xdb: {  	v57 =	vld [tilespmem:s0+$0xFFFFFFF0];
	[tilespmem:s0+$0xFFFFFFE0] =	vst v1  }
0xdc: {  	v58 =	vld [tilespmem:s17+$0x430];
	_ =	sdelay $0x4  }
0xdd: {  	v1 =	vadd.f32 v58, v57;
	_ =	sdelay $0x1  }
0xde: {  	v59 =	vld [tilespmem:s0+$0x0];
	s17 =	spop (v2sf);
	[tilespmem:s0+$0xFFFFFFF0] =	vst v1  }
0xdf: {  	v60 =	vld [tilespmem:s17+$0x400];
	_ =	sdelay $0x4  }
0xe0: {  	v1 =	vadd.f32 v60, v59;
	_ =	sdelay $0x1  }
0xe1: {  	v61 =	vld [tilespmem:s0+$0x10];
	[tilespmem:s0+$0x0] =	vst v1  }
0xe2: {  	v62 =	vld [tilespmem:s17+$0x410];
	_ =	sdelay $0x4  }
0xe3: {  	v1 =	vadd.f32 v62, v61;
	_ =	sdelay $0x1  }
0xe4: {  	v63 =	vld [tilespmem:s0+$0x20];
	[tilespmem:s0+$0x10] =	vst v1  }
0xe5: {  	(v2sf) =	vpush v0, $0x9;
	v4 =	vld [tilespmem:s17+$0x420];
	_ =	sdelay $0x4  }
0xe6: {  	v1 =	vadd.f32 v4, v63;
	_ =	sdelay $0x1  }
0xe7: {  	v5 =	vld [tilespmem:s0+$0x30];
	[tilespmem:s0+$0x20] =	vst v1  }
0xe8: {  	v6 =	vld [tilespmem:s17+$0x430];
	_ =	sdelay $0x4  }
0xe9: {  	v1 =	vadd.f32 v6, v5;
	_ =	sdelay $0x1  }
0xea: {  	v7 =	vld [tilespmem:s0+$0x40];
	s17 =	spop (v2sf);
	[tilespmem:s0+$0x30] =	vst v1  }
0xeb: {  	v8 =	vld [tilespmem:s17+$0x400];
	_ =	sdelay $0x4  }
0xec: {  	v1 =	vadd.f32 v8, v7;
	_ =	sdelay $0x1  }
0xed: {  	v9 =	vld [tilespmem:s0+$0x50];
	[tilespmem:s0+$0x40] =	vst v1  }
0xee: {  	v10 =	vld [tilespmem:s17+$0x410];
	_ =	sdelay $0x4  }
0xef: {  	v1 =	vadd.f32 v10, v9;
	_ =	sdelay $0x1  }
0xf0: {  	v11 =	vld [tilespmem:s0+$0x60];
	[tilespmem:s0+$0x50] =	vst v1  }
0xf1: {  	(v2sf) =	vpush v0, $0xA;
	v12 =	vld [tilespmem:s17+$0x420];
	_ =	sdelay $0x4  }
0xf2: {  	v1 =	vadd.f32 v12, v11;
	_ =	sdelay $0x1  }
0xf3: {  	v13 =	vld [tilespmem:s0+$0x70];
	[tilespmem:s0+$0x60] =	vst v1  }
0xf4: {  	v14 =	vld [tilespmem:s17+$0x430];
	_ =	sdelay $0x4  }
0xf5: {  	v1 =	vadd.f32 v14, v13;
	_ =	sdelay $0x1  }
0xf6: {  	v15 =	vld [tilespmem:s0+$0x80];
	s17 =	spop (v2sf);
	[tilespmem:s0+$0x70] =	vst v1  }
0xf7: {  	v16 =	vld [tilespmem:s17+$0x400];
	_ =	sdelay $0x4  }
0xf8: {  	v1 =	vadd.f32 v16, v15;
	_ =	sdelay $0x1  }
0xf9: {  	v17 =	vld [tilespmem:s0+$0x90];
	[tilespmem:s0+$0x80] =	vst v1  }
0xfa: {  	v18 =	vld [tilespmem:s17+$0x410];
	_ =	sdelay $0x4  }
0xfb: {  	v1 =	vadd.f32 v18, v17;
	_ =	sdelay $0x1  }
0xfc: {  	v19 =	vld [tilespmem:s0+$0xA0];
	[tilespmem:s0+$0x90] =	vst v1  }
0xfd: {  	(v2sf) =	vpush v0, $0xB;
	v20 =	vld [tilespmem:s17+$0x420];
	_ =	sdelay $0x4  }
0xfe: {  	v1 =	vadd.f32 v20, v19;
	_ =	sdelay $0x1  }
0xff: {  	v21 =	vld [tilespmem:s0+$0xB0];
	[tilespmem:s0+$0xA0] =	vst v1  }
0x100: {  	v22 =	vld [tilespmem:s17+$0x430];
	_ =	sdelay $0x4  }
0x101: {  	v1 =	vadd.f32 v22, v21;
	_ =	sdelay $0x1  }
0x102: {  	v23 =	vld [tilespmem:s0+$0xC0];
	s17 =	spop (v2sf);
	[tilespmem:s0+$0xB0] =	vst v1  }
0x103: {  	v24 =	vld [tilespmem:s17+$0x400];
	_ =	sdelay $0x4  }
0x104: {  	v1 =	vadd.f32 v24, v23;
	_ =	sdelay $0x1  }
0x105: {  	v25 =	vld [tilespmem:s0+$0xD0];
	[tilespmem:s0+$0xC0] =	vst v1  }
0x106: {  	v26 =	vld [tilespmem:s17+$0x410];
	_ =	sdelay $0x4  }
0x107: {  	v1 =	vadd.f32 v26, v25;
	_ =	sdelay $0x1  }
0x108: {  	v27 =	vld [tilespmem:s0+$0xE0];
	[tilespmem:s0+$0xD0] =	vst v1  }
0x109: {  	(v2sf) =	vpush v0, $0xC;
	v28 =	vld [tilespmem:s17+$0x420];
	_ =	sdelay $0x4  }
0x10a: {  	v1 =	vadd.f32 v28, v27;
	_ =	sdelay $0x1  }
0x10b: {  	v29 =	vld [tilespmem:s0+$0xF0];
	[tilespmem:s0+$0xE0] =	vst v1  }
0x10c: {  	v30 =	vld [tilespmem:s17+$0x430];
	_ =	sdelay $0x4  }
0x10d: {  	v1 =	vadd.f32 v30, v29;
	_ =	sdelay $0x1  }
0x10e: {  	v31 =	vld [tilespmem:s0+$0x100];
	s17 =	spop (v2sf);
	[tilespmem:s0+$0xF0] =	vst v1  }
0x10f: {  	v32 =	vld [tilespmem:s17+$0x400];
	_ =	sdelay $0x4  }
0x110: {  	v1 =	vadd.f32 v32, v31;
	_ =	sdelay $0x1  }
0x111: {  	v33 =	vld [tilespmem:s0+$0x110];
	[tilespmem:s0+$0x100] =	vst v1  }
0x112: {  	v34 =	vld [tilespmem:s17+$0x410];
	_ =	sdelay $0x4  }
0x113: {  	v1 =	vadd.f32 v34, v33;
	_ =	sdelay $0x1  }
0x114: {  	v35 =	vld [tilespmem:s0+$0x120];
	[tilespmem:s0+$0x110] =	vst v1  }
0x115: {  	(v2sf) =	vpush v0, $0xD;
	v36 =	vld [tilespmem:s17+$0x420];
	_ =	sdelay $0x4  }
0x116: {  	v1 =	vadd.f32 v36, v35;
	_ =	sdelay $0x1  }
0x117: {  	v37 =	vld [tilespmem:s0+$0x130];
	[tilespmem:s0+$0x120] =	vst v1  }
0x118: {  	v38 =	vld [tilespmem:s17+$0x430];
	_ =	sdelay $0x4  }
0x119: {  	v1 =	vadd.f32 v38, v37;
	_ =	sdelay $0x1  }
0x11a: {  	v39 =	vld [tilespmem:s0+$0x140];
	s17 =	spop (v2sf);
	[tilespmem:s0+$0x130] =	vst v1  }
0x11b: {  	v40 =	vld [tilespmem:s17+$0x400];
	_ =	sdelay $0x4  }
0x11c: {  	v1 =	vadd.f32 v40, v39;
	_ =	sdelay $0x1  }
0x11d: {  	v41 =	vld [tilespmem:s0+$0x150];
	[tilespmem:s0+$0x140] =	vst v1  }
0x11e: {  	v42 =	vld [tilespmem:s17+$0x410];
	_ =	sdelay $0x4  }
0x11f: {  	v1 =	vadd.f32 v42, v41;
	_ =	sdelay $0x1  }
0x120: {  	v43 =	vld [tilespmem:s0+$0x160];
	[tilespmem:s0+$0x150] =	vst v1  }
0x121: {  	(v2sf) =	vpush v0, $0xE;
	v44 =	vld [tilespmem:s17+$0x420];
	_ =	sdelay $0x4  }
0x122: {  	v1 =	vadd.f32 v44, v43;
	_ =	sdelay $0x1  }
0x123: {  	v45 =	vld [tilespmem:s0+$0x170];
	[tilespmem:s0+$0x160] =	vst v1  }
0x124: {  	v46 =	vld [tilespmem:s17+$0x430];
	_ =	sdelay $0x4  }
0x125: {  	v1 =	vadd.f32 v46, v45;
	_ =	sdelay $0x1  }
0x126: {  	v47 =	vld [tilespmem:s0+$0x180];
	s17 =	spop (v2sf);
	[tilespmem:s0+$0x170] =	vst v1  }
0x127: {  	v48 =	vld [tilespmem:s17+$0x400];
	_ =	sdelay $0x4  }
0x128: {  	v1 =	vadd.f32 v48, v47;
	_ =	sdelay $0x1  }
0x129: {  	v49 =	vld [tilespmem:s0+$0x190];
	[tilespmem:s0+$0x180] =	vst v1  }
0x12a: {  	v50 =	vld [tilespmem:s17+$0x410];
	_ =	sdelay $0x4  }
0x12b: {  	v1 =	vadd.f32 v50, v49;
	_ =	sdelay $0x1  }
0x12c: {  	v51 =	vld [tilespmem:s0+$0x1A0];
	[tilespmem:s0+$0x190] =	vst v1  }
0x12d: {  	(v2sf) =	vpush v0, $0xF;
	v52 =	vld [tilespmem:s17+$0x420];
	_ =	sdelay $0x4  }
0x12e: {  	v53 =	vadd.f32 v52, v51;
	_ =	sdelay $0x1  }
0x12f: {  	v54 =	vld [tilespmem:s0+$0x1B0];
	[tilespmem:s0+$0x1A0] =	vst v53  }
0x130: {  	v55 =	vld [tilespmem:s17+$0x430];
	_ =	sdelay $0x4  }
0x131: {  	v0 =	vadd.f32 v55, v54;
	_ =	sdelay $0x1  }
0x132: {  	v56 =	vld [tilespmem:s0+$0x1C0];
	s17 =	spop (v2sf);
	[tilespmem:s0+$0x1B0] =	vst v0  }
0x133: {  	v57 =	vld [tilespmem:s17+$0x400];
	_ =	sdelay $0x4  }
0x134: {  	v0 =	vadd.f32 v57, v56;
	_ =	sdelay $0x1  }
0x135: {  	v58 =	vld [tilespmem:s0+$0x1D0];
	[tilespmem:s0+$0x1C0] =	vst v0  }
0x136: {  	v59 =	vld [tilespmem:s17+$0x410];
	_ =	sdelay $0x4  }
0x137: {  	v0 =	vadd.f32 v59, v58;
	_ =	sdelay $0x1  }
0x138: {  	v60 =	vld [tilespmem:s0+$0x1E0];
	[tilespmem:s0+$0x1D0] =	vst v0  }
0x139: {  	v61 =	vld [tilespmem:s17+$0x420];
	_ =	sdelay $0x4  }
0x13a: {  	v0 =	vadd.f32 v61, v60;
	_ =	sdelay $0x1  }
0x13b: {  	v62 =	vld [tilespmem:s0+$0x1F0];
	[tilespmem:s0+$0x1E0] =	vst v0  }
0x13c: {  	v63 =	vld [tilespmem:s17+$0x430];
	_ =	sdelay $0x1  }
0x13d: {  	p0 =	sne.s32 s2, $0x7C0  }
.Ltmp0:
0x13e: {  	_ = 	snop;
	(pc) =	sbr.rel @p0 .LBB2_2-.Ltmp0, $3  }
0x13f: {  	_ = 	snop  }
0x140: {  	v0 =	vadd.f32 v63, v62;
	_ =	sdelay $0x1  }
0x141: {  	s1 =	sadd.s32 $0x10, s1;
	s2 =	sadd.s32 $0x40, s2;
	[tilespmem:s0+$0x1F0] =	vst v0;
	s0 =	sadd.s32 $0x400, s0  }
0x142: {  	s31 =	sadd.s32 $0x1, s31  }
0x143: {  	p0 =	sne.s32 s31, s14  }
.Ltmp1:
0x144: {  	_ = 	snop;
	(pc) =	sbr.rel @p0 .LBB2_1-.Ltmp1, $4  }
0x145: {  	[hbm4b:s13+s3] =	stream.linear.scatter [tilespmem:s25], [sflag:$0x3], $0x8000, $0x38;
	[tilespmem:$0x90C0] =	vst v63  }
0x146: {  	_ =	swait.ge [sflag:s23], $0x8000  }
0x147: {  	[sflag:s23] =	ssyncset.done $0x0  }
0x148: {  	[sflag:s23] =	ssyncadd.s32 $0xFFFF8000  }
0x149: {  	_ =	sfence.sel $0x180000  }
0x14a: {  	[bflag:$0x0] =	sbarrier.arrive $0xFFFF  }
0x14b: {  	_ =	strace $0x90000047  }
0x14c: {  	s0 =	stileid.u32;
	[bflag:$0x2] =	sbarrier.arrive $0xFFFF  }
0x14d: {  	p0 =	sne.s32 s0, $0x0;
	s0 =	rddreg [dreg:$0x4]  }
0x14e: {  	s0 =	sadd.s32 @!p0 $0x100000, s0  }
0x14f: {  	[sflag:s0] =	ssyncadd.tile.s32 @!p0 $0x1;
	_ =	shalt  }
.Lfunc_end2:
_tile_overlayer_lowered:
.L_overlay_start_2:
0x150: {  	(tag) =	ssettag $0x2  }
0x151: {  	s0 =	rddreg [dreg:$0x0];
	s2 =	stileid.u32  }
0x152: {  	s1 =	rddreg [dreg:$0x1];
	p0 =	sne.s32 s2, $0x0  }
0x153: {  	s3 =	rddreg [dreg:$0x2];
	[bflag:$0x3] =	sbarrier.arrive $0xFFFF;
	s2 =	simm.s32 @!p0 $0x1C03  }
0x154: {  	[timem:s3], [sflag:s2] =	dma.local @!p0 [hbm:s0], s1  }
0x155: {  	s0 =	simm.s32 @!p0 $0x3  }
0x156: {  	_ =	swait.ge @!p0 [sflag:s0], s1  }
0x157: {  	s1 =	ssub.s32 @!p0 $0x0, s1;
	[sflag:s0] =	ssyncset.done @!p0 $0x0  }
0x158: {  	[sflag:s0] =	ssyncadd.s32 @!p0 s1  }
0x159: {  	[bflag:$0x3] =	sbarrier.arrive $0xFFFF  }
0x15a: {  	_ =	shalt  }

// kernel: kernel.7.cloned.1.call-start
scs
__scs_entry_jumppad:
0x0: {  	(pc) =	sbr.rel $0x88, $3  }
0x1: {  	(tag) =	ssettag $0x0;
	lr =	simm.s32 $0x1  }
0x2: {  	[smem:$0x3F9C] =	sst lr;
	_ =	strace $0xD0000000  }
0x3: {  	_ = 	snop  }
0x4: {  	_ = 	snop  }
0x5: {  	_ = 	snop  }
0x6: {  	_ = 	snop  }
0x7: {  	_ = 	snop  }
__scs_overlays_trampoline_lowered:
0x8: {  	[smem:$0x3FAB] =	sst s0  }
0x9: {  	[smem:$0x3FAC] =	sst s1  }
0xa: {  	[smem:$0x3FAD] =	sst s2  }
0xb: {  	[smem:$0x3FAE] =	sst s3  }
0xc: {  	[smem:$0x3FAF] =	sst s4  }
0xd: {  	[smem:$0x3FB0] =	sst s5  }
0xe: {  	[smem:$0x3FB1] =	sst s6  }
0xf: {  	[smem:$0x3FB2] =	sst s7  }
0x10: {  	[smem:$0x3FB3] =	sst s8  }
0x11: {  	[smem:$0x3FB4] =	sst s9;
	s0 =	simm.s32 @!p0 $0x0  }
0x12: {  	s1 =	sld [smem:$0x3F9A];
	s0 =	simm.s32 @p0 $0x1  }
0x13: {  	[smem:$0x3FB5] =	sst s0;
	s0 =	simm.s32 @!p1 $0x0  }
0x14: {  	s2 =	sld [smem:$0x3F99];
	s0 =	simm.s32 @p1 $0x1  }
0x15: {  	[smem:$0x3FB6] =	sst s0;
	s0 =	simm.s32 @!p2 $0x0  }
0x16: {  	s3 =	sld [smem:$0x3FDB];
	s0 =	simm.s32 @p2 $0x1  }
0x17: {  	s4 =	simm.s32 $0x1BF5;
	[smem:$0x3FB8] =	sst s0  }
0x18: {  	s0 =	sld [smem:$0x3F9B];
	_ =	swait.ge [sflag:s4], $0x0  }
0x19: {  	s7 =	sld [smem:$0x3F9C]  }
0x1a: {  	s8 =	sadd.s32 $0xFFFFE003, lr  }
0x1b: {  	s9 =	sadd.s32 $0xFFFFFEF7, lr;
	s5 =	simm.s32 $0xFFFFFFFF;
	p2 =	slt.u32 s8, $0xFFFFF086  }
0x1c: {  	p1 =	slt.u32 s9, $0xF7A;
	s5 =	simm.s32 @!p2 $0x0  }
0x1d: {  	s5 =	simm.s32 @p1 $0x1;
	p0 =	seq.s32 s7, s2  }
0x1e: {  	s7 =	smul.u32 @!p0 $0xF7A, s2;
	p2 =	seq.s32 @!p0 s5, $0x0  }
0x1f: {  	s9 =	smul.u32 $0xF7A, s1;
	s8 =	simm.s32 @!p0 $0x1BF5;
	p2 =	por !p2, p0  }
0x20: {  	[sflag:s8] =	ssyncset.s32 @!p0 $0xFFFFF086;
	s6 =	sadd.s32 @!p0 s3, s7;
	s7 =	simm.s32 @!p0 $0x108  }
0x21: {  	s3 =	sadd.s32 s3, s9;
	s6 =	sadd.s32 @!p0 $0x88, s6;
	s7 =	simm.s32 @p2 $0x1082  }
0x22: {  	[simem:s7], [sflag:s8] =	dma.local @!p0 [hbm:s6], $0xF7A  }
0x23: {  	s9 =	sor.u32 $0xD0000000, s2;
	s6 =	simm.s32 $0x108;
	_ =	swait.ge @!p0 [sflag:s8], $0x0  }
0x24: {  	s3 =	sadd.s32 $0x88, s3;
	s6 =	simm.s32 @!p1 $0x1082;
	[sflag:s4] =	ssyncset.s32 $0xFFFFF086  }
0x25: {  	[simem:s6], [sflag:s4] =	dma.local [hbm:s3], $0xF7A  }
0x26: {  	[smem:$0x3F9C] =	sst s1;
	(tag) =	ssettag s2;
	_ =	strace s9  }
0x27: {  	s1 =	sld [smem:$0x3FAC]  }
0x28: {  	s2 =	sld [smem:$0x3FAD]  }
0x29: {  	s4 =	sld [smem:$0x3FAF]  }
0x2a: {  	p0 =	seq.s32 s5, $0x0;
	s5 =	sld [smem:$0x3FB0]  }
0x2b: {  	s6 =	sld [smem:$0x3FB1]  }
0x2c: {  	s7 =	sld [smem:$0x3FB2]  }
0x2d: {  	s3 =	simm.s32 $0x108;
	s8 =	sld [smem:$0x3FB3]  }
0x2e: {  	s3 =	simm.s32 @!p0 $0x1082;
	s9 =	sld [smem:$0x3FB4]  }
0x2f: {  	lr =	sadd.s32 s0, s3;
	s0 =	sld [smem:$0x3FAB]  }
0x30: {  	s3 =	sld [smem:$0x3FAE]  }
0x31: {  	[smem:$0x3FB7] =	sst s10  }
0x32: {  	s10 =	sld [smem:$0x3FB5];
	_ =	sdelay $0x3  }
0x33: {  	p0 =	seq.s32 s10, $0x1;
	s10 =	sld [smem:$0x3FB7];
	_ =	sdelay $0x3  }
0x34: {  	[smem:$0x3FB7] =	sst s10  }
0x35: {  	s10 =	sld [smem:$0x3FB6];
	_ =	sdelay $0x3  }
0x36: {  	p1 =	seq.s32 s10, $0x1;
	s10 =	sld [smem:$0x3FB7];
	_ =	sdelay $0x3  }
0x37: {  	[smem:$0x3FB7] =	sst s10  }
0x38: {  	s10 =	sld [smem:$0x3FB8]  }
0x39: {  	_ = 	snop;
	(pc) =	sbr.ind lr, $3  }
0x3a: {  	_ = 	snop  }
0x3b: {  	_ = 	snop  }
0x3c: {  	p2 =	seq.s32 s10, $0x1;
	s10 =	sld [smem:$0x3FB7]  }
0x3d: {  	_ =	shalt  }
0x3e: {  	_ =	shalt  }
0x3f: {  	_ =	shalt  }
0x40: {  	_ =	shalt  }
0x41: {  	_ =	shalt  }
0x42: {  	_ =	shalt  }
0x43: {  	_ =	shalt  }
0x44: {  	_ =	shalt  }
0x45: {  	_ =	shalt  }
0x46: {  	_ =	shalt  }
0x47: {  	_ =	shalt  }
0x48: {  	_ =	shalt  }
0x49: {  	_ =	shalt  }
0x4a: {  	_ =	shalt  }
0x4b: {  	_ =	shalt  }
0x4c: {  	_ =	shalt  }
0x4d: {  	_ =	shalt  }
0x4e: {  	_ =	shalt  }
0x4f: {  	_ =	shalt  }
0x50: {  	_ =	shalt  }
0x51: {  	_ =	shalt  }
0x52: {  	_ =	shalt  }
0x53: {  	_ =	shalt  }
0x54: {  	_ =	shalt  }
0x55: {  	_ =	shalt  }
0x56: {  	_ =	shalt  }
0x57: {  	_ =	shalt  }
0x58: {  	_ =	shalt  }
0x59: {  	_ =	shalt  }
0x5a: {  	_ =	shalt  }
0x5b: {  	_ =	shalt  }
0x5c: {  	_ =	shalt  }
0x5d: {  	_ =	shalt  }
0x5e: {  	_ =	shalt  }
0x5f: {  	_ =	shalt  }
0x60: {  	_ =	shalt  }
0x61: {  	_ =	shalt  }
0x62: {  	_ =	shalt  }
0x63: {  	_ =	shalt  }
0x64: {  	_ =	shalt  }
0x65: {  	_ =	shalt  }
0x66: {  	_ =	shalt  }
0x67: {  	_ =	shalt  }
0x68: {  	_ =	shalt  }
0x69: {  	_ =	shalt  }
0x6a: {  	_ =	shalt  }
0x6b: {  	_ =	shalt  }
0x6c: {  	_ =	shalt  }
0x6d: {  	_ =	shalt  }
0x6e: {  	_ =	shalt  }
0x6f: {  	_ =	shalt  }
0x70: {  	_ =	shalt  }
0x71: {  	_ =	shalt  }
0x72: {  	_ =	shalt  }
0x73: {  	_ =	shalt  }
0x74: {  	_ =	shalt  }
0x75: {  	_ =	shalt  }
0x76: {  	_ =	shalt  }
0x77: {  	_ =	shalt  }
0x78: {  	_ =	shalt  }
0x79: {  	_ =	shalt  }
0x7a: {  	_ =	shalt  }
0x7b: {  	_ =	shalt  }
0x7c: {  	_ =	shalt  }
0x7d: {  	_ =	shalt  }
0x7e: {  	_ =	shalt  }
0x7f: {  	_ =	shalt  }
0x80: {  	_ =	shalt  }
0x81: {  	_ =	shalt  }
0x82: {  	_ =	shalt  }
0x83: {  	_ =	shalt  }
0x84: {  	_ =	shalt  }
0x85: {  	_ =	shalt  }
0x86: {  	_ =	shalt  }
0x87: {  	_ =	shalt  }
.Lfunc_end0:
.L_simem_size_0:
called_computation.1_lowered:
.L_overlay_start_0:
0x88: {  	s2 =	sld [smem:$0x3FD9]  }
0x89: {  	s3 =	sld [smem:$0x3FFE];
	_ =	sdelay $0x1  }
0x8a: {  	s1 =	srdreg.scid  }
0x8b: {  	s0 =	sand.u32 $0x1, s1  }
0x8c: {  	s17 =	sshll.u32 s0, $0xA;
	s2 =	sadd.s32 s3, s2  }
0x8d: {  	s2 =	sadd.s32 s2, s17  }
0x8e: {  	[smem:$0x3FC3] =	sst s2  }
0x8f: {  	_ = 	snop  }
0x90: {  	s2 =	sld [smem:$0x3FC9]  }
0x91: {  	s18 =	sld [smem:$0x3FD0];
	(tm) =	ssettm $0x1  }
0x92: {  	s4 =	sld [smem:$0x3FFB];
	_ =	sdelay $0x3  }
0x93: {  	_ =	strace s4  }
0x94: {  	s4 =	sld [smem:$0x3FFC];
	_ =	sdelay $0x3  }
0x95: {  	_ =	strace s4  }
0x96: {  	s4 =	sld [smem:$0x3FFD];
	_ =	sdelay $0x3  }
0x97: {  	_ =	strace s4  }
0x98: {  	_ =	strace $0x8FFFFFFF  }
0x99: {  	s19 =	sld [smem:$0x3FDB];
	_ =	sdelay $0x1  }
0x9a: {  	s5 =	simm.s32 $_scs_section_size  }
0x9b: {  	s6 =	simm.s32 $_size__tile_overlayer_lowered;
	s7 =	simm.s32 $_tile_overlayer_lowered  }
0x9c: {  	s22 =	simm.s32 $0x1BFF;
	s21 =	sshll.u32 s7, $0x1;
	s4 =	sadd.s32 s5, s19  }
0x9d: {  	s8 =	simm.s32 $0x0;
	s20 =	sshll.u32 s6, $0x1;
	s6 =	sadd.s32 s21, s4  }
0x9e: {  	[timem:s8], [sflag:s22] =	dma.local [hbm:s6], s20  }
0x9f: {  	_ =	swait.ge [sflag:s22], s20  }
0xa0: {  	s5 =	ssub.s32 $0x0, s20;
	[sflag:s22] =	ssyncset.done $0x0  }
0xa1: {  	[sflag:s22] =	ssyncadd.s32 s5;
	_ =	sdelay $0x1  }
0xa2: {  	s23 =	simm.s32 $0x1B8B  }
0xa3: {  	_ =	swait.ge [sflag:s23], $0x1  }
0xa4: {  	[sflag:s23] =	ssyncset.done $0x0  }
0xa5: {  	s25 =	simm.s32 $0x1B8E;
	s24 =	sld [smem:$0x3FFE];
	[sflag:s23] =	ssyncadd.s32 $0xFFFFFFFF  }
0xa6: {  	s26 =	simm.s32 $execute0_lowered;
	[smem:$0x3FD2] =	sst s25  }
0xa7: {  	s6 =	sshll.u32 s26, $0x1;
	_ =	strace $0x80000049;
	[dreg:$0x1] =	wrdreg $0xFFFFFFFF  }
0xa8: {  	s28 =	simm.s32 $_size_execute0_lowered;
	s4 =	sadd.s32 s4, s6;
	[dreg:$0x0] =	wrdreg $0x0  }
0xa9: {  	s6 =	sshll.u32 s28, $0x1;
	[dreg:$0x2] =	wrdreg s4  }
0xaa: {  	[dreg:$0x3] =	wrdreg s6  }
0xab: {  	[dreg:$0x4] =	wrdreg $0xC0  }
0xac: {  	_ =	task [dreg:s8], $0x5FFFF  }
0xad: {  	[dreg:$0x1] =	wrdreg $0xFFFFFFFF  }
0xae: {  	[dreg:$0x0] =	wrdreg $0x60  }
0xaf: {  	[dreg:$0x2] =	wrdreg s2  }
0xb0: {  	[dreg:$0x3] =	wrdreg s24  }
0xb1: {  	[dreg:$0x4] =	wrdreg s18  }
0xb2: {  	[dreg:$0x5] =	wrdreg $0x9  }
0xb3: {  	_ =	task.clear_ibuf [dreg:s8], $0x6FFFF;
	_ =	strace $0x90000049  }
0xb4: {  	s29 =	simm.s32 $0x9;
	_ =	strace $0x8000004B  }
0xb5: {  	_ =	swait.ge [sflag:s29], $0x1  }
0xb6: {  	[sflag:s29] =	ssyncadd.s32 $0xFFFFFFFF  }
0xb7: {  	_ =	strace $0x9000004B  }
0xb8: {  	_ =	sfence  }
0xb9: {  	s30 =	sld [smem:$0x0];
	_ =	sdelay $0x2  }
0xba: {  	s31 =	sshll.u32 s1, $0xD;
	s1 =	sshrl.u32 s1, $0x2  }
0xbb: {  	s3 =	sand.u32 $0x4000, s31;
	s1 =	sadd.s32 s1, s30  }
0xbc: {  	s0 =	sor.u32 s3, s0;
	s1 =	sshll.u32 s1, $0x11  }
0xbd: {  	s0 =	sor.u32 s1, s0  }
0xbe: {  	s0 =	sadd.s32 $0x8F2B, s0  }
0xbf: {  	[sflag:s0] =	ssyncadd.remote.s32 $0x1  }
0xc0: {  	_ =	sfence.sel $0xFFFF  }
0xc1: {  	[dreg:$0x0] =	wrdreg $0xFFFFFFFF;
	(pc) =	sbr.abs _section_cstart, $3  }
0xc2: {  	[dreg:$0x1] =	wrdreg $0xFFFFFFFF  }
0xc3: {  	_ =	task.clear_ibuf [dreg:s8], $0x2FFFF;
	_ =	strace $0x9FFFFFFF  }
0xc4: {  	(tm) =	ssettm $0x7FFFFFFF  }
0xc5: {  	_ =	shalt  }
tec
execute0_lowered:
.L_overlay_start_1:
0x0: {  	(tag) =	ssettag $0x1  }
0x1: {  	s3 =	rddreg [dreg:$0x0]  }
0x2: {  	s4 =	rddreg [dreg:$0x1]  }
0x3: {  	s9 =	rddreg [dreg:$0x2]  }
0x4: {  	s0 =	rddreg [dreg:$0x3];
	s2 =	simm.s32 $0x0;
	s5 =	srdreg.scid  }
0x5: {  	s1 =	stileid.u32;
	s13 =	simm.s32 $0x180;
	s14 =	simm.s32 $0x200  }
0x6: {  	s15 =	simm.s32 $0x1;
	s16 =	simm.s32 $0x8200;
	s17 =	simm.s32 $0xA200  }
0x7: {  	s18 =	simm.s32 $0xC200;
	s19 =	simm.s32 $0xE200;
	s20 =	simm.s32 $0x2  }
0x8: {  	s21 =	simm.s32 $0x3;
	s5 =	sand.u32 $0x1, s5;
	s6 =	sshll.u32 s1, $0x1  }
0x9: {  	s22 =	simm.s32 $0x0;
	[smem:$0x7FF] =	sst s2;
	s6 =	sor.u32 s5, s6  }
0xa: {  	_ =	strace $0x8000004A;
	s5 =	ssub.s32 $0x2, s5;
	s10 =	sshll.u32 s6, $0xC  }
0xb: {  	s6 =	sshll.u32 s6, $0x7;
	s7 =	sshrl.u32 s5, $0x1;
	s8 =	sadd.s32 s10, s4  }
0xc: {  	s11 =	sadd.s32 s6, s3;
	s3 =	sadd.s32 $0x22400, s4;
	s12 =	ssub.s32 s5, s7  }
0xd: {  	s9 =	sadd.s32 s9, s10;
	s4 =	sadd.s32 $0x10, s11;
	s5 =	sadd.s32 $0x30, s11  }
0xe: {  	s6 =	sadd.s32 $0x50, s11;
	s7 =	sadd.s32 $0x70, s11;
	s8 =	sadd.s32 $0x2400, s8  }
0xf: {  	s10 =	smax.u32 s12, $0x1;
	s11 =	simm.s32 $0x80;
	s12 =	simm.s32 $0x100  }
.LBB2_1:
0x10: {  	[tilespmem:s2], [sflag:$0x1] =	stream.linear.gather [hbm4b:s4+s2], $0x80, $0x38;
	[tilespmem:$0x10200] =	vst v63  }
0x11: {  	_ = 	snop  }
0x12: {  	[tilespmem:s11], [sflag:$0x1] =	stream.linear.gather [hbm4b:s5+s2], $0x80, $0x38;
	[tilespmem:$0x10200] =	vst v63  }
0x13: {  	_ = 	snop  }
0x14: {  	[tilespmem:s12], [sflag:$0x1] =	stream.linear.gather [hbm4b:s6+s2], $0x80, $0x38;
	[tilespmem:$0x10200] =	vst v63  }
0x15: {  	_ = 	snop  }
0x16: {  	[tilespmem:s13], [sflag:$0x1] =	stream.linear.gather [hbm4b:s7+s2], $0x80, $0x38;
	[tilespmem:$0x10200] =	vst v63  }
0x17: {  	_ = 	snop  }
0x18: {  	[tilespmem:s14], [sflag:$0x1] =	stream.linear.gather [hbm4b:s8+s2], $0x8000, $0x38;
	[tilespmem:$0x10200] =	vst v63  }
0x19: {  	_ =	swait.ge [sflag:s15], $0x80  }
0x1a: {  	[sflag:s15] =	ssyncset.done $0x0  }
0x1b: {  	[sflag:s15] =	ssyncadd.s32 $0xFFFFFF80  }
0x1c: {  	_ =	swait.ge [sflag:s15], $0x80  }
0x1d: {  	[sflag:s15] =	ssyncset.done $0x0  }
0x1e: {  	[sflag:s15] =	ssyncadd.s32 $0xFFFFFF80  }
0x1f: {  	_ =	swait.ge [sflag:s15], $0x80  }
0x20: {  	[sflag:s15] =	ssyncset.done $0x0  }
0x21: {  	[sflag:s15] =	ssyncadd.s32 $0xFFFFFF80  }
0x22: {  	_ =	swait.ge [sflag:s15], $0x80  }
0x23: {  	[sflag:s15] =	ssyncset.done $0x0  }
0x24: {  	[sflag:s15] =	ssyncadd.s32 $0xFFFFFF80  }
0x25: {  	[tilespmem:s16], [sflag:$0x2] =	stream.indirect.gather [hbm4b:s3+s11], $0x40, s2, s11, $0xb8;
	[tilespmem:$0x10200] =	vst v63  }
0x26: {  	_ = 	snop  }
0x27: {  	[tilespmem:s17], [sflag:$0x2] =	stream.indirect.gather [hbm4b:s3+s11], $0x40, s11, s11, $0xb8;
	[tilespmem:$0x10200] =	vst v63  }
0x28: {  	_ = 	snop  }
0x29: {  	[tilespmem:s18], [sflag:$0x2] =	stream.indirect.gather [hbm4b:s3+s11], $0x40, s12, s11, $0xb8;
	[tilespmem:$0x10200] =	vst v63  }
0x2a: {  	_ = 	snop  }
0x2b: {  	[tilespmem:s19], [sflag:$0x2] =	stream.indirect.gather [hbm4b:s3+s11], $0x40, s13, s11, $0xb8;
	[tilespmem:$0x10200] =	vst v63  }
0x2c: {  	_ =	swait.ge [sflag:s15], $0x8000  }
0x2d: {  	[sflag:s15] =	ssyncset.done $0x0  }
0x2e: {  	[sflag:s15] =	ssyncadd.s32 $0xFFFF8000  }
0x2f: {  	_ =	swait.ge [sflag:s20], $0x2000  }
0x30: {  	[sflag:s20] =	ssyncset.done $0x0  }
0x31: {  	[sflag:s20] =	ssyncadd.s32 $0xFFFFE000  }
0x32: {  	_ =	swait.ge [sflag:s20], $0x2000  }
0x33: {  	[sflag:s20] =	ssyncset.done $0x0  }
0x34: {  	[sflag:s20] =	ssyncadd.s32 $0xFFFFE000  }
0x35: {  	_ =	swait.ge [sflag:s20], $0x2000  }
0x36: {  	[sflag:s20] =	ssyncset.done $0x0  }
0x37: {  	[sflag:s20] =	ssyncadd.s32 $0xFFFFE000  }
0x38: {  	_ =	swait.ge [sflag:s20], $0x2000  }
0x39: {  	[sflag:s20] =	ssyncset.done $0x0  }
0x3a: {  	s23 =	simm.s32 $0x0;
	[sflag:s20] =	ssyncadd.s32 $0xFFFFE000  }
0x3b: {  	v5 =	vld [tilespmem:s23+$0x8200]  }
0x3c: {  	v6 =	vld [tilespmem:s23+$0x8210]  }
0x3d: {  	v1 =	vld [tilespmem:s23+$0x8220]  }
0x3e: {  	v0 =	vld [tilespmem:s23+$0x8230]  }
0x3f: {  	v2 =	vld [tilespmem:s23+$0x200]  }
0x40: {  	v4 =	vld [tilespmem:s23+$0x210]  }
0x41: {  	s24 =	simm.s32 $0x100;
	v3 =	vld [tilespmem:s23+$0x220]  }
.LBB2_2:
0x42: {  	s25 =	sshra.s32 s24, $0x2;
	p0 =	sne.s32 s24, $0x1FF00;
	v7 =	vld [tilespmem:s23+$0x230];
	v8 =	vmov v1  }
0x43: {  	v9 =	vld [tilespmem:s25+$0x8200];
	v10 =	vmov v0  }
0x44: {  	v11 =	vld [tilespmem:s25+$0x8210];
	v2 =	vadd.f32 v5, v2  }
.Ltmp0:
0x45: {  	v1 =	vld [tilespmem:s25+$0x8220];
	v4 =	vadd.f32 v6, v4;
	(pc) =	sbr.rel @p0 .LBB2_2-.Ltmp0, $4  }
0x46: {  	v0 =	vld [tilespmem:s25+$0x8230];
	[tilespmem:s23+$0x200] =	vst v2;
	v3 =	vadd.f32 v8, v3  }
0x47: {  	v2 =	vld [tilespmem:s25+$0x200];
	[tilespmem:s23+$0x210] =	vst v4;
	v7 =	vadd.f32 v10, v7  }
0x48: {  	v4 =	vld [tilespmem:s25+$0x210];
	[tilespmem:s23+$0x220] =	vst v3;
	v5 =	vmov v9  }
0x49: {  	s24 =	sadd.s32 $0x100, s24;
	v3 =	vld [tilespmem:s25+$0x220];
	[tilespmem:s23+$0x230] =	vst v7;
	v6 =	vmov v11;
	s23 =	smov.u32 s25  }
0x4a: {  	v7 =	vld [tilespmem:s23+$0x230];
	_ =	sdelay $0x1  }
0x4b: {  	v2 =	vadd.f32 v5, v2  }
0x4c: {  	v4 =	vadd.f32 v6, v4  }
0x4d: {  	[tilespmem:s23+$0x200] =	vst v2;
	v1 =	vadd.f32 v1, v3  }
0x4e: {  	s22 =	sadd.s32 $0x1, s22;
	[tilespmem:s23+$0x210] =	vst v4;
	v0 =	vadd.f32 v0, v7  }
0x4f: {  	p0 =	sne.s32 s22, s10;
	[tilespmem:s23+$0x220] =	vst v1  }
.Ltmp1:
0x50: {  	[tilespmem:s23+$0x230] =	vst v0;
	(pc) =	sbr.rel @p0 .LBB2_1-.Ltmp1, $4  }
0x51: {  	[hbm4b:s9+s2] =	stream.linear.scatter [tilespmem:s14], [sflag:$0x3], $0x8000, $0x38;
	[tilespmem:$0x10200] =	vst v63  }
0x52: {  	_ =	swait.ge [sflag:s21], $0x8000  }
0x53: {  	[sflag:s21] =	ssyncset.done $0x0  }
0x54: {  	[sflag:s21] =	ssyncadd.s32 $0xFFFF8000  }
0x55: {  	_ =	sfence.sel $0x180000  }
0x56: {  	[bflag:$0x0] =	sbarrier.arrive $0xFFFF  }
0x57: {  	p0 =	sne.s32 s1, $0x0;
	_ =	strace $0x9000004A  }
0x58: {  	s0 =	sadd.s32 @!p0 $0x100000, s0;
	[bflag:$0x2] =	sbarrier.arrive $0xFFFF  }
0x59: {  	[sflag:s0] =	ssyncadd.tile.s32 @!p0 $0x1;
	_ =	shalt  }
.Lfunc_end2:
_tile_overlayer_lowered:
.L_overlay_start_2:
0x5a: {  	(tag) =	ssettag $0x2  }
0x5b: {  	s0 =	rddreg [dreg:$0x0];
	s2 =	stileid.u32  }
0x5c: {  	s1 =	rddreg [dreg:$0x1];
	p0 =	sne.s32 s2, $0x0  }
0x5d: {  	s3 =	rddreg [dreg:$0x2];
	[bflag:$0x3] =	sbarrier.arrive $0xFFFF;
	s2 =	simm.s32 @!p0 $0x1C03  }
0x5e: {  	[timem:s3], [sflag:s2] =	dma.local @!p0 [hbm:s0], s1  }
0x5f: {  	s0 =	simm.s32 @!p0 $0x3  }
0x60: {  	_ =	swait.ge @!p0 [sflag:s0], s1  }
0x61: {  	s1 =	ssub.s32 @!p0 $0x0, s1;
	[sflag:s0] =	ssyncset.done @!p0 $0x0  }
0x62: {  	[sflag:s0] =	ssyncadd.s32 @!p0 s1  }
0x63: {  	[bflag:$0x3] =	sbarrier.arrive $0xFFFF  }
0x64: {  	_ =	shalt  }

</sc_bundles>
